<compile_context>
chip_gen: v7x
topology: tpu7x:2x2x1
jax: 0.10.2.dev20260603
libtpu: 0.0.44.dev20260713+nightly
codegen_flags: <defaults>
</compile_context>

<pallas_src>
import functools

import jax
import jax.numpy as jnp
from jax import lax
from jax.experimental import pallas as pl
from jax.experimental.pallas import tpu as pltpu
from jax.experimental.pallas import tpu_sc as plsc

BATCH = 16384
HIST = 50
DIM = 32
NUM_WORKERS = 32
BW = BATCH // NUM_WORKERS
LANES = 16

_mesh = plsc.VectorSubcoreMesh(core_axis_name="c", subcore_axis_name="s")


@functools.partial(
    pl.kernel,
    mesh=_mesh,
    out_type=jax.ShapeDtypeStruct((HIST, 4, 8 * BATCH), jnp.float32),
    scratch_types=[
        pltpu.VMEM((2, BW), jnp.int32),
        pltpu.VMEM((2, 4, 128, DIM), jnp.float32),
        pltpu.VMEM((2, 4 * 4096), jnp.float32),
        pltpu.SemaphoreType.DMA,
        pltpu.SemaphoreType.DMA,
        pltpu.SemaphoreType.DMA,
        pltpu.SemaphoreType.DMA,
    ],
    compiler_params=pltpu.CompilerParams(
        use_tc_tiling_on_sc=False,
        needs_layout_passes=False,
        disable_bounds_checks=True,
    ),
)
def _sc_gather(xt_hbm, table_hbm, out_hbm, idx_v, rows_v, tile_v, g0, g1, w0, w1):
    gsem = (g0, g1)
    wsem = (w0, w1)
    wid = lax.axis_index("s") * 2 + lax.axis_index("c")
    b0 = wid * BW

    lane = lax.iota(jnp.int32, LANES)
    perm0 = ((lane >> 3) << 12) + ((lane & 7) << 7)
    perm1 = perm0 + 8192

    def load_and_fire(h, b):
        pltpu.sync_copy(xt_hbm.at[h, pl.ds(b0, BW)], idx_v.at[b])
        for cc in range(4):
            pltpu.async_copy(
                table_hbm.at[idx_v.at[b, pl.ds(cc * 128, 128)]],
                rows_v.at[b, cc],
                gsem[b],
            )

    def wait_gather(b):
        for cc in range(4):
            pltpu.make_async_copy(
                table_hbm.at[pl.ds(0, 128)], rows_v.at[b, cc], gsem[b]
            ).wait()

    def wait_writeback(b):
        for r in range(4):
            pltpu.make_async_copy(
                out_hbm.at[0, 0, pl.ds(0, 4096)],
                tile_v.at[b, pl.ds(r * 4096, 4096)],
                wsem[b],
            ).wait()

    load_and_fire(0, 0)
    load_and_fire(1, 1)

    def pair_body(g, carry):
        for b in range(2):
            h = 2 * g + b
            wait_gather(b)

            @pl.when(g >= 1)
            def _():
                wait_writeback(b)

            def bc_body(it, carry2):
                for k in range(4):
                    bc = 4 * it + k
                    for cc in range(4):
                        base = cc * 1024 + bc
                        v0 = rows_v[b, cc, bc, pl.ds(0, LANES)]
                        v1 = rows_v[b, cc, bc, pl.ds(LANES, LANES)]
                        plsc.store_scatter(tile_v.at[b], [perm0 + base], v0)
                        plsc.store_scatter(tile_v.at[b], [perm1 + base], v1)
                return carry2

            lax.fori_loop(0, 32, bc_body, 0)

            for r in range(4):
                pltpu.async_copy(
                    tile_v.at[b, pl.ds(r * 4096, 4096)],
                    out_hbm.at[h, r, pl.ds(wid * 4096, 4096)],
                    wsem[b],
                )

            @pl.when(h + 2 < HIST)
            def _():
                load_and_fire(h + 2, b)

        return carry

    lax.fori_loop(0, HIST // 2, pair_body, 0)
    wait_writeback(0)
    wait_writeback(1)


def kernel(x, table):
    xt = x.T.astype(jnp.int32)
    out6 = _sc_gather(xt, table).reshape(HIST, 4, 128, 8, 128)
    return out6.transpose(2, 4, 0, 1, 3).reshape(BATCH, HIST, DIM)

# --- scband reference (transcript-rebuilt; emitter-appended) ---
"""Pipeline reference for scband-embed-module-9895604650396 (READ-ONLY COPY).

The authoritative reference and input builder live on the scoring server;
editing this copy changes nothing except your own understanding.
"""

import jax, jax.numpy as jnp
import numpy as np

NUM_EMBEDDINGS = 1000000
EMBEDDING_DIM = 32
BATCH = 16384
HIST = 50


def setup_inputs(seed: int = 0) -> dict:
    key = jax.random.key(seed)
    k_idx, k_tab = jax.random.split(key)
    x = jax.random.randint(k_idx, (BATCH, HIST), 0, NUM_EMBEDDINGS, dtype=jnp.int64 if jax.config.jax_enable_x64 else jnp.int32)
    table = jax.random.normal(k_tab, (NUM_EMBEDDINGS, EMBEDDING_DIM), dtype=jnp.float32) * 0.02
    return {"x": x, "table": table}


def reference(x, table):
    # nnx.Embed lookup: gather rows of the embedding table
    return jnp.take(table, x, axis=0)

if __name__ == "__main__":
    import jax
    _d = setup_inputs()
    print(jax.jit(kernel)(*tuple(_d.values())))

</pallas_src>

<mosaic_0001>
#map = affine_map<(d0, d1) -> (0, 0)>
#map1 = affine_map<(d0, d1) -> (0, 0, 0)>
module attributes {stable_mosaic.version = 14 : i64} {
  func.func @_sc_gather(%arg0: i32, %arg1: i32, %arg2: memref<50x16384xi32, #tpu.memory_space<hbm>>, %arg3: memref<1000000x32xf32, #tpu.memory_space<hbm>>, %arg4: memref<50x4x131072xf32, #tpu.memory_space<hbm>>, %arg5: memref<2x512xi32, #tpu.memory_space<vmem>>, %arg6: memref<2x4x128x32xf32, #tpu.memory_space<vmem>>, %arg7: memref<2x16384xf32, #tpu.memory_space<vmem>>, %arg8: memref<!tpu.dma_semaphore, #tpu.memory_space<semaphore_mem>>, %arg9: memref<!tpu.dma_semaphore, #tpu.memory_space<semaphore_mem>>, %arg10: memref<!tpu.dma_semaphore, #tpu.memory_space<semaphore_mem>>, %arg11: memref<!tpu.dma_semaphore, #tpu.memory_space<semaphore_mem>>) attributes {dimension_semantics = [#tpu.dimension_semantics<core_parallel>, #tpu.dimension_semantics<subcore_parallel>], iteration_bounds = array<i64: 2, 16>, scalar_prefetch = 0 : i64, scratch_operands = 7 : i64, tpu.core_type = #tpu.core_type<sc_vector_subcore>, window_params = [{transform_indices = #map}, {transform_indices = #map}, {transform_indices = #map1}]} {
    %mul3A = arith.constant 2 : i32
    %mul3A_0 = arith.muli %arg1, %mul3A : i32
    %add3A = arith.addi %mul3A_0, %arg0 : i32
    %mul3A_1 = arith.constant 512 : i32
    %mul3A_2 = arith.muli %add3A, %mul3A_1 : i32
    %iota3A = tpu.iota {dimensions = array<i32: 0>} : vector<16xi32>
    %shift_right_arithmetic3A = arith.constant 3 : i32
    %shift_right_arithmetic3A_3 = vector.broadcast %shift_right_arithmetic3A : i32 to vector<16xi32>
    %shift_right_arithmetic3A_4 = arith.shrsi %iota3A, %shift_right_arithmetic3A_3 : vector<16xi32>
    %shift_left3A = arith.constant 12 : i32
    %shift_left3A_5 = vector.broadcast %shift_left3A : i32 to vector<16xi32>
    %shift_left3A_6 = arith.shli %shift_right_arithmetic3A_4, %shift_left3A_5 : vector<16xi32>
    %and3A = arith.constant 7 : i32
    %and3A_7 = vector.broadcast %and3A : i32 to vector<16xi32>
    %and3A_8 = arith.andi %iota3A, %and3A_7 : vector<16xi32>
    %shift_left3A_9 = arith.constant 7 : i32
    %shift_left3A_10 = vector.broadcast %shift_left3A_9 : i32 to vector<16xi32>
    %shift_left3A_11 = arith.shli %and3A_8, %shift_left3A_10 : vector<16xi32>
    %add3A_12 = arith.addi %shift_left3A_6, %shift_left3A_11 : vector<16xi32>
    %add3A_13 = arith.constant 8192 : i32
    %add3A_14 = vector.broadcast %add3A_13 : i32 to vector<16xi32>
    %add3A_15 = arith.addi %add3A_12, %add3A_14 : vector<16xi32>
    %run_scoped3A = arith.constant 0 : i32
    %run_scoped3A_16 = arith.constant 0 : i32
    "tpu.region"() ({
      %run_scoped3A_246 = tpu.sem_alloc : memref<!tpu.dma_semaphore, #tpu.memory_space<semaphore_mem>>
      %dma_start3A_247 = arith.constant 0 : i32
      %dma_start3A_248 = tpu.memref_slice %arg5[%run_scoped3A_16, %dma_start3A_247] : memref<2x512xi32, #tpu.memory_space<vmem>> -> memref<1x512xi32, #tpu.memory_space<vmem>>
      %dma_start3A_249 = tpu.memref_squeeze %dma_start3A_248 : memref<1x512xi32, #tpu.memory_space<vmem>> -> memref<512xi32, #tpu.memory_space<vmem>>
      %dma_start3A_250 = tpu.memref_slice %arg2[%run_scoped3A, %mul3A_2] : memref<50x16384xi32, #tpu.memory_space<hbm>> -> memref<1x512xi32, #tpu.memory_space<hbm>>
      %dma_start3A_251 = tpu.memref_squeeze %dma_start3A_250 : memref<1x512xi32, #tpu.memory_space<hbm>> -> memref<512xi32, #tpu.memory_space<hbm>>
      %dma_start3A_252 = arith.constant 0 : i32
      %dma_start3A_253 = tpu.memref_slice %arg5[%run_scoped3A_16, %dma_start3A_252] : memref<2x512xi32, #tpu.memory_space<vmem>> -> memref<1x512xi32, #tpu.memory_space<vmem>>
      %dma_start3A_254 = tpu.memref_squeeze %dma_start3A_253 : memref<1x512xi32, #tpu.memory_space<vmem>> -> memref<512xi32, #tpu.memory_space<vmem>>
      %dma_start3A_255 = tpu.memref_slice %arg2[%run_scoped3A, %mul3A_2] : memref<50x16384xi32, #tpu.memory_space<hbm>> -> memref<1x512xi32, #tpu.memory_space<hbm>>
      %dma_start3A_256 = tpu.memref_squeeze %dma_start3A_255 : memref<1x512xi32, #tpu.memory_space<hbm>> -> memref<512xi32, #tpu.memory_space<hbm>>
      tpu.enqueue_dma source(%dma_start3A_256 : memref<512xi32, #tpu.memory_space<hbm>>) target(%dma_start3A_254 : memref<512xi32, #tpu.memory_space<vmem>>) target_semaphore(%run_scoped3A_246 : memref<!tpu.dma_semaphore, #tpu.memory_space<semaphore_mem>>)
      %dma_wait3A_257 = arith.constant 0 : i32
      %dma_wait3A_258 = tpu.memref_slice %arg5[%run_scoped3A_16, %dma_wait3A_257] : memref<2x512xi32, #tpu.memory_space<vmem>> -> memref<1x512xi32, #tpu.memory_space<vmem>>
      %dma_wait3A_259 = tpu.memref_squeeze %dma_wait3A_258 : memref<1x512xi32, #tpu.memory_space<vmem>> -> memref<512xi32, #tpu.memory_space<vmem>>
      %dma_wait3A_260 = tpu.memref_slice %arg2[%run_scoped3A, %mul3A_2] : memref<50x16384xi32, #tpu.memory_space<hbm>> -> memref<1x512xi32, #tpu.memory_space<hbm>>
      %dma_wait3A_261 = tpu.memref_squeeze %dma_wait3A_260 : memref<1x512xi32, #tpu.memory_space<hbm>> -> memref<512xi32, #tpu.memory_space<hbm>>
      %dma_wait3A_262 = arith.constant 0 : i32
      %dma_wait3A_263 = tpu.memref_slice %arg5[%run_scoped3A_16, %dma_wait3A_262] : memref<2x512xi32, #tpu.memory_space<vmem>> -> memref<1x512xi32, #tpu.memory_space<vmem>>
      %dma_wait3A_264 = tpu.memref_squeeze %dma_wait3A_263 : memref<1x512xi32, #tpu.memory_space<vmem>> -> memref<512xi32, #tpu.memory_space<vmem>>
      %dma_wait3A_265 = tpu.memref_slice %arg2[%run_scoped3A, %mul3A_2] : memref<50x16384xi32, #tpu.memory_space<hbm>> -> memref<1x512xi32, #tpu.memory_space<hbm>>
      %dma_wait3A_266 = tpu.memref_squeeze %dma_wait3A_265 : memref<1x512xi32, #tpu.memory_space<hbm>> -> memref<512xi32, #tpu.memory_space<hbm>>
      tpu.wait_dma2 semaphore(%run_scoped3A_246 : memref<!tpu.dma_semaphore, #tpu.memory_space<semaphore_mem>>) src(%dma_wait3A_266 : memref<512xi32, #tpu.memory_space<hbm>>) dst(%dma_wait3A_264 : memref<512xi32, #tpu.memory_space<vmem>>)
      tpu.yield
    }) : () -> ()
    %dma_start3A = arith.constant 0 : i32
    %dma_start3A_17 = arith.constant 0 : i32
    %dma_start3A_18 = arith.constant 0 : i32
    %dma_start3A_19 = arith.constant 0 : i32
    %dma_start3A_20 = arith.constant 0 : i32
    %dma_start3A_21 = tpu.memref_slice %arg6[%dma_start3A_17, %dma_start3A_18, %dma_start3A_19, %dma_start3A_20] : memref<2x4x128x32xf32, #tpu.memory_space<vmem>> -> memref<1x1x128x32xf32, #tpu.memory_space<vmem>>
    %dma_start3A_22 = tpu.memref_squeeze %dma_start3A_21 : memref<1x1x128x32xf32, #tpu.memory_space<vmem>> -> memref<128x32xf32, #tpu.memory_space<vmem>>
    %dma_start3A_23 = arith.constant 0 : i32
    %dma_start3A_24 = tpu.memref_slice %arg5[%dma_start3A, %dma_start3A_23] : memref<2x512xi32, #tpu.memory_space<vmem>> -> memref<1x128xi32, #tpu.memory_space<vmem>>
    %dma_start3A_25 = tpu.memref_squeeze %dma_start3A_24 : memref<1x128xi32, #tpu.memory_space<vmem>> -> memref<128xi32, #tpu.memory_space<vmem>>
    %dma_start3A_26 = arith.constant 0 : i32
    %dma_start3A_27 = arith.constant 0 : i32
    %dma_start3A_28 = tpu.memref_slice %arg3[%dma_start3A_26, %dma_start3A_27] : memref<1000000x32xf32, #tpu.memory_space<hbm>> -> memref<1000000x32xf32, #tpu.memory_space<hbm>>
    tpu.enqueue_indirect_dma source(%dma_start3A_28 : memref<1000000x32xf32, #tpu.memory_space<hbm>>) target(%dma_start3A_22 : memref<128x32xf32, #tpu.memory_space<vmem>>) offsets(%dma_start3A_25 : memref<128xi32, #tpu.memory_space<vmem>>) semaphore(%arg8 : memref<!tpu.dma_semaphore, #tpu.memory_space<semaphore_mem>>)
    %dma_start3A_29 = arith.constant 0 : i32
    %dma_start3A_30 = arith.constant 0 : i32
    %dma_start3A_31 = arith.constant 1 : i32
    %dma_start3A_32 = arith.constant 0 : i32
    %dma_start3A_33 = arith.constant 0 : i32
    %dma_start3A_34 = tpu.memref_slice %arg6[%dma_start3A_30, %dma_start3A_31, %dma_start3A_32, %dma_start3A_33] : memref<2x4x128x32xf32, #tpu.memory_space<vmem>> -> memref<1x1x128x32xf32, #tpu.memory_space<vmem>>
    %dma_start3A_35 = tpu.memref_squeeze %dma_start3A_34 : memref<1x1x128x32xf32, #tpu.memory_space<vmem>> -> memref<128x32xf32, #tpu.memory_space<vmem>>
    %dma_start3A_36 = arith.constant 128 : i32
    %dma_start3A_37 = tpu.memref_slice %arg5[%dma_start3A_29, %dma_start3A_36] : memref<2x512xi32, #tpu.memory_space<vmem>> -> memref<1x128xi32, #tpu.memory_space<vmem>>
    %dma_start3A_38 = tpu.memref_squeeze %dma_start3A_37 : memref<1x128xi32, #tpu.memory_space<vmem>> -> memref<128xi32, #tpu.memory_space<vmem>>
    %dma_start3A_39 = arith.constant 0 : i32
    %dma_start3A_40 = arith.constant 0 : i32
    %dma_start3A_41 = tpu.memref_slice %arg3[%dma_start3A_39, %dma_start3A_40] : memref<1000000x32xf32, #tpu.memory_space<hbm>> -> memref<1000000x32xf32, #tpu.memory_space<hbm>>
    tpu.enqueue_indirect_dma source(%dma_start3A_41 : memref<1000000x32xf32, #tpu.memory_space<hbm>>) target(%dma_start3A_35 : memref<128x32xf32, #tpu.memory_space<vmem>>) offsets(%dma_start3A_38 : memref<128xi32, #tpu.memory_space<vmem>>) semaphore(%arg8 : memref<!tpu.dma_semaphore, #tpu.memory_space<semaphore_mem>>)
    %dma_start3A_42 = arith.constant 0 : i32
    %dma_start3A_43 = arith.constant 0 : i32
    %dma_start3A_44 = arith.constant 2 : i32
    %dma_start3A_45 = arith.constant 0 : i32
    %dma_start3A_46 = arith.constant 0 : i32
    %dma_start3A_47 = tpu.memref_slice %arg6[%dma_start3A_43, %dma_start3A_44, %dma_start3A_45, %dma_start3A_46] : memref<2x4x128x32xf32, #tpu.memory_space<vmem>> -> memref<1x1x128x32xf32, #tpu.memory_space<vmem>>
    %dma_start3A_48 = tpu.memref_squeeze %dma_start3A_47 : memref<1x1x128x32xf32, #tpu.memory_space<vmem>> -> memref<128x32xf32, #tpu.memory_space<vmem>>
    %dma_start3A_49 = arith.constant 256 : i32
    %dma_start3A_50 = tpu.memref_slice %arg5[%dma_start3A_42, %dma_start3A_49] : memref<2x512xi32, #tpu.memory_space<vmem>> -> memref<1x128xi32, #tpu.memory_space<vmem>>
    %dma_start3A_51 = tpu.memref_squeeze %dma_start3A_50 : memref<1x128xi32, #tpu.memory_space<vmem>> -> memref<128xi32, #tpu.memory_space<vmem>>
    %dma_start3A_52 = arith.constant 0 : i32
    %dma_start3A_53 = arith.constant 0 : i32
    %dma_start3A_54 = tpu.memref_slice %arg3[%dma_start3A_52, %dma_start3A_53] : memref<1000000x32xf32, #tpu.memory_space<hbm>> -> memref<1000000x32xf32, #tpu.memory_space<hbm>>
    tpu.enqueue_indirect_dma source(%dma_start3A_54 : memref<1000000x32xf32, #tpu.memory_space<hbm>>) target(%dma_start3A_48 : memref<128x32xf32, #tpu.memory_space<vmem>>) offsets(%dma_start3A_51 : memref<128xi32, #tpu.memory_space<vmem>>) semaphore(%arg8 : memref<!tpu.dma_semaphore, #tpu.memory_space<semaphore_mem>>)
    %dma_start3A_55 = arith.constant 0 : i32
    %dma_start3A_56 = arith.constant 0 : i32
    %dma_start3A_57 = arith.constant 3 : i32
    %dma_start3A_58 = arith.constant 0 : i32
    %dma_start3A_59 = arith.constant 0 : i32
    %dma_start3A_60 = tpu.memref_slice %arg6[%dma_start3A_56, %dma_start3A_57, %dma_start3A_58, %dma_start3A_59] : memref<2x4x128x32xf32, #tpu.memory_space<vmem>> -> memref<1x1x128x32xf32, #tpu.memory_space<vmem>>
    %dma_start3A_61 = tpu.memref_squeeze %dma_start3A_60 : memref<1x1x128x32xf32, #tpu.memory_space<vmem>> -> memref<128x32xf32, #tpu.memory_space<vmem>>
    %dma_start3A_62 = arith.constant 384 : i32
    %dma_start3A_63 = tpu.memref_slice %arg5[%dma_start3A_55, %dma_start3A_62] : memref<2x512xi32, #tpu.memory_space<vmem>> -> memref<1x128xi32, #tpu.memory_space<vmem>>
    %dma_start3A_64 = tpu.memref_squeeze %dma_start3A_63 : memref<1x128xi32, #tpu.memory_space<vmem>> -> memref<128xi32, #tpu.memory_space<vmem>>
    %dma_start3A_65 = arith.constant 0 : i32
    %dma_start3A_66 = arith.constant 0 : i32
    %dma_start3A_67 = tpu.memref_slice %arg3[%dma_start3A_65, %dma_start3A_66] : memref<1000000x32xf32, #tpu.memory_space<hbm>> -> memref<1000000x32xf32, #tpu.memory_space<hbm>>
    tpu.enqueue_indirect_dma source(%dma_start3A_67 : memref<1000000x32xf32, #tpu.memory_space<hbm>>) target(%dma_start3A_61 : memref<128x32xf32, #tpu.memory_space<vmem>>) offsets(%dma_start3A_64 : memref<128xi32, #tpu.memory_space<vmem>>) semaphore(%arg8 : memref<!tpu.dma_semaphore, #tpu.memory_space<semaphore_mem>>)
    %run_scoped3A_68 = arith.constant 1 : i32
    %run_scoped3A_69 = arith.constant 1 : i32
    "tpu.region"() ({
      %run_scoped3A_246 = tpu.sem_alloc : memref<!tpu.dma_semaphore, #tpu.memory_space<semaphore_mem>>
      %dma_start3A_247 = arith.constant 0 : i32
      %dma_start3A_248 = tpu.memref_slice %arg5[%run_scoped3A_69, %dma_start3A_247] : memref<2x512xi32, #tpu.memory_space<vmem>> -> memref<1x512xi32, #tpu.memory_space<vmem>>
      %dma_start3A_249 = tpu.memref_squeeze %dma_start3A_248 : memref<1x512xi32, #tpu.memory_space<vmem>> -> memref<512xi32, #tpu.memory_space<vmem>>
      %dma_start3A_250 = tpu.memref_slice %arg2[%run_scoped3A_68, %mul3A_2] : memref<50x16384xi32, #tpu.memory_space<hbm>> -> memref<1x512xi32, #tpu.memory_space<hbm>>
      %dma_start3A_251 = tpu.memref_squeeze %dma_start3A_250 : memref<1x512xi32, #tpu.memory_space<hbm>> -> memref<512xi32, #tpu.memory_space<hbm>>
      %dma_start3A_252 = arith.constant 0 : i32
      %dma_start3A_253 = tpu.memref_slice %arg5[%run_scoped3A_69, %dma_start3A_252] : memref<2x512xi32, #tpu.memory_space<vmem>> -> memref<1x512xi32, #tpu.memory_space<vmem>>
      %dma_start3A_254 = tpu.memref_squeeze %dma_start3A_253 : memref<1x512xi32, #tpu.memory_space<vmem>> -> memref<512xi32, #tpu.memory_space<vmem>>
      %dma_start3A_255 = tpu.memref_slice %arg2[%run_scoped3A_68, %mul3A_2] : memref<50x16384xi32, #tpu.memory_space<hbm>> -> memref<1x512xi32, #tpu.memory_space<hbm>>
      %dma_start3A_256 = tpu.memref_squeeze %dma_start3A_255 : memref<1x512xi32, #tpu.memory_space<hbm>> -> memref<512xi32, #tpu.memory_space<hbm>>
      tpu.enqueue_dma source(%dma_start3A_256 : memref<512xi32, #tpu.memory_space<hbm>>) target(%dma_start3A_254 : memref<512xi32, #tpu.memory_space<vmem>>) target_semaphore(%run_scoped3A_246 : memref<!tpu.dma_semaphore, #tpu.memory_space<semaphore_mem>>)
      %dma_wait3A_257 = arith.constant 0 : i32
      %dma_wait3A_258 = tpu.memref_slice %arg5[%run_scoped3A_69, %dma_wait3A_257] : memref<2x512xi32, #tpu.memory_space<vmem>> -> memref<1x512xi32, #tpu.memory_space<vmem>>
      %dma_wait3A_259 = tpu.memref_squeeze %dma_wait3A_258 : memref<1x512xi32, #tpu.memory_space<vmem>> -> memref<512xi32, #tpu.memory_space<vmem>>
      %dma_wait3A_260 = tpu.memref_slice %arg2[%run_scoped3A_68, %mul3A_2] : memref<50x16384xi32, #tpu.memory_space<hbm>> -> memref<1x512xi32, #tpu.memory_space<hbm>>
      %dma_wait3A_261 = tpu.memref_squeeze %dma_wait3A_260 : memref<1x512xi32, #tpu.memory_space<hbm>> -> memref<512xi32, #tpu.memory_space<hbm>>
      %dma_wait3A_262 = arith.constant 0 : i32
      %dma_wait3A_263 = tpu.memref_slice %arg5[%run_scoped3A_69, %dma_wait3A_262] : memref<2x512xi32, #tpu.memory_space<vmem>> -> memref<1x512xi32, #tpu.memory_space<vmem>>
      %dma_wait3A_264 = tpu.memref_squeeze %dma_wait3A_263 : memref<1x512xi32, #tpu.memory_space<vmem>> -> memref<512xi32, #tpu.memory_space<vmem>>
      %dma_wait3A_265 = tpu.memref_slice %arg2[%run_scoped3A_68, %mul3A_2] : memref<50x16384xi32, #tpu.memory_space<hbm>> -> memref<1x512xi32, #tpu.memory_space<hbm>>
      %dma_wait3A_266 = tpu.memref_squeeze %dma_wait3A_265 : memref<1x512xi32, #tpu.memory_space<hbm>> -> memref<512xi32, #tpu.memory_space<hbm>>
      tpu.wait_dma2 semaphore(%run_scoped3A_246 : memref<!tpu.dma_semaphore, #tpu.memory_space<semaphore_mem>>) src(%dma_wait3A_266 : memref<512xi32, #tpu.memory_space<hbm>>) dst(%dma_wait3A_264 : memref<512xi32, #tpu.memory_space<vmem>>)
      tpu.yield
    }) : () -> ()
    %dma_start3A_70 = arith.constant 1 : i32
    %dma_start3A_71 = arith.constant 1 : i32
    %dma_start3A_72 = arith.constant 0 : i32
    %dma_start3A_73 = arith.constant 0 : i32
    %dma_start3A_74 = arith.constant 0 : i32
    %dma_start3A_75 = tpu.memref_slice %arg6[%dma_start3A_71, %dma_start3A_72, %dma_start3A_73, %dma_start3A_74] : memref<2x4x128x32xf32, #tpu.memory_space<vmem>> -> memref<1x1x128x32xf32, #tpu.memory_space<vmem>>
    %dma_start3A_76 = tpu.memref_squeeze %dma_start3A_75 : memref<1x1x128x32xf32, #tpu.memory_space<vmem>> -> memref<128x32xf32, #tpu.memory_space<vmem>>
    %dma_start3A_77 = arith.constant 0 : i32
    %dma_start3A_78 = tpu.memref_slice %arg5[%dma_start3A_70, %dma_start3A_77] : memref<2x512xi32, #tpu.memory_space<vmem>> -> memref<1x128xi32, #tpu.memory_space<vmem>>
    %dma_start3A_79 = tpu.memref_squeeze %dma_start3A_78 : memref<1x128xi32, #tpu.memory_space<vmem>> -> memref<128xi32, #tpu.memory_space<vmem>>
    %dma_start3A_80 = arith.constant 0 : i32
    %dma_start3A_81 = arith.constant 0 : i32
    %dma_start3A_82 = tpu.memref_slice %arg3[%dma_start3A_80, %dma_start3A_81] : memref<1000000x32xf32, #tpu.memory_space<hbm>> -> memref<1000000x32xf32, #tpu.memory_space<hbm>>
    tpu.enqueue_indirect_dma source(%dma_start3A_82 : memref<1000000x32xf32, #tpu.memory_space<hbm>>) target(%dma_start3A_76 : memref<128x32xf32, #tpu.memory_space<vmem>>) offsets(%dma_start3A_79 : memref<128xi32, #tpu.memory_space<vmem>>) semaphore(%arg9 : memref<!tpu.dma_semaphore, #tpu.memory_space<semaphore_mem>>)
    %dma_start3A_83 = arith.constant 1 : i32
    %dma_start3A_84 = arith.constant 1 : i32
    %dma_start3A_85 = arith.constant 1 : i32
    %dma_start3A_86 = arith.constant 0 : i32
    %dma_start3A_87 = arith.constant 0 : i32
    %dma_start3A_88 = tpu.memref_slice %arg6[%dma_start3A_84, %dma_start3A_85, %dma_start3A_86, %dma_start3A_87] : memref<2x4x128x32xf32, #tpu.memory_space<vmem>> -> memref<1x1x128x32xf32, #tpu.memory_space<vmem>>
    %dma_start3A_89 = tpu.memref_squeeze %dma_start3A_88 : memref<1x1x128x32xf32, #tpu.memory_space<vmem>> -> memref<128x32xf32, #tpu.memory_space<vmem>>
    %dma_start3A_90 = arith.constant 128 : i32
    %dma_start3A_91 = tpu.memref_slice %arg5[%dma_start3A_83, %dma_start3A_90] : memref<2x512xi32, #tpu.memory_space<vmem>> -> memref<1x128xi32, #tpu.memory_space<vmem>>
    %dma_start3A_92 = tpu.memref_squeeze %dma_start3A_91 : memref<1x128xi32, #tpu.memory_space<vmem>> -> memref<128xi32, #tpu.memory_space<vmem>>
    %dma_start3A_93 = arith.constant 0 : i32
    %dma_start3A_94 = arith.constant 0 : i32
    %dma_start3A_95 = tpu.memref_slice %arg3[%dma_start3A_93, %dma_start3A_94] : memref<1000000x32xf32, #tpu.memory_space<hbm>> -> memref<1000000x32xf32, #tpu.memory_space<hbm>>
    tpu.enqueue_indirect_dma source(%dma_start3A_95 : memref<1000000x32xf32, #tpu.memory_space<hbm>>) target(%dma_start3A_89 : memref<128x32xf32, #tpu.memory_space<vmem>>) offsets(%dma_start3A_92 : memref<128xi32, #tpu.memory_space<vmem>>) semaphore(%arg9 : memref<!tpu.dma_semaphore, #tpu.memory_space<semaphore_mem>>)
    %dma_start3A_96 = arith.constant 1 : i32
    %dma_start3A_97 = arith.constant 1 : i32
    %dma_start3A_98 = arith.constant 2 : i32
    %dma_start3A_99 = arith.constant 0 : i32
    %dma_start3A_100 = arith.constant 0 : i32
    %dma_start3A_101 = tpu.memref_slice %arg6[%dma_start3A_97, %dma_start3A_98, %dma_start3A_99, %dma_start3A_100] : memref<2x4x128x32xf32, #tpu.memory_space<vmem>> -> memref<1x1x128x32xf32, #tpu.memory_space<vmem>>
    %dma_start3A_102 = tpu.memref_squeeze %dma_start3A_101 : memref<1x1x128x32xf32, #tpu.memory_space<vmem>> -> memref<128x32xf32, #tpu.memory_space<vmem>>
    %dma_start3A_103 = arith.constant 256 : i32
    %dma_start3A_104 = tpu.memref_slice %arg5[%dma_start3A_96, %dma_start3A_103] : memref<2x512xi32, #tpu.memory_space<vmem>> -> memref<1x128xi32, #tpu.memory_space<vmem>>
    %dma_start3A_105 = tpu.memref_squeeze %dma_start3A_104 : memref<1x128xi32, #tpu.memory_space<vmem>> -> memref<128xi32, #tpu.memory_space<vmem>>
    %dma_start3A_106 = arith.constant 0 : i32
    %dma_start3A_107 = arith.constant 0 : i32
    %dma_start3A_108 = tpu.memref_slice %arg3[%dma_start3A_106, %dma_start3A_107] : memref<1000000x32xf32, #tpu.memory_space<hbm>> -> memref<1000000x32xf32, #tpu.memory_space<hbm>>
    tpu.enqueue_indirect_dma source(%dma_start3A_108 : memref<1000000x32xf32, #tpu.memory_space<hbm>>) target(%dma_start3A_102 : memref<128x32xf32, #tpu.memory_space<vmem>>) offsets(%dma_start3A_105 : memref<128xi32, #tpu.memory_space<vmem>>) semaphore(%arg9 : memref<!tpu.dma_semaphore, #tpu.memory_space<semaphore_mem>>)
    %dma_start3A_109 = arith.constant 1 : i32
    %dma_start3A_110 = arith.constant 1 : i32
    %dma_start3A_111 = arith.constant 3 : i32
    %dma_start3A_112 = arith.constant 0 : i32
    %dma_start3A_113 = arith.constant 0 : i32
    %dma_start3A_114 = tpu.memref_slice %arg6[%dma_start3A_110, %dma_start3A_111, %dma_start3A_112, %dma_start3A_113] : memref<2x4x128x32xf32, #tpu.memory_space<vmem>> -> memref<1x1x128x32xf32, #tpu.memory_space<vmem>>
    %dma_start3A_115 = tpu.memref_squeeze %dma_start3A_114 : memref<1x1x128x32xf32, #tpu.memory_space<vmem>> -> memref<128x32xf32, #tpu.memory_space<vmem>>
    %dma_start3A_116 = arith.constant 384 : i32
    %dma_start3A_117 = tpu.memref_slice %arg5[%dma_start3A_109, %dma_start3A_116] : memref<2x512xi32, #tpu.memory_space<vmem>> -> memref<1x128xi32, #tpu.memory_space<vmem>>
    %dma_start3A_118 = tpu.memref_squeeze %dma_start3A_117 : memref<1x128xi32, #tpu.memory_space<vmem>> -> memref<128xi32, #tpu.memory_space<vmem>>
    %dma_start3A_119 = arith.constant 0 : i32
    %dma_start3A_120 = arith.constant 0 : i32
    %dma_start3A_121 = tpu.memref_slice %arg3[%dma_start3A_119, %dma_start3A_120] : memref<1000000x32xf32, #tpu.memory_space<hbm>> -> memref<1000000x32xf32, #tpu.memory_space<hbm>>
    tpu.enqueue_indirect_dma source(%dma_start3A_121 : memref<1000000x32xf32, #tpu.memory_space<hbm>>) target(%dma_start3A_115 : memref<128x32xf32, #tpu.memory_space<vmem>>) offsets(%dma_start3A_118 : memref<128xi32, #tpu.memory_space<vmem>>) semaphore(%arg9 : memref<!tpu.dma_semaphore, #tpu.memory_space<semaphore_mem>>)
    %scan3A = arith.constant 0 : i32
    %scan3A_122 = arith.constant 0 : i32
    %scan3A_123 = arith.constant 25 : i32
    %scan3A_124 = arith.addi %scan3A_122, %scan3A_123 : i32
    %scan3A_125 = arith.constant 1 : i32
    scf.for %scan3A_246 = %scan3A_122 to %scan3A_124 step %scan3A_125  : i32 {
      %mul3A_247 = arith.constant 2 : i32
      %mul3A_248 = arith.muli %mul3A_247, %scan3A_246 : i32
      %add3A_249 = arith.constant 0 : i32
      %add3A_250 = arith.addi %mul3A_248, %add3A_249 : i32
      %dma_wait3A_251 = arith.constant 0 : i32
      %dma_wait3A_252 = arith.constant 0 : i32
      %dma_wait3A_253 = arith.constant 0 : i32
      %dma_wait3A_254 = arith.constant 0 : i32
      %dma_wait3A_255 = tpu.memref_slice %arg6[%dma_wait3A_251, %dma_wait3A_252, %dma_wait3A_253, %dma_wait3A_254] : memref<2x4x128x32xf32, #tpu.memory_space<vmem>> -> memref<1x1x128x32xf32, #tpu.memory_space<vmem>>
      %dma_wait3A_256 = tpu.memref_squeeze %dma_wait3A_255 : memref<1x1x128x32xf32, #tpu.memory_space<vmem>> -> memref<128x32xf32, #tpu.memory_space<vmem>>
      %dma_wait3A_257 = arith.constant 0 : i32
      %dma_wait3A_258 = arith.constant 0 : i32
      %dma_wait3A_259 = tpu.memref_slice %arg3[%dma_wait3A_257, %dma_wait3A_258] : memref<1000000x32xf32, #tpu.memory_space<hbm>> -> memref<128x32xf32, #tpu.memory_space<hbm>>
      %dma_wait3A_260 = arith.constant 0 : i32
      %dma_wait3A_261 = arith.constant 0 : i32
      %dma_wait3A_262 = tpu.memref_slice %arg6[%dma_wait3A_251, %dma_wait3A_252, %dma_wait3A_260, %dma_wait3A_261] : memref<2x4x128x32xf32, #tpu.memory_space<vmem>> -> memref<1x1x128x32xf32, #tpu.memory_space<vmem>>
      %dma_wait3A_263 = tpu.memref_squeeze %dma_wait3A_262 : memref<1x1x128x32xf32, #tpu.memory_space<vmem>> -> memref<128x32xf32, #tpu.memory_space<vmem>>
      %dma_wait3A_264 = arith.constant 0 : i32
      %dma_wait3A_265 = arith.constant 0 : i32
      %dma_wait3A_266 = tpu.memref_slice %arg3[%dma_wait3A_264, %dma_wait3A_265] : memref<1000000x32xf32, #tpu.memory_space<hbm>> -> memref<128x32xf32, #tpu.memory_space<hbm>>
      tpu.wait_dma2 semaphore(%arg8 : memref<!tpu.dma_semaphore, #tpu.memory_space<semaphore_mem>>) src(%dma_wait3A_266 : memref<128x32xf32, #tpu.memory_space<hbm>>) dst(%dma_wait3A_263 : memref<128x32xf32, #tpu.memory_space<vmem>>)
      %dma_wait3A_267 = arith.constant 0 : i32
      %dma_wait3A_268 = arith.constant 1 : i32
      %dma_wait3A_269 = arith.constant 0 : i32
      %dma_wait3A_270 = arith.constant 0 : i32
      %dma_wait3A_271 = tpu.memref_slice %arg6[%dma_wait3A_267, %dma_wait3A_268, %dma_wait3A_269, %dma_wait3A_270] : memref<2x4x128x32xf32, #tpu.memory_space<vmem>> -> memref<1x1x128x32xf32, #tpu.memory_space<vmem>>
      %dma_wait3A_272 = tpu.memref_squeeze %dma_wait3A_271 : memref<1x1x128x32xf32, #tpu.memory_space<vmem>> -> memref<128x32xf32, #tpu.memory_space<vmem>>
      %dma_wait3A_273 = arith.constant 0 : i32
      %dma_wait3A_274 = arith.constant 0 : i32
      %dma_wait3A_275 = tpu.memref_slice %arg3[%dma_wait3A_273, %dma_wait3A_274] : memref<1000000x32xf32, #tpu.memory_space<hbm>> -> memref<128x32xf32, #tpu.memory_space<hbm>>
      %dma_wait3A_276 = arith.constant 0 : i32
      %dma_wait3A_277 = arith.constant 0 : i32
      %dma_wait3A_278 = tpu.memref_slice %arg6[%dma_wait3A_267, %dma_wait3A_268, %dma_wait3A_276, %dma_wait3A_277] : memref<2x4x128x32xf32, #tpu.memory_space<vmem>> -> memref<1x1x128x32xf32, #tpu.memory_space<vmem>>
      %dma_wait3A_279 = tpu.memref_squeeze %dma_wait3A_278 : memref<1x1x128x32xf32, #tpu.memory_space<vmem>> -> memref<128x32xf32, #tpu.memory_space<vmem>>
      %dma_wait3A_280 = arith.constant 0 : i32
      %dma_wait3A_281 = arith.constant 0 : i32
      %dma_wait3A_282 = tpu.memref_slice %arg3[%dma_wait3A_280, %dma_wait3A_281] : memref<1000000x32xf32, #tpu.memory_space<hbm>> -> memref<128x32xf32, #tpu.memory_space<hbm>>
      tpu.wait_dma2 semaphore(%arg8 : memref<!tpu.dma_semaphore, #tpu.memory_space<semaphore_mem>>) src(%dma_wait3A_282 : memref<128x32xf32, #tpu.memory_space<hbm>>) dst(%dma_wait3A_279 : memref<128x32xf32, #tpu.memory_space<vmem>>)
      %dma_wait3A_283 = arith.constant 0 : i32
      %dma_wait3A_284 = arith.constant 2 : i32
      %dma_wait3A_285 = arith.constant 0 : i32
      %dma_wait3A_286 = arith.constant 0 : i32
      %dma_wait3A_287 = tpu.memref_slice %arg6[%dma_wait3A_283, %dma_wait3A_284, %dma_wait3A_285, %dma_wait3A_286] : memref<2x4x128x32xf32, #tpu.memory_space<vmem>> -> memref<1x1x128x32xf32, #tpu.memory_space<vmem>>
      %dma_wait3A_288 = tpu.memref_squeeze %dma_wait3A_287 : memref<1x1x128x32xf32, #tpu.memory_space<vmem>> -> memref<128x32xf32, #tpu.memory_space<vmem>>
      %dma_wait3A_289 = arith.constant 0 : i32
      %dma_wait3A_290 = arith.constant 0 : i32
      %dma_wait3A_291 = tpu.memref_slice %arg3[%dma_wait3A_289, %dma_wait3A_290] : memref<1000000x32xf32, #tpu.memory_space<hbm>> -> memref<128x32xf32, #tpu.memory_space<hbm>>
      %dma_wait3A_292 = arith.constant 0 : i32
      %dma_wait3A_293 = arith.constant 0 : i32
      %dma_wait3A_294 = tpu.memref_slice %arg6[%dma_wait3A_283, %dma_wait3A_284, %dma_wait3A_292, %dma_wait3A_293] : memref<2x4x128x32xf32, #tpu.memory_space<vmem>> -> memref<1x1x128x32xf32, #tpu.memory_space<vmem>>
      %dma_wait3A_295 = tpu.memref_squeeze %dma_wait3A_294 : memref<1x1x128x32xf32, #tpu.memory_space<vmem>> -> memref<128x32xf32, #tpu.memory_space<vmem>>
      %dma_wait3A_296 = arith.constant 0 : i32
      %dma_wait3A_297 = arith.constant 0 : i32
      %dma_wait3A_298 = tpu.memref_slice %arg3[%dma_wait3A_296, %dma_wait3A_297] : memref<1000000x32xf32, #tpu.memory_space<hbm>> -> memref<128x32xf32, #tpu.memory_space<hbm>>
      tpu.wait_dma2 semaphore(%arg8 : memref<!tpu.dma_semaphore, #tpu.memory_space<semaphore_mem>>) src(%dma_wait3A_298 : memref<128x32xf32, #tpu.memory_space<hbm>>) dst(%dma_wait3A_295 : memref<128x32xf32, #tpu.memory_space<vmem>>)
      %dma_wait3A_299 = arith.constant 0 : i32
      %dma_wait3A_300 = arith.constant 3 : i32
      %dma_wait3A_301 = arith.constant 0 : i32
      %dma_wait3A_302 = arith.constant 0 : i32
      %dma_wait3A_303 = tpu.memref_slice %arg6[%dma_wait3A_299, %dma_wait3A_300, %dma_wait3A_301, %dma_wait3A_302] : memref<2x4x128x32xf32, #tpu.memory_space<vmem>> -> memref<1x1x128x32xf32, #tpu.memory_space<vmem>>
      %dma_wait3A_304 = tpu.memref_squeeze %dma_wait3A_303 : memref<1x1x128x32xf32, #tpu.memory_space<vmem>> -> memref<128x32xf32, #tpu.memory_space<vmem>>
      %dma_wait3A_305 = arith.constant 0 : i32
      %dma_wait3A_306 = arith.constant 0 : i32
      %dma_wait3A_307 = tpu.memref_slice %arg3[%dma_wait3A_305, %dma_wait3A_306] : memref<1000000x32xf32, #tpu.memory_space<hbm>> -> memref<128x32xf32, #tpu.memory_space<hbm>>
      %dma_wait3A_308 = arith.constant 0 : i32
      %dma_wait3A_309 = arith.constant 0 : i32
      %dma_wait3A_310 = tpu.memref_slice %arg6[%dma_wait3A_299, %dma_wait3A_300, %dma_wait3A_308, %dma_wait3A_309] : memref<2x4x128x32xf32, #tpu.memory_space<vmem>> -> memref<1x1x128x32xf32, #tpu.memory_space<vmem>>
      %dma_wait3A_311 = tpu.memref_squeeze %dma_wait3A_310 : memref<1x1x128x32xf32, #tpu.memory_space<vmem>> -> memref<128x32xf32, #tpu.memory_space<vmem>>
      %dma_wait3A_312 = arith.constant 0 : i32
      %dma_wait3A_313 = arith.constant 0 : i32
      %dma_wait3A_314 = tpu.memref_slice %arg3[%dma_wait3A_312, %dma_wait3A_313] : memref<1000000x32xf32, #tpu.memory_space<hbm>> -> memref<128x32xf32, #tpu.memory_space<hbm>>
      tpu.wait_dma2 semaphore(%arg8 : memref<!tpu.dma_semaphore, #tpu.memory_space<semaphore_mem>>) src(%dma_wait3A_314 : memref<128x32xf32, #tpu.memory_space<hbm>>) dst(%dma_wait3A_311 : memref<128x32xf32, #tpu.memory_space<vmem>>)
      %ge3A = arith.constant 1 : i32
      %ge3A_315 = arith.cmpi sge, %scan3A_246, %ge3A : i32
      %convert_element_type3A = arith.extui %ge3A_315 : i1 to i32
      %cond3A = arith.constant 0 : i32
      %cond3A_316 = arith.cmpi ne, %convert_element_type3A, %cond3A : i32
      scf.if %cond3A_316 {
        %dma_wait3A_527 = arith.constant 0 : i32
        %dma_wait3A_528 = arith.constant 0 : i32
        %dma_wait3A_529 = arith.constant 0 : i32
        %dma_wait3A_530 = arith.constant 0 : i32
        %dma_wait3A_531 = tpu.memref_slice %arg7[%dma_wait3A_529, %dma_wait3A_530] : memref<2x16384xf32, #tpu.memory_space<vmem>> -> memref<1x4096xf32, #tpu.memory_space<vmem>>
        %dma_wait3A_532 = tpu.memref_squeeze %dma_wait3A_531 : memref<1x4096xf32, #tpu.memory_space<vmem>> -> memref<4096xf32, #tpu.memory_space<vmem>>
        %dma_wait3A_533 = arith.constant 0 : i32
        %dma_wait3A_534 = tpu.memref_slice %arg4[%dma_wait3A_527, %dma_wait3A_528, %dma_wait3A_533] : memref<50x4x131072xf32, #tpu.memory_space<hbm>> -> memref<1x1x4096xf32, #tpu.memory_space<hbm>>
        %dma_wait3A_535 = tpu.memref_squeeze %dma_wait3A_534 : memref<1x1x4096xf32, #tpu.memory_space<hbm>> -> memref<4096xf32, #tpu.memory_space<hbm>>
        %dma_wait3A_536 = arith.constant 0 : i32
        %dma_wait3A_537 = tpu.memref_slice %arg7[%dma_wait3A_529, %dma_wait3A_536] : memref<2x16384xf32, #tpu.memory_space<vmem>> -> memref<1x4096xf32, #tpu.memory_space<vmem>>
        %dma_wait3A_538 = tpu.memref_squeeze %dma_wait3A_537 : memref<1x4096xf32, #tpu.memory_space<vmem>> -> memref<4096xf32, #tpu.memory_space<vmem>>
        %dma_wait3A_539 = arith.constant 0 : i32
        %dma_wait3A_540 = tpu.memref_slice %arg4[%dma_wait3A_527, %dma_wait3A_528, %dma_wait3A_539] : memref<50x4x131072xf32, #tpu.memory_space<hbm>> -> memref<1x1x4096xf32, #tpu.memory_space<hbm>>
        %dma_wait3A_541 = tpu.memref_squeeze %dma_wait3A_540 : memref<1x1x4096xf32, #tpu.memory_space<hbm>> -> memref<4096xf32, #tpu.memory_space<hbm>>
        tpu.wait_dma2 semaphore(%arg10 : memref<!tpu.dma_semaphore, #tpu.memory_space<semaphore_mem>>) src(%dma_wait3A_541 : memref<4096xf32, #tpu.memory_space<hbm>>) dst(%dma_wait3A_538 : memref<4096xf32, #tpu.memory_space<vmem>>)
        %dma_wait3A_542 = arith.constant 0 : i32
        %dma_wait3A_543 = arith.constant 0 : i32
        %dma_wait3A_544 = arith.constant 0 : i32
        %dma_wait3A_545 = arith.constant 4096 : i32
        %dma_wait3A_546 = tpu.memref_slice %arg7[%dma_wait3A_544, %dma_wait3A_545] : memref<2x16384xf32, #tpu.memory_space<vmem>> -> memref<1x4096xf32, #tpu.memory_space<vmem>>
        %dma_wait3A_547 = tpu.memref_squeeze %dma_wait3A_546 : memref<1x4096xf32, #tpu.memory_space<vmem>> -> memref<4096xf32, #tpu.memory_space<vmem>>
        %dma_wait3A_548 = arith.constant 0 : i32
        %dma_wait3A_549 = tpu.memref_slice %arg4[%dma_wait3A_542, %dma_wait3A_543, %dma_wait3A_548] : memref<50x4x131072xf32, #tpu.memory_space<hbm>> -> memref<1x1x4096xf32, #tpu.memory_space<hbm>>
        %dma_wait3A_550 = tpu.memref_squeeze %dma_wait3A_549 : memref<1x1x4096xf32, #tpu.memory_space<hbm>> -> memref<4096xf32, #tpu.memory_space<hbm>>
        %dma_wait3A_551 = arith.constant 4096 : i32
        %dma_wait3A_552 = tpu.memref_slice %arg7[%dma_wait3A_544, %dma_wait3A_551] : memref<2x16384xf32, #tpu.memory_space<vmem>> -> memref<1x4096xf32, #tpu.memory_space<vmem>>
        %dma_wait3A_553 = tpu.memref_squeeze %dma_wait3A_552 : memref<1x4096xf32, #tpu.memory_space<vmem>> -> memref<4096xf32, #tpu.memory_space<vmem>>
        %dma_wait3A_554 = arith.constant 0 : i32
        %dma_wait3A_555 = tpu.memref_slice %arg4[%dma_wait3A_542, %dma_wait3A_543, %dma_wait3A_554] : memref<50x4x131072xf32, #tpu.memory_space<hbm>> -> memref<1x1x4096xf32, #tpu.memory_space<hbm>>
        %dma_wait3A_556 = tpu.memref_squeeze %dma_wait3A_555 : memref<1x1x4096xf32, #tpu.memory_space<hbm>> -> memref<4096xf32, #tpu.memory_space<hbm>>
        tpu.wait_dma2 semaphore(%arg10 : memref<!tpu.dma_semaphore, #tpu.memory_space<semaphore_mem>>) src(%dma_wait3A_556 : memref<4096xf32, #tpu.memory_space<hbm>>) dst(%dma_wait3A_553 : memref<4096xf32, #tpu.memory_space<vmem>>)
        %dma_wait3A_557 = arith.constant 0 : i32
        %dma_wait3A_558 = arith.constant 0 : i32
        %dma_wait3A_559 = arith.constant 0 : i32
        %dma_wait3A_560 = arith.constant 8192 : i32
        %dma_wait3A_561 = tpu.memref_slice %arg7[%dma_wait3A_559, %dma_wait3A_560] : memref<2x16384xf32, #tpu.memory_space<vmem>> -> memref<1x4096xf32, #tpu.memory_space<vmem>>
        %dma_wait3A_562 = tpu.memref_squeeze %dma_wait3A_561 : memref<1x4096xf32, #tpu.memory_space<vmem>> -> memref<4096xf32, #tpu.memory_space<vmem>>
        %dma_wait3A_563 = arith.constant 0 : i32
        %dma_wait3A_564 = tpu.memref_slice %arg4[%dma_wait3A_557, %dma_wait3A_558, %dma_wait3A_563] : memref<50x4x131072xf32, #tpu.memory_space<hbm>> -> memref<1x1x4096xf32, #tpu.memory_space<hbm>>
        %dma_wait3A_565 = tpu.memref_squeeze %dma_wait3A_564 : memref<1x1x4096xf32, #tpu.memory_space<hbm>> -> memref<4096xf32, #tpu.memory_space<hbm>>
        %dma_wait3A_566 = arith.constant 8192 : i32
        %dma_wait3A_567 = tpu.memref_slice %arg7[%dma_wait3A_559, %dma_wait3A_566] : memref<2x16384xf32, #tpu.memory_space<vmem>> -> memref<1x4096xf32, #tpu.memory_space<vmem>>
        %dma_wait3A_568 = tpu.memref_squeeze %dma_wait3A_567 : memref<1x4096xf32, #tpu.memory_space<vmem>> -> memref<4096xf32, #tpu.memory_space<vmem>>
        %dma_wait3A_569 = arith.constant 0 : i32
        %dma_wait3A_570 = tpu.memref_slice %arg4[%dma_wait3A_557, %dma_wait3A_558, %dma_wait3A_569] : memref<50x4x131072xf32, #tpu.memory_space<hbm>> -> memref<1x1x4096xf32, #tpu.memory_space<hbm>>
        %dma_wait3A_571 = tpu.memref_squeeze %dma_wait3A_570 : memref<1x1x4096xf32, #tpu.memory_space<hbm>> -> memref<4096xf32, #tpu.memory_space<hbm>>
        tpu.wait_dma2 semaphore(%arg10 : memref<!tpu.dma_semaphore, #tpu.memory_space<semaphore_mem>>) src(%dma_wait3A_571 : memref<4096xf32, #tpu.memory_space<hbm>>) dst(%dma_wait3A_568 : memref<4096xf32, #tpu.memory_space<vmem>>)
        %dma_wait3A_572 = arith.constant 0 : i32
        %dma_wait3A_573 = arith.constant 0 : i32
        %dma_wait3A_574 = arith.constant 0 : i32
        %dma_wait3A_575 = arith.constant 12288 : i32
        %dma_wait3A_576 = tpu.memref_slice %arg7[%dma_wait3A_574, %dma_wait3A_575] : memref<2x16384xf32, #tpu.memory_space<vmem>> -> memref<1x4096xf32, #tpu.memory_space<vmem>>
        %dma_wait3A_577 = tpu.memref_squeeze %dma_wait3A_576 : memref<1x4096xf32, #tpu.memory_space<vmem>> -> memref<4096xf32, #tpu.memory_space<vmem>>
        %dma_wait3A_578 = arith.constant 0 : i32
        %dma_wait3A_579 = tpu.memref_slice %arg4[%dma_wait3A_572, %dma_wait3A_573, %dma_wait3A_578] : memref<50x4x131072xf32, #tpu.memory_space<hbm>> -> memref<1x1x4096xf32, #tpu.memory_space<hbm>>
        %dma_wait3A_580 = tpu.memref_squeeze %dma_wait3A_579 : memref<1x1x4096xf32, #tpu.memory_space<hbm>> -> memref<4096xf32, #tpu.memory_space<hbm>>
        %dma_wait3A_581 = arith.constant 12288 : i32
        %dma_wait3A_582 = tpu.memref_slice %arg7[%dma_wait3A_574, %dma_wait3A_581] : memref<2x16384xf32, #tpu.memory_space<vmem>> -> memref<1x4096xf32, #tpu.memory_space<vmem>>
        %dma_wait3A_583 = tpu.memref_squeeze %dma_wait3A_582 : memref<1x4096xf32, #tpu.memory_space<vmem>> -> memref<4096xf32, #tpu.memory_space<vmem>>
        %dma_wait3A_584 = arith.constant 0 : i32
        %dma_wait3A_585 = tpu.memref_slice %arg4[%dma_wait3A_572, %dma_wait3A_573, %dma_wait3A_584] : memref<50x4x131072xf32, #tpu.memory_space<hbm>> -> memref<1x1x4096xf32, #tpu.memory_space<hbm>>
        %dma_wait3A_586 = tpu.memref_squeeze %dma_wait3A_585 : memref<1x1x4096xf32, #tpu.memory_space<hbm>> -> memref<4096xf32, #tpu.memory_space<hbm>>
        tpu.wait_dma2 semaphore(%arg10 : memref<!tpu.dma_semaphore, #tpu.memory_space<semaphore_mem>>) src(%dma_wait3A_586 : memref<4096xf32, #tpu.memory_space<hbm>>) dst(%dma_wait3A_583 : memref<4096xf32, #tpu.memory_space<vmem>>)
      } else {
      }
      %scan3A_317 = arith.constant 0 : i32
      %scan3A_318 = arith.constant 0 : i32
      %scan3A_319 = arith.constant 32 : i32
      %scan3A_320 = arith.addi %scan3A_318, %scan3A_319 : i32
      %scan3A_321 = arith.constant 1 : i32
      scf.for %scan3A_527 = %scan3A_318 to %scan3A_320 step %scan3A_321  : i32 {
        %mul3A_528 = arith.constant 4 : i32
        %mul3A_529 = arith.muli %mul3A_528, %scan3A_527 : i32
        %add3A_530 = arith.constant 0 : i32
        %add3A_531 = arith.addi %mul3A_529, %add3A_530 : i32
        %add3A_532 = arith.constant 0 : i32
        %add3A_533 = arith.addi %add3A_532, %add3A_531 : i32
        %get3A = arith.constant 0 : i32
        %get3A_534 = arith.constant 0 : i32
        %get3A_535 = arith.index_cast %get3A : i32 to index
        %get3A_536 = arith.index_cast %get3A_534 : i32 to index
        %get3A_537 = arith.index_cast %add3A_531 : i32 to index
        %get3A_538 = arith.constant 0 : index
        %get3A_539 = tpu.vector_load %arg6[%get3A_535, %get3A_536, %get3A_537, %get3A_538] {strides = array<i32>} : memref<2x4x128x32xf32, #tpu.memory_space<vmem>>, vector<16xf32>,
        %get3A_540 = arith.constant 0 : i32
        %get3A_541 = arith.constant 0 : i32
        %get3A_542 = arith.index_cast %get3A_540 : i32 to index
        %get3A_543 = arith.index_cast %get3A_541 : i32 to index
        %get3A_544 = arith.index_cast %add3A_531 : i32 to index
        %get3A_545 = arith.constant 16 : index
        %get3A_546 = tpu.vector_load %arg6[%get3A_542, %get3A_543, %get3A_544, %get3A_545] {strides = array<i32>} : memref<2x4x128x32xf32, #tpu.memory_space<vmem>>, vector<16xf32>,
        %add3A_547 = vector.broadcast %add3A_533 : i32 to vector<16xi32>
        %add3A_548 = arith.addi %add3A_12, %add3A_547 : vector<16xi32>
        %scatter3A = arith.constant 0 : i32
        %scatter3A_549 = arith.constant 0 : i32
        %scatter3A_550 = tpu.memref_slice %arg7[%scatter3A, %scatter3A_549] : memref<2x16384xf32, #tpu.memory_space<vmem>> -> memref<1x16384xf32, #tpu.memory_space<vmem>>
        %scatter3A_551 = tpu.memref_squeeze %scatter3A_550 : memref<1x16384xf32, #tpu.memory_space<vmem>> -> memref<16384xf32, #tpu.memory_space<vmem>>
        tpu.vector_store_idx %scatter3A_551[%add3A_548], %get3A_539 : memref<16384xf32, #tpu.memory_space<vmem>>[vector<16xi32>], vector<16xf32>,
        %add3A_552 = vector.broadcast %add3A_533 : i32 to vector<16xi32>
        %add3A_553 = arith.addi %add3A_15, %add3A_552 : vector<16xi32>
        %scatter3A_554 = arith.constant 0 : i32
        %scatter3A_555 = arith.constant 0 : i32
        %scatter3A_556 = tpu.memref_slice %arg7[%scatter3A_554, %scatter3A_555] : memref<2x16384xf32, #tpu.memory_space<vmem>> -> memref<1x16384xf32, #tpu.memory_space<vmem>>
        %scatter3A_557 = tpu.memref_squeeze %scatter3A_556 : memref<1x16384xf32, #tpu.memory_space<vmem>> -> memref<16384xf32, #tpu.memory_space<vmem>>
        tpu.vector_store_idx %scatter3A_557[%add3A_553], %get3A_546 : memref<16384xf32, #tpu.memory_space<vmem>>[vector<16xi32>], vector<16xf32>,
        %add3A_558 = arith.constant 1024 : i32
        %add3A_559 = arith.addi %add3A_558, %add3A_531 : i32
        %get3A_560 = arith.constant 0 : i32
        %get3A_561 = arith.constant 1 : i32
        %get3A_562 = arith.index_cast %get3A_560 : i32 to index
        %get3A_563 = arith.index_cast %get3A_561 : i32 to index
        %get3A_564 = arith.index_cast %add3A_531 : i32 to index
        %get3A_565 = arith.constant 0 : index
        %get3A_566 = tpu.vector_load %arg6[%get3A_562, %get3A_563, %get3A_564, %get3A_565] {strides = array<i32>} : memref<2x4x128x32xf32, #tpu.memory_space<vmem>>, vector<16xf32>,
        %get3A_567 = arith.constant 0 : i32
        %get3A_568 = arith.constant 1 : i32
        %get3A_569 = arith.index_cast %get3A_567 : i32 to index
        %get3A_570 = arith.index_cast %get3A_568 : i32 to index
        %get3A_571 = arith.index_cast %add3A_531 : i32 to index
        %get3A_572 = arith.constant 16 : index
        %get3A_573 = tpu.vector_load %arg6[%get3A_569, %get3A_570, %get3A_571, %get3A_572] {strides = array<i32>} : memref<2x4x128x32xf32, #tpu.memory_space<vmem>>, vector<16xf32>,
        %add3A_574 = vector.broadcast %add3A_559 : i32 to vector<16xi32>
        %add3A_575 = arith.addi %add3A_12, %add3A_574 : vector<16xi32>
        %scatter3A_576 = arith.constant 0 : i32
        %scatter3A_577 = arith.constant 0 : i32
        %scatter3A_578 = tpu.memref_slice %arg7[%scatter3A_576, %scatter3A_577] : memref<2x16384xf32, #tpu.memory_space<vmem>> -> memref<1x16384xf32, #tpu.memory_space<vmem>>
        %scatter3A_579 = tpu.memref_squeeze %scatter3A_578 : memref<1x16384xf32, #tpu.memory_space<vmem>> -> memref<16384xf32, #tpu.memory_space<vmem>>
        tpu.vector_store_idx %scatter3A_579[%add3A_575], %get3A_566 : memref<16384xf32, #tpu.memory_space<vmem>>[vector<16xi32>], vector<16xf32>,
        %add3A_580 = vector.broadcast %add3A_559 : i32 to vector<16xi32>
        %add3A_581 = arith.addi %add3A_15, %add3A_580 : vector<16xi32>
        %scatter3A_582 = arith.constant 0 : i32
        %scatter3A_583 = arith.constant 0 : i32
        %scatter3A_584 = tpu.memref_slice %arg7[%scatter3A_582, %scatter3A_583] : memref<2x16384xf32, #tpu.memory_space<vmem>> -> memref<1x16384xf32, #tpu.memory_space<vmem>>
        %scatter3A_585 = tpu.memref_squeeze %scatter3A_584 : memref<1x16384xf32, #tpu.memory_space<vmem>> -> memref<16384xf32, #tpu.memory_space<vmem>>
        tpu.vector_store_idx %scatter3A_585[%add3A_581], %get3A_573 : memref<16384xf32, #tpu.memory_space<vmem>>[vector<16xi32>], vector<16xf32>,
        %add3A_586 = arith.constant 2048 : i32
        %add3A_587 = arith.addi %add3A_586, %add3A_531 : i32
        %get3A_588 = arith.constant 0 : i32
        %get3A_589 = arith.constant 2 : i32
        %get3A_590 = arith.index_cast %get3A_588 : i32 to index
        %get3A_591 = arith.index_cast %get3A_589 : i32 to index
        %get3A_592 = arith.index_cast %add3A_531 : i32 to index
        %get3A_593 = arith.constant 0 : index
        %get3A_594 = tpu.vector_load %arg6[%get3A_590, %get3A_591, %get3A_592, %get3A_593] {strides = array<i32>} : memref<2x4x128x32xf32, #tpu.memory_space<vmem>>, vector<16xf32>,
        %get3A_595 = arith.constant 0 : i32
        %get3A_596 = arith.constant 2 : i32
        %get3A_597 = arith.index_cast %get3A_595 : i32 to index
        %get3A_598 = arith.index_cast %get3A_596 : i32 to index
        %get3A_599 = arith.index_cast %add3A_531 : i32 to index
        %get3A_600 = arith.constant 16 : index
        %get3A_601 = tpu.vector_load %arg6[%get3A_597, %get3A_598, %get3A_599, %get3A_600] {strides = array<i32>} : memref<2x4x128x32xf32, #tpu.memory_space<vmem>>, vector<16xf32>,
        %add3A_602 = vector.broadcast %add3A_587 : i32 to vector<16xi32>
        %add3A_603 = arith.addi %add3A_12, %add3A_602 : vector<16xi32>
        %scatter3A_604 = arith.constant 0 : i32
        %scatter3A_605 = arith.constant 0 : i32
        %scatter3A_606 = tpu.memref_slice %arg7[%scatter3A_604, %scatter3A_605] : memref<2x16384xf32, #tpu.memory_space<vmem>> -> memref<1x16384xf32, #tpu.memory_space<vmem>>
        %scatter3A_607 = tpu.memref_squeeze %scatter3A_606 : memref<1x16384xf32, #tpu.memory_space<vmem>> -> memref<16384xf32, #tpu.memory_space<vmem>>
        tpu.vector_store_idx %scatter3A_607[%add3A_603], %get3A_594 : memref<16384xf32, #tpu.memory_space<vmem>>[vector<16xi32>], vector<16xf32>,
        %add3A_608 = vector.broadcast %add3A_587 : i32 to vector<16xi32>
        %add3A_609 = arith.addi %add3A_15, %add3A_608 : vector<16xi32>
        %scatter3A_610 = arith.constant 0 : i32
        %scatter3A_611 = arith.constant 0 : i32
        %scatter3A_612 = tpu.memref_slice %arg7[%scatter3A_610, %scatter3A_611] : memref<2x16384xf32, #tpu.memory_space<vmem>> -> memref<1x16384xf32, #tpu.memory_space<vmem>>
        %scatter3A_613 = tpu.memref_squeeze %scatter3A_612 : memref<1x16384xf32, #tpu.memory_space<vmem>> -> memref<16384xf32, #tpu.memory_space<vmem>>
        tpu.vector_store_idx %scatter3A_613[%add3A_609], %get3A_601 : memref<16384xf32, #tpu.memory_space<vmem>>[vector<16xi32>], vector<16xf32>,
        %add3A_614 = arith.constant 3072 : i32
        %add3A_615 = arith.addi %add3A_614, %add3A_531 : i32
        %get3A_616 = arith.constant 0 : i32
        %get3A_617 = arith.constant 3 : i32
        %get3A_618 = arith.index_cast %get3A_616 : i32 to index
        %get3A_619 = arith.index_cast %get3A_617 : i32 to index
        %get3A_620 = arith.index_cast %add3A_531 : i32 to index
        %get3A_621 = arith.constant 0 : index
        %get3A_622 = tpu.vector_load %arg6[%get3A_618, %get3A_619, %get3A_620, %get3A_621] {strides = array<i32>} : memref<2x4x128x32xf32, #tpu.memory_space<vmem>>, vector<16xf32>,
        %get3A_623 = arith.constant 0 : i32
        %get3A_624 = arith.constant 3 : i32
        %get3A_625 = arith.index_cast %get3A_623 : i32 to index
        %get3A_626 = arith.index_cast %get3A_624 : i32 to index
        %get3A_627 = arith.index_cast %add3A_531 : i32 to index
        %get3A_628 = arith.constant 16 : index
        %get3A_629 = tpu.vector_load %arg6[%get3A_625, %get3A_626, %get3A_627, %get3A_628] {strides = array<i32>} : memref<2x4x128x32xf32, #tpu.memory_space<vmem>>, vector<16xf32>,
        %add3A_630 = vector.broadcast %add3A_615 : i32 to vector<16xi32>
        %add3A_631 = arith.addi %add3A_12, %add3A_630 : vector<16xi32>
        %scatter3A_632 = arith.constant 0 : i32
        %scatter3A_633 = arith.constant 0 : i32
        %scatter3A_634 = tpu.memref_slice %arg7[%scatter3A_632, %scatter3A_633] : memref<2x16384xf32, #tpu.memory_space<vmem>> -> memref<1x16384xf32, #tpu.memory_space<vmem>>
        %scatter3A_635 = tpu.memref_squeeze %scatter3A_634 : memref<1x16384xf32, #tpu.memory_space<vmem>> -> memref<16384xf32, #tpu.memory_space<vmem>>
        tpu.vector_store_idx %scatter3A_635[%add3A_631], %get3A_622 : memref<16384xf32, #tpu.memory_space<vmem>>[vector<16xi32>], vector<16xf32>,
        %add3A_636 = vector.broadcast %add3A_615 : i32 to vector<16xi32>
        %add3A_637 = arith.addi %add3A_15, %add3A_636 : vector<16xi32>
        %scatter3A_638 = arith.constant 0 : i32
        %scatter3A_639 = arith.constant 0 : i32
        %scatter3A_640 = tpu.memref_slice %arg7[%scatter3A_638, %scatter3A_639] : memref<2x16384xf32, #tpu.memory_space<vmem>> -> memref<1x16384xf32, #tpu.memory_space<vmem>>
        %scatter3A_641 = tpu.memref_squeeze %scatter3A_640 : memref<1x16384xf32, #tpu.memory_space<vmem>> -> memref<16384xf32, #tpu.memory_space<vmem>>
        tpu.vector_store_idx %scatter3A_641[%add3A_637], %get3A_629 : memref<16384xf32, #tpu.memory_space<vmem>>[vector<16xi32>], vector<16xf32>,
        %mul3A_642 = arith.constant 4 : i32
        %mul3A_643 = arith.muli %mul3A_642, %scan3A_527 : i32
        %add3A_644 = arith.constant 1 : i32
        %add3A_645 = arith.addi %mul3A_643, %add3A_644 : i32
        %add3A_646 = arith.constant 0 : i32
        %add3A_647 = arith.addi %add3A_646, %add3A_645 : i32
        %get3A_648 = arith.constant 0 : i32
        %get3A_649 = arith.constant 0 : i32
        %get3A_650 = arith.index_cast %get3A_648 : i32 to index
        %get3A_651 = arith.index_cast %get3A_649 : i32 to index
        %get3A_652 = arith.index_cast %add3A_645 : i32 to index
        %get3A_653 = arith.constant 0 : index
        %get3A_654 = tpu.vector_load %arg6[%get3A_650, %get3A_651, %get3A_652, %get3A_653] {strides = array<i32>} : memref<2x4x128x32xf32, #tpu.memory_space<vmem>>, vector<16xf32>,
        %get3A_655 = arith.constant 0 : i32
        %get3A_656 = arith.constant 0 : i32
        %get3A_657 = arith.index_cast %get3A_655 : i32 to index
        %get3A_658 = arith.index_cast %get3A_656 : i32 to index
        %get3A_659 = arith.index_cast %add3A_645 : i32 to index
        %get3A_660 = arith.constant 16 : index
        %get3A_661 = tpu.vector_load %arg6[%get3A_657, %get3A_658, %get3A_659, %get3A_660] {strides = array<i32>} : memref<2x4x128x32xf32, #tpu.memory_space<vmem>>, vector<16xf32>,
        %add3A_662 = vector.broadcast %add3A_647 : i32 to vector<16xi32>
        %add3A_663 = arith.addi %add3A_12, %add3A_662 : vector<16xi32>
        %scatter3A_664 = arith.constant 0 : i32
        %scatter3A_665 = arith.constant 0 : i32
        %scatter3A_666 = tpu.memref_slice %arg7[%scatter3A_664, %scatter3A_665] : memref<2x16384xf32, #tpu.memory_space<vmem>> -> memref<1x16384xf32, #tpu.memory_space<vmem>>
        %scatter3A_667 = tpu.memref_squeeze %scatter3A_666 : memref<1x16384xf32, #tpu.memory_space<vmem>> -> memref<16384xf32, #tpu.memory_space<vmem>>
        tpu.vector_store_idx %scatter3A_667[%add3A_663], %get3A_654 : memref<16384xf32, #tpu.memory_space<vmem>>[vector<16xi32>], vector<16xf32>,
        %add3A_668 = vector.broadcast %add3A_647 : i32 to vector<16xi32>
        %add3A_669 = arith.addi %add3A_15, %add3A_668 : vector<16xi32>
        %scatter3A_670 = arith.constant 0 : i32
        %scatter3A_671 = arith.constant 0 : i32
        %scatter3A_672 = tpu.memref_slice %arg7[%scatter3A_670, %scatter3A_671] : memref<2x16384xf32, #tpu.memory_space<vmem>> -> memref<1x16384xf32, #tpu.memory_space<vmem>>
        %scatter3A_673 = tpu.memref_squeeze %scatter3A_672 : memref<1x16384xf32, #tpu.memory_space<vmem>> -> memref<16384xf32, #tpu.memory_space<vmem>>
        tpu.vector_store_idx %scatter3A_673[%add3A_669], %get3A_661 : memref<16384xf32, #tpu.memory_space<vmem>>[vector<16xi32>], vector<16xf32>,
        %add3A_674 = arith.constant 1024 : i32
        %add3A_675 = arith.addi %add3A_674, %add3A_645 : i32
        %get3A_676 = arith.constant 0 : i32
        %get3A_677 = arith.constant 1 : i32
        %get3A_678 = arith.index_cast %get3A_676 : i32 to index
        %get3A_679 = arith.index_cast %get3A_677 : i32 to index
        %get3A_680 = arith.index_cast %add3A_645 : i32 to index
        %get3A_681 = arith.constant 0 : index
        %get3A_682 = tpu.vector_load %arg6[%get3A_678, %get3A_679, %get3A_680, %get3A_681] {strides = array<i32>} : memref<2x4x128x32xf32, #tpu.memory_space<vmem>>, vector<16xf32>,
        %get3A_683 = arith.constant 0 : i32
        %get3A_684 = arith.constant 1 : i32
        %get3A_685 = arith.index_cast %get3A_683 : i32 to index
        %get3A_686 = arith.index_cast %get3A_684 : i32 to index
        %get3A_687 = arith.index_cast %add3A_645 : i32 to index
        %get3A_688 = arith.constant 16 : index
        %get3A_689 = tpu.vector_load %arg6[%get3A_685, %get3A_686, %get3A_687, %get3A_688] {strides = array<i32>} : memref<2x4x128x32xf32, #tpu.memory_space<vmem>>, vector<16xf32>,
        %add3A_690 = vector.broadcast %add3A_675 : i32 to vector<16xi32>
        %add3A_691 = arith.addi %add3A_12, %add3A_690 : vector<16xi32>
        %scatter3A_692 = arith.constant 0 : i32
        %scatter3A_693 = arith.constant 0 : i32
        %scatter3A_694 = tpu.memref_slice %arg7[%scatter3A_692, %scatter3A_693] : memref<2x16384xf32, #tpu.memory_space<vmem>> -> memref<1x16384xf32, #tpu.memory_space<vmem>>
        %scatter3A_695 = tpu.memref_squeeze %scatter3A_694 : memref<1x16384xf32, #tpu.memory_space<vmem>> -> memref<16384xf32, #tpu.memory_space<vmem>>
        tpu.vector_store_idx %scatter3A_695[%add3A_691], %get3A_682 : memref<16384xf32, #tpu.memory_space<vmem>>[vector<16xi32>], vector<16xf32>,
        %add3A_696 = vector.broadcast %add3A_675 : i32 to vector<16xi32>
        %add3A_697 = arith.addi %add3A_15, %add3A_696 : vector<16xi32>
        %scatter3A_698 = arith.constant 0 : i32
        %scatter3A_699 = arith.constant 0 : i32
        %scatter3A_700 = tpu.memref_slice %arg7[%scatter3A_698, %scatter3A_699] : memref<2x16384xf32, #tpu.memory_space<vmem>> -> memref<1x16384xf32, #tpu.memory_space<vmem>>
        %scatter3A_701 = tpu.memref_squeeze %scatter3A_700 : memref<1x16384xf32, #tpu.memory_space<vmem>> -> memref<16384xf32, #tpu.memory_space<vmem>>
        tpu.vector_store_idx %scatter3A_701[%add3A_697], %get3A_689 : memref<16384xf32, #tpu.memory_space<vmem>>[vector<16xi32>], vector<16xf32>,
        %add3A_702 = arith.constant 2048 : i32
        %add3A_703 = arith.addi %add3A_702, %add3A_645 : i32
        %get3A_704 = arith.constant 0 : i32
        %get3A_705 = arith.constant 2 : i32
        %get3A_706 = arith.index_cast %get3A_704 : i32 to index
        %get3A_707 = arith.index_cast %get3A_705 : i32 to index
        %get3A_708 = arith.index_cast %add3A_645 : i32 to index
        %get3A_709 = arith.constant 0 : index
        %get3A_710 = tpu.vector_load %arg6[%get3A_706, %get3A_707, %get3A_708, %get3A_709] {strides = array<i32>} : memref<2x4x128x32xf32, #tpu.memory_space<vmem>>, vector<16xf32>,
        %get3A_711 = arith.constant 0 : i32
        %get3A_712 = arith.constant 2 : i32
        %get3A_713 = arith.index_cast %get3A_711 : i32 to index
        %get3A_714 = arith.index_cast %get3A_712 : i32 to index
        %get3A_715 = arith.index_cast %add3A_645 : i32 to index
        %get3A_716 = arith.constant 16 : index
        %get3A_717 = tpu.vector_load %arg6[%get3A_713, %get3A_714, %get3A_715, %get3A_716] {strides = array<i32>} : memref<2x4x128x32xf32, #tpu.memory_space<vmem>>, vector<16xf32>,
        %add3A_718 = vector.broadcast %add3A_703 : i32 to vector<16xi32>
        %add3A_719 = arith.addi %add3A_12, %add3A_718 : vector<16xi32>
        %scatter3A_720 = arith.constant 0 : i32
        %scatter3A_721 = arith.constant 0 : i32
        %scatter3A_722 = tpu.memref_slice %arg7[%scatter3A_720, %scatter3A_721] : memref<2x16384xf32, #tpu.memory_space<vmem>> -> memref<1x16384xf32, #tpu.memory_space<vmem>>
        %scatter3A_723 = tpu.memref_squeeze %scatter3A_722 : memref<1x16384xf32, #tpu.memory_space<vmem>> -> memref<16384xf32, #tpu.memory_space<vmem>>
        tpu.vector_store_idx %scatter3A_723[%add3A_719], %get3A_710 : memref<16384xf32, #tpu.memory_space<vmem>>[vector<16xi32>], vector<16xf32>,
        %add3A_724 = vector.broadcast %add3A_703 : i32 to vector<16xi32>
        %add3A_725 = arith.addi %add3A_15, %add3A_724 : vector<16xi32>
        %scatter3A_726 = arith.constant 0 : i32
        %scatter3A_727 = arith.constant 0 : i32
        %scatter3A_728 = tpu.memref_slice %arg7[%scatter3A_726, %scatter3A_727] : memref<2x16384xf32, #tpu.memory_space<vmem>> -> memref<1x16384xf32, #tpu.memory_space<vmem>>
        %scatter3A_729 = tpu.memref_squeeze %scatter3A_728 : memref<1x16384xf32, #tpu.memory_space<vmem>> -> memref<16384xf32, #tpu.memory_space<vmem>>
        tpu.vector_store_idx %scatter3A_729[%add3A_725], %get3A_717 : memref<16384xf32, #tpu.memory_space<vmem>>[vector<16xi32>], vector<16xf32>,
        %add3A_730 = arith.constant 3072 : i32
        %add3A_731 = arith.addi %add3A_730, %add3A_645 : i32
        %get3A_732 = arith.constant 0 : i32
        %get3A_733 = arith.constant 3 : i32
        %get3A_734 = arith.index_cast %get3A_732 : i32 to index
        %get3A_735 = arith.index_cast %get3A_733 : i32 to index
        %get3A_736 = arith.index_cast %add3A_645 : i32 to index
        %get3A_737 = arith.constant 0 : index
        %get3A_738 = tpu.vector_load %arg6[%get3A_734, %get3A_735, %get3A_736, %get3A_737] {strides = array<i32>} : memref<2x4x128x32xf32, #tpu.memory_space<vmem>>, vector<16xf32>,
        %get3A_739 = arith.constant 0 : i32
        %get3A_740 = arith.constant 3 : i32
        %get3A_741 = arith.index_cast %get3A_739 : i32 to index
        %get3A_742 = arith.index_cast %get3A_740 : i32 to index
        %get3A_743 = arith.index_cast %add3A_645 : i32 to index
        %get3A_744 = arith.constant 16 : index
        %get3A_745 = tpu.vector_load %arg6[%get3A_741, %get3A_742, %get3A_743, %get3A_744] {strides = array<i32>} : memref<2x4x128x32xf32, #tpu.memory_space<vmem>>, vector<16xf32>,
        %add3A_746 = vector.broadcast %add3A_731 : i32 to vector<16xi32>
        %add3A_747 = arith.addi %add3A_12, %add3A_746 : vector<16xi32>
        %scatter3A_748 = arith.constant 0 : i32
        %scatter3A_749 = arith.constant 0 : i32
        %scatter3A_750 = tpu.memref_slice %arg7[%scatter3A_748, %scatter3A_749] : memref<2x16384xf32, #tpu.memory_space<vmem>> -> memref<1x16384xf32, #tpu.memory_space<vmem>>
        %scatter3A_751 = tpu.memref_squeeze %scatter3A_750 : memref<1x16384xf32, #tpu.memory_space<vmem>> -> memref<16384xf32, #tpu.memory_space<vmem>>
        tpu.vector_store_idx %scatter3A_751[%add3A_747], %get3A_738 : memref<16384xf32, #tpu.memory_space<vmem>>[vector<16xi32>], vector<16xf32>,
        %add3A_752 = vector.broadcast %add3A_731 : i32 to vector<16xi32>
        %add3A_753 = arith.addi %add3A_15, %add3A_752 : vector<16xi32>
        %scatter3A_754 = arith.constant 0 : i32
        %scatter3A_755 = arith.constant 0 : i32
        %scatter3A_756 = tpu.memref_slice %arg7[%scatter3A_754, %scatter3A_755] : memref<2x16384xf32, #tpu.memory_space<vmem>> -> memref<1x16384xf32, #tpu.memory_space<vmem>>
        %scatter3A_757 = tpu.memref_squeeze %scatter3A_756 : memref<1x16384xf32, #tpu.memory_space<vmem>> -> memref<16384xf32, #tpu.memory_space<vmem>>
        tpu.vector_store_idx %scatter3A_757[%add3A_753], %get3A_745 : memref<16384xf32, #tpu.memory_space<vmem>>[vector<16xi32>], vector<16xf32>,
        %mul3A_758 = arith.constant 4 : i32
        %mul3A_759 = arith.muli %mul3A_758, %scan3A_527 : i32
        %add3A_760 = arith.constant 2 : i32
        %add3A_761 = arith.addi %mul3A_759, %add3A_760 : i32
        %add3A_762 = arith.constant 0 : i32
        %add3A_763 = arith.addi %add3A_762, %add3A_761 : i32
        %get3A_764 = arith.constant 0 : i32
        %get3A_765 = arith.constant 0 : i32
        %get3A_766 = arith.index_cast %get3A_764 : i32 to index
        %get3A_767 = arith.index_cast %get3A_765 : i32 to index
        %get3A_768 = arith.index_cast %add3A_761 : i32 to index
        %get3A_769 = arith.constant 0 : index
        %get3A_770 = tpu.vector_load %arg6[%get3A_766, %get3A_767, %get3A_768, %get3A_769] {strides = array<i32>} : memref<2x4x128x32xf32, #tpu.memory_space<vmem>>, vector<16xf32>,
        %get3A_771 = arith.constant 0 : i32
        %get3A_772 = arith.constant 0 : i32
        %get3A_773 = arith.index_cast %get3A_771 : i32 to index
        %get3A_774 = arith.index_cast %get3A_772 : i32 to index
        %get3A_775 = arith.index_cast %add3A_761 : i32 to index
        %get3A_776 = arith.constant 16 : index
        %get3A_777 = tpu.vector_load %arg6[%get3A_773, %get3A_774, %get3A_775, %get3A_776] {strides = array<i32>} : memref<2x4x128x32xf32, #tpu.memory_space<vmem>>, vector<16xf32>,
        %add3A_778 = vector.broadcast %add3A_763 : i32 to vector<16xi32>
        %add3A_779 = arith.addi %add3A_12, %add3A_778 : vector<16xi32>
        %scatter3A_780 = arith.constant 0 : i32
        %scatter3A_781 = arith.constant 0 : i32
        %scatter3A_782 = tpu.memref_slice %arg7[%scatter3A_780, %scatter3A_781] : memref<2x16384xf32, #tpu.memory_space<vmem>> -> memref<1x16384xf32, #tpu.memory_space<vmem>>
        %scatter3A_783 = tpu.memref_squeeze %scatter3A_782 : memref<1x16384xf32, #tpu.memory_space<vmem>> -> memref<16384xf32, #tpu.memory_space<vmem>>
        tpu.vector_store_idx %scatter3A_783[%add3A_779], %get3A_770 : memref<16384xf32, #tpu.memory_space<vmem>>[vector<16xi32>], vector<16xf32>,
        %add3A_784 = vector.broadcast %add3A_763 : i32 to vector<16xi32>
        %add3A_785 = arith.addi %add3A_15, %add3A_784 : vector<16xi32>
        %scatter3A_786 = arith.constant 0 : i32
        %scatter3A_787 = arith.constant 0 : i32
        %scatter3A_788 = tpu.memref_slice %arg7[%scatter3A_786, %scatter3A_787] : memref<2x16384xf32, #tpu.memory_space<vmem>> -> memref<1x16384xf32, #tpu.memory_space<vmem>>
        %scatter3A_789 = tpu.memref_squeeze %scatter3A_788 : memref<1x16384xf32, #tpu.memory_space<vmem>> -> memref<16384xf32, #tpu.memory_space<vmem>>
        tpu.vector_store_idx %scatter3A_789[%add3A_785], %get3A_777 : memref<16384xf32, #tpu.memory_space<vmem>>[vector<16xi32>], vector<16xf32>,
        %add3A_790 = arith.constant 1024 : i32
        %add3A_791 = arith.addi %add3A_790, %add3A_761 : i32
        %get3A_792 = arith.constant 0 : i32
        %get3A_793 = arith.constant 1 : i32
        %get3A_794 = arith.index_cast %get3A_792 : i32 to index
        %get3A_795 = arith.index_cast %get3A_793 : i32 to index
        %get3A_796 = arith.index_cast %add3A_761 : i32 to index
        %get3A_797 = arith.constant 0 : index
        %get3A_798 = tpu.vector_load %arg6[%get3A_794, %get3A_795, %get3A_796, %get3A_797] {strides = array<i32>} : memref<2x4x128x32xf32, #tpu.memory_space<vmem>>, vector<16xf32>,
        %get3A_799 = arith.constant 0 : i32
        %get3A_800 = arith.constant 1 : i32
        %get3A_801 = arith.index_cast %get3A_799 : i32 to index
        %get3A_802 = arith.index_cast %get3A_800 : i32 to index
        %get3A_803 = arith.index_cast %add3A_761 : i32 to index
        %get3A_804 = arith.constant 16 : index
        %get3A_805 = tpu.vector_load %arg6[%get3A_801, %get3A_802, %get3A_803, %get3A_804] {strides = array<i32>} : memref<2x4x128x32xf32, #tpu.memory_space<vmem>>, vector<16xf32>,
        %add3A_806 = vector.broadcast %add3A_791 : i32 to vector<16xi32>
        %add3A_807 = arith.addi %add3A_12, %add3A_806 : vector<16xi32>
        %scatter3A_808 = arith.constant 0 : i32
        %scatter3A_809 = arith.constant 0 : i32
        %scatter3A_810 = tpu.memref_slice %arg7[%scatter3A_808, %scatter3A_809] : memref<2x16384xf32, #tpu.memory_space<vmem>> -> memref<1x16384xf32, #tpu.memory_space<vmem>>
        %scatter3A_811 = tpu.memref_squeeze %scatter3A_810 : memref<1x16384xf32, #tpu.memory_space<vmem>> -> memref<16384xf32, #tpu.memory_space<vmem>>
        tpu.vector_store_idx %scatter3A_811[%add3A_807], %get3A_798 : memref<16384xf32, #tpu.memory_space<vmem>>[vector<16xi32>], vector<16xf32>,
        %add3A_812 = vector.broadcast %add3A_791 : i32 to vector<16xi32>
        %add3A_813 = arith.addi %add3A_15, %add3A_812 : vector<16xi32>
        %scatter3A_814 = arith.constant 0 : i32
        %scatter3A_815 = arith.constant 0 : i32
        %scatter3A_816 = tpu.memref_slice %arg7[%scatter3A_814, %scatter3A_815] : memref<2x16384xf32, #tpu.memory_space<vmem>> -> memref<1x16384xf32, #tpu.memory_space<vmem>>
        %scatter3A_817 = tpu.memref_squeeze %scatter3A_816 : memref<1x16384xf32, #tpu.memory_space<vmem>> -> memref<16384xf32, #tpu.memory_space<vmem>>
        tpu.vector_store_idx %scatter3A_817[%add3A_813], %get3A_805 : memref<16384xf32, #tpu.memory_space<vmem>>[vector<16xi32>], vector<16xf32>,
        %add3A_818 = arith.constant 2048 : i32
        %add3A_819 = arith.addi %add3A_818, %add3A_761 : i32
        %get3A_820 = arith.constant 0 : i32
        %get3A_821 = arith.constant 2 : i32
        %get3A_822 = arith.index_cast %get3A_820 : i32 to index
        %get3A_823 = arith.index_cast %get3A_821 : i32 to index
        %get3A_824 = arith.index_cast %add3A_761 : i32 to index
        %get3A_825 = arith.constant 0 : index
        %get3A_826 = tpu.vector_load %arg6[%get3A_822, %get3A_823, %get3A_824, %get3A_825] {strides = array<i32>} : memref<2x4x128x32xf32, #tpu.memory_space<vmem>>, vector<16xf32>,
        %get3A_827 = arith.constant 0 : i32
        %get3A_828 = arith.constant 2 : i32
        %get3A_829 = arith.index_cast %get3A_827 : i32 to index
        %get3A_830 = arith.index_cast %get3A_828 : i32 to index
        %get3A_831 = arith.index_cast %add3A_761 : i32 to index
        %get3A_832 = arith.constant 16 : index
        %get3A_833 = tpu.vector_load %arg6[%get3A_829, %get3A_830, %get3A_831, %get3A_832] {strides = array<i32>} : memref<2x4x128x32xf32, #tpu.memory_space<vmem>>, vector<16xf32>,
        %add3A_834 = vector.broadcast %add3A_819 : i32 to vector<16xi32>
        %add3A_835 = arith.addi %add3A_12, %add3A_834 : vector<16xi32>
        %scatter3A_836 = arith.constant 0 : i32
        %scatter3A_837 = arith.constant 0 : i32
        %scatter3A_838 = tpu.memref_slice %arg7[%scatter3A_836, %scatter3A_837] : memref<2x16384xf32, #tpu.memory_space<vmem>> -> memref<1x16384xf32, #tpu.memory_space<vmem>>
        %scatter3A_839 = tpu.memref_squeeze %scatter3A_838 : memref<1x16384xf32, #tpu.memory_space<vmem>> -> memref<16384xf32, #tpu.memory_space<vmem>>
        tpu.vector_store_idx %scatter3A_839[%add3A_835], %get3A_826 : memref<16384xf32, #tpu.memory_space<vmem>>[vector<16xi32>], vector<16xf32>,
        %add3A_840 = vector.broadcast %add3A_819 : i32 to vector<16xi32>
        %add3A_841 = arith.addi %add3A_15, %add3A_840 : vector<16xi32>
        %scatter3A_842 = arith.constant 0 : i32
        %scatter3A_843 = arith.constant 0 : i32
        %scatter3A_844 = tpu.memref_slice %arg7[%scatter3A_842, %scatter3A_843] : memref<2x16384xf32, #tpu.memory_space<vmem>> -> memref<1x16384xf32, #tpu.memory_space<vmem>>
        %scatter3A_845 = tpu.memref_squeeze %scatter3A_844 : memref<1x16384xf32, #tpu.memory_space<vmem>> -> memref<16384xf32, #tpu.memory_space<vmem>>
        tpu.vector_store_idx %scatter3A_845[%add3A_841], %get3A_833 : memref<16384xf32, #tpu.memory_space<vmem>>[vector<16xi32>], vector<16xf32>,
        %add3A_846 = arith.constant 3072 : i32
        %add3A_847 = arith.addi %add3A_846, %add3A_761 : i32
        %get3A_848 = arith.constant 0 : i32
        %get3A_849 = arith.constant 3 : i32
        %get3A_850 = arith.index_cast %get3A_848 : i32 to index
        %get3A_851 = arith.index_cast %get3A_849 : i32 to index
        %get3A_852 = arith.index_cast %add3A_761 : i32 to index
        %get3A_853 = arith.constant 0 : index
        %get3A_854 = tpu.vector_load %arg6[%get3A_850, %get3A_851, %get3A_852, %get3A_853] {strides = array<i32>} : memref<2x4x128x32xf32, #tpu.memory_space<vmem>>, vector<16xf32>,
        %get3A_855 = arith.constant 0 : i32
        %get3A_856 = arith.constant 3 : i32
        %get3A_857 = arith.index_cast %get3A_855 : i32 to index
        %get3A_858 = arith.index_cast %get3A_856 : i32 to index
        %get3A_859 = arith.index_cast %add3A_761 : i32 to index
        %get3A_860 = arith.constant 16 : index
        %get3A_861 = tpu.vector_load %arg6[%get3A_857, %get3A_858, %get3A_859, %get3A_860] {strides = array<i32>} : memref<2x4x128x32xf32, #tpu.memory_space<vmem>>, vector<16xf32>,
        %add3A_862 = vector.broadcast %add3A_847 : i32 to vector<16xi32>
        %add3A_863 = arith.addi %add3A_12, %add3A_862 : vector<16xi32>
        %scatter3A_864 = arith.constant 0 : i32
        %scatter3A_865 = arith.constant 0 : i32
        %scatter3A_866 = tpu.memref_slice %arg7[%scatter3A_864, %scatter3A_865] : memref<2x16384xf32, #tpu.memory_space<vmem>> -> memref<1x16384xf32, #tpu.memory_space<vmem>>
        %scatter3A_867 = tpu.memref_squeeze %scatter3A_866 : memref<1x16384xf32, #tpu.memory_space<vmem>> -> memref<16384xf32, #tpu.memory_space<vmem>>
        tpu.vector_store_idx %scatter3A_867[%add3A_863], %get3A_854 : memref<16384xf32, #tpu.memory_space<vmem>>[vector<16xi32>], vector<16xf32>,
        %add3A_868 = vector.broadcast %add3A_847 : i32 to vector<16xi32>
        %add3A_869 = arith.addi %add3A_15, %add3A_868 : vector<16xi32>
        %scatter3A_870 = arith.constant 0 : i32
        %scatter3A_871 = arith.constant 0 : i32
        %scatter3A_872 = tpu.memref_slice %arg7[%scatter3A_870, %scatter3A_871] : memref<2x16384xf32, #tpu.memory_space<vmem>> -> memref<1x16384xf32, #tpu.memory_space<vmem>>
        %scatter3A_873 = tpu.memref_squeeze %scatter3A_872 : memref<1x16384xf32, #tpu.memory_space<vmem>> -> memref<16384xf32, #tpu.memory_space<vmem>>
        tpu.vector_store_idx %scatter3A_873[%add3A_869], %get3A_861 : memref<16384xf32, #tpu.memory_space<vmem>>[vector<16xi32>], vector<16xf32>,
        %mul3A_874 = arith.constant 4 : i32
        %mul3A_875 = arith.muli %mul3A_874, %scan3A_527 : i32
        %add3A_876 = arith.constant 3 : i32
        %add3A_877 = arith.addi %mul3A_875, %add3A_876 : i32
        %add3A_878 = arith.constant 0 : i32
        %add3A_879 = arith.addi %add3A_878, %add3A_877 : i32
        %get3A_880 = arith.constant 0 : i32
        %get3A_881 = arith.constant 0 : i32
        %get3A_882 = arith.index_cast %get3A_880 : i32 to index
        %get3A_883 = arith.index_cast %get3A_881 : i32 to index
        %get3A_884 = arith.index_cast %add3A_877 : i32 to index
        %get3A_885 = arith.constant 0 : index
        %get3A_886 = tpu.vector_load %arg6[%get3A_882, %get3A_883, %get3A_884, %get3A_885] {strides = array<i32>} : memref<2x4x128x32xf32, #tpu.memory_space<vmem>>, vector<16xf32>,
        %get3A_887 = arith.constant 0 : i32
        %get3A_888 = arith.constant 0 : i32
        %get3A_889 = arith.index_cast %get3A_887 : i32 to index
        %get3A_890 = arith.index_cast %get3A_888 : i32 to index
        %get3A_891 = arith.index_cast %add3A_877 : i32 to index
        %get3A_892 = arith.constant 16 : index
        %get3A_893 = tpu.vector_load %arg6[%get3A_889, %get3A_890, %get3A_891, %get3A_892] {strides = array<i32>} : memref<2x4x128x32xf32, #tpu.memory_space<vmem>>, vector<16xf32>,
        %add3A_894 = vector.broadcast %add3A_879 : i32 to vector<16xi32>
        %add3A_895 = arith.addi %add3A_12, %add3A_894 : vector<16xi32>
        %scatter3A_896 = arith.constant 0 : i32
        %scatter3A_897 = arith.constant 0 : i32
        %scatter3A_898 = tpu.memref_slice %arg7[%scatter3A_896, %scatter3A_897] : memref<2x16384xf32, #tpu.memory_space<vmem>> -> memref<1x16384xf32, #tpu.memory_space<vmem>>
        %scatter3A_899 = tpu.memref_squeeze %scatter3A_898 : memref<1x16384xf32, #tpu.memory_space<vmem>> -> memref<16384xf32, #tpu.memory_space<vmem>>
        tpu.vector_store_idx %scatter3A_899[%add3A_895], %get3A_886 : memref<16384xf32, #tpu.memory_space<vmem>>[vector<16xi32>], vector<16xf32>,
        %add3A_900 = vector.broadcast %add3A_879 : i32 to vector<16xi32>
        %add3A_901 = arith.addi %add3A_15, %add3A_900 : vector<16xi32>
        %scatter3A_902 = arith.constant 0 : i32
        %scatter3A_903 = arith.constant 0 : i32
        %scatter3A_904 = tpu.memref_slice %arg7[%scatter3A_902, %scatter3A_903] : memref<2x16384xf32, #tpu.memory_space<vmem>> -> memref<1x16384xf32, #tpu.memory_space<vmem>>
        %scatter3A_905 = tpu.memref_squeeze %scatter3A_904 : memref<1x16384xf32, #tpu.memory_space<vmem>> -> memref<16384xf32, #tpu.memory_space<vmem>>
        tpu.vector_store_idx %scatter3A_905[%add3A_901], %get3A_893 : memref<16384xf32, #tpu.memory_space<vmem>>[vector<16xi32>], vector<16xf32>,
        %add3A_906 = arith.constant 1024 : i32
        %add3A_907 = arith.addi %add3A_906, %add3A_877 : i32
        %get3A_908 = arith.constant 0 : i32
        %get3A_909 = arith.constant 1 : i32
        %get3A_910 = arith.index_cast %get3A_908 : i32 to index
        %get3A_911 = arith.index_cast %get3A_909 : i32 to index
        %get3A_912 = arith.index_cast %add3A_877 : i32 to index
        %get3A_913 = arith.constant 0 : index
        %get3A_914 = tpu.vector_load %arg6[%get3A_910, %get3A_911, %get3A_912, %get3A_913] {strides = array<i32>} : memref<2x4x128x32xf32, #tpu.memory_space<vmem>>, vector<16xf32>,
        %get3A_915 = arith.constant 0 : i32
        %get3A_916 = arith.constant 1 : i32
        %get3A_917 = arith.index_cast %get3A_915 : i32 to index
        %get3A_918 = arith.index_cast %get3A_916 : i32 to index
        %get3A_919 = arith.index_cast %add3A_877 : i32 to index
        %get3A_920 = arith.constant 16 : index
        %get3A_921 = tpu.vector_load %arg6[%get3A_917, %get3A_918, %get3A_919, %get3A_920] {strides = array<i32>} : memref<2x4x128x32xf32, #tpu.memory_space<vmem>>, vector<16xf32>,
        %add3A_922 = vector.broadcast %add3A_907 : i32 to vector<16xi32>
        %add3A_923 = arith.addi %add3A_12, %add3A_922 : vector<16xi32>
        %scatter3A_924 = arith.constant 0 : i32
        %scatter3A_925 = arith.constant 0 : i32
        %scatter3A_926 = tpu.memref_slice %arg7[%scatter3A_924, %scatter3A_925] : memref<2x16384xf32, #tpu.memory_space<vmem>> -> memref<1x16384xf32, #tpu.memory_space<vmem>>
        %scatter3A_927 = tpu.memref_squeeze %scatter3A_926 : memref<1x16384xf32, #tpu.memory_space<vmem>> -> memref<16384xf32, #tpu.memory_space<vmem>>
        tpu.vector_store_idx %scatter3A_927[%add3A_923], %get3A_914 : memref<16384xf32, #tpu.memory_space<vmem>>[vector<16xi32>], vector<16xf32>,
        %add3A_928 = vector.broadcast %add3A_907 : i32 to vector<16xi32>
        %add3A_929 = arith.addi %add3A_15, %add3A_928 : vector<16xi32>
        %scatter3A_930 = arith.constant 0 : i32
        %scatter3A_931 = arith.constant 0 : i32
        %scatter3A_932 = tpu.memref_slice %arg7[%scatter3A_930, %scatter3A_931] : memref<2x16384xf32, #tpu.memory_space<vmem>> -> memref<1x16384xf32, #tpu.memory_space<vmem>>
        %scatter3A_933 = tpu.memref_squeeze %scatter3A_932 : memref<1x16384xf32, #tpu.memory_space<vmem>> -> memref<16384xf32, #tpu.memory_space<vmem>>
        tpu.vector_store_idx %scatter3A_933[%add3A_929], %get3A_921 : memref<16384xf32, #tpu.memory_space<vmem>>[vector<16xi32>], vector<16xf32>,
        %add3A_934 = arith.constant 2048 : i32
        %add3A_935 = arith.addi %add3A_934, %add3A_877 : i32
        %get3A_936 = arith.constant 0 : i32
        %get3A_937 = arith.constant 2 : i32
        %get3A_938 = arith.index_cast %get3A_936 : i32 to index
        %get3A_939 = arith.index_cast %get3A_937 : i32 to index
        %get3A_940 = arith.index_cast %add3A_877 : i32 to index
        %get3A_941 = arith.constant 0 : index
        %get3A_942 = tpu.vector_load %arg6[%get3A_938, %get3A_939, %get3A_940, %get3A_941] {strides = array<i32>} : memref<2x4x128x32xf32, #tpu.memory_space<vmem>>, vector<16xf32>,
        %get3A_943 = arith.constant 0 : i32
        %get3A_944 = arith.constant 2 : i32
        %get3A_945 = arith.index_cast %get3A_943 : i32 to index
        %get3A_946 = arith.index_cast %get3A_944 : i32 to index
        %get3A_947 = arith.index_cast %add3A_877 : i32 to index
        %get3A_948 = arith.constant 16 : index
        %get3A_949 = tpu.vector_load %arg6[%get3A_945, %get3A_946, %get3A_947, %get3A_948] {strides = array<i32>} : memref<2x4x128x32xf32, #tpu.memory_space<vmem>>, vector<16xf32>,
        %add3A_950 = vector.broadcast %add3A_935 : i32 to vector<16xi32>
        %add3A_951 = arith.addi %add3A_12, %add3A_950 : vector<16xi32>
        %scatter3A_952 = arith.constant 0 : i32
        %scatter3A_953 = arith.constant 0 : i32
        %scatter3A_954 = tpu.memref_slice %arg7[%scatter3A_952, %scatter3A_953] : memref<2x16384xf32, #tpu.memory_space<vmem>> -> memref<1x16384xf32, #tpu.memory_space<vmem>>
        %scatter3A_955 = tpu.memref_squeeze %scatter3A_954 : memref<1x16384xf32, #tpu.memory_space<vmem>> -> memref<16384xf32, #tpu.memory_space<vmem>>
        tpu.vector_store_idx %scatter3A_955[%add3A_951], %get3A_942 : memref<16384xf32, #tpu.memory_space<vmem>>[vector<16xi32>], vector<16xf32>,
        %add3A_956 = vector.broadcast %add3A_935 : i32 to vector<16xi32>
        %add3A_957 = arith.addi %add3A_15, %add3A_956 : vector<16xi32>
        %scatter3A_958 = arith.constant 0 : i32
        %scatter3A_959 = arith.constant 0 : i32
        %scatter3A_960 = tpu.memref_slice %arg7[%scatter3A_958, %scatter3A_959] : memref<2x16384xf32, #tpu.memory_space<vmem>> -> memref<1x16384xf32, #tpu.memory_space<vmem>>
        %scatter3A_961 = tpu.memref_squeeze %scatter3A_960 : memref<1x16384xf32, #tpu.memory_space<vmem>> -> memref<16384xf32, #tpu.memory_space<vmem>>
        tpu.vector_store_idx %scatter3A_961[%add3A_957], %get3A_949 : memref<16384xf32, #tpu.memory_space<vmem>>[vector<16xi32>], vector<16xf32>,
        %add3A_962 = arith.constant 3072 : i32
        %add3A_963 = arith.addi %add3A_962, %add3A_877 : i32
        %get3A_964 = arith.constant 0 : i32
        %get3A_965 = arith.constant 3 : i32
        %get3A_966 = arith.index_cast %get3A_964 : i32 to index
        %get3A_967 = arith.index_cast %get3A_965 : i32 to index
        %get3A_968 = arith.index_cast %add3A_877 : i32 to index
        %get3A_969 = arith.constant 0 : index
        %get3A_970 = tpu.vector_load %arg6[%get3A_966, %get3A_967, %get3A_968, %get3A_969] {strides = array<i32>} : memref<2x4x128x32xf32, #tpu.memory_space<vmem>>, vector<16xf32>,
        %get3A_971 = arith.constant 0 : i32
        %get3A_972 = arith.constant 3 : i32
        %get3A_973 = arith.index_cast %get3A_971 : i32 to index
        %get3A_974 = arith.index_cast %get3A_972 : i32 to index
        %get3A_975 = arith.index_cast %add3A_877 : i32 to index
        %get3A_976 = arith.constant 16 : index
        %get3A_977 = tpu.vector_load %arg6[%get3A_973, %get3A_974, %get3A_975, %get3A_976] {strides = array<i32>} : memref<2x4x128x32xf32, #tpu.memory_space<vmem>>, vector<16xf32>,
        %add3A_978 = vector.broadcast %add3A_963 : i32 to vector<16xi32>
        %add3A_979 = arith.addi %add3A_12, %add3A_978 : vector<16xi32>
        %scatter3A_980 = arith.constant 0 : i32
        %scatter3A_981 = arith.constant 0 : i32
        %scatter3A_982 = tpu.memref_slice %arg7[%scatter3A_980, %scatter3A_981] : memref<2x16384xf32, #tpu.memory_space<vmem>> -> memref<1x16384xf32, #tpu.memory_space<vmem>>
        %scatter3A_983 = tpu.memref_squeeze %scatter3A_982 : memref<1x16384xf32, #tpu.memory_space<vmem>> -> memref<16384xf32, #tpu.memory_space<vmem>>
        tpu.vector_store_idx %scatter3A_983[%add3A_979], %get3A_970 : memref<16384xf32, #tpu.memory_space<vmem>>[vector<16xi32>], vector<16xf32>,
        %add3A_984 = vector.broadcast %add3A_963 : i32 to vector<16xi32>
        %add3A_985 = arith.addi %add3A_15, %add3A_984 : vector<16xi32>
        %scatter3A_986 = arith.constant 0 : i32
        %scatter3A_987 = arith.constant 0 : i32
        %scatter3A_988 = tpu.memref_slice %arg7[%scatter3A_986, %scatter3A_987] : memref<2x16384xf32, #tpu.memory_space<vmem>> -> memref<1x16384xf32, #tpu.memory_space<vmem>>
        %scatter3A_989 = tpu.memref_squeeze %scatter3A_988 : memref<1x16384xf32, #tpu.memory_space<vmem>> -> memref<16384xf32, #tpu.memory_space<vmem>>
        tpu.vector_store_idx %scatter3A_989[%add3A_985], %get3A_977 : memref<16384xf32, #tpu.memory_space<vmem>>[vector<16xi32>], vector<16xf32>,
      }
      %scan3A_322 = arith.constant 32 : i32
      %mul3A_323 = arith.constant 4096 : i32
      %mul3A_324 = arith.muli %add3A, %mul3A_323 : i32
      %dma_start3A_325 = arith.constant 0 : i32
      %dma_start3A_326 = arith.constant 0 : i32
      %dma_start3A_327 = arith.constant 0 : i32
      %dma_start3A_328 = tpu.memref_slice %arg7[%dma_start3A_325, %dma_start3A_327] : memref<2x16384xf32, #tpu.memory_space<vmem>> -> memref<1x4096xf32, #tpu.memory_space<vmem>>
      %dma_start3A_329 = tpu.memref_squeeze %dma_start3A_328 : memref<1x4096xf32, #tpu.memory_space<vmem>> -> memref<4096xf32, #tpu.memory_space<vmem>>
      %dma_start3A_330 = tpu.memref_slice %arg4[%add3A_250, %dma_start3A_326, %mul3A_324] : memref<50x4x131072xf32, #tpu.memory_space<hbm>> -> memref<1x1x4096xf32, #tpu.memory_space<hbm>>
      %dma_start3A_331 = tpu.memref_squeeze %dma_start3A_330 : memref<1x1x4096xf32, #tpu.memory_space<hbm>> -> memref<4096xf32, #tpu.memory_space<hbm>>
      %dma_start3A_332 = tpu.memref_slice %arg4[%add3A_250, %dma_start3A_326, %mul3A_324] : memref<50x4x131072xf32, #tpu.memory_space<hbm>> -> memref<1x1x4096xf32, #tpu.memory_space<hbm>>
      %dma_start3A_333 = tpu.memref_squeeze %dma_start3A_332 : memref<1x1x4096xf32, #tpu.memory_space<hbm>> -> memref<4096xf32, #tpu.memory_space<hbm>>
      %dma_start3A_334 = arith.constant 0 : i32
      %dma_start3A_335 = tpu.memref_slice %arg7[%dma_start3A_325, %dma_start3A_334] : memref<2x16384xf32, #tpu.memory_space<vmem>> -> memref<1x4096xf32, #tpu.memory_space<vmem>>
      %dma_start3A_336 = tpu.memref_squeeze %dma_start3A_335 : memref<1x4096xf32, #tpu.memory_space<vmem>> -> memref<4096xf32, #tpu.memory_space<vmem>>
      tpu.enqueue_dma source(%dma_start3A_336 : memref<4096xf32, #tpu.memory_space<vmem>>) target(%dma_start3A_333 : memref<4096xf32, #tpu.memory_space<hbm>>) target_semaphore(%arg10 : memref<!tpu.dma_semaphore, #tpu.memory_space<semaphore_mem>>)
      %mul3A_337 = arith.constant 4096 : i32
      %mul3A_338 = arith.muli %add3A, %mul3A_337 : i32
      %dma_start3A_339 = arith.constant 0 : i32
      %dma_start3A_340 = arith.constant 1 : i32
      %dma_start3A_341 = arith.constant 4096 : i32
      %dma_start3A_342 = tpu.memref_slice %arg7[%dma_start3A_339, %dma_start3A_341] : memref<2x16384xf32, #tpu.memory_space<vmem>> -> memref<1x4096xf32, #tpu.memory_space<vmem>>
      %dma_start3A_343 = tpu.memref_squeeze %dma_start3A_342 : memref<1x4096xf32, #tpu.memory_space<vmem>> -> memref<4096xf32, #tpu.memory_space<vmem>>
      %dma_start3A_344 = tpu.memref_slice %arg4[%add3A_250, %dma_start3A_340, %mul3A_338] : memref<50x4x131072xf32, #tpu.memory_space<hbm>> -> memref<1x1x4096xf32, #tpu.memory_space<hbm>>
      %dma_start3A_345 = tpu.memref_squeeze %dma_start3A_344 : memref<1x1x4096xf32, #tpu.memory_space<hbm>> -> memref<4096xf32, #tpu.memory_space<hbm>>
      %dma_start3A_346 = tpu.memref_slice %arg4[%add3A_250, %dma_start3A_340, %mul3A_338] : memref<50x4x131072xf32, #tpu.memory_space<hbm>> -> memref<1x1x4096xf32, #tpu.memory_space<hbm>>
      %dma_start3A_347 = tpu.memref_squeeze %dma_start3A_346 : memref<1x1x4096xf32, #tpu.memory_space<hbm>> -> memref<4096xf32, #tpu.memory_space<hbm>>
      %dma_start3A_348 = arith.constant 4096 : i32
      %dma_start3A_349 = tpu.memref_slice %arg7[%dma_start3A_339, %dma_start3A_348] : memref<2x16384xf32, #tpu.memory_space<vmem>> -> memref<1x4096xf32, #tpu.memory_space<vmem>>
      %dma_start3A_350 = tpu.memref_squeeze %dma_start3A_349 : memref<1x4096xf32, #tpu.memory_space<vmem>> -> memref<4096xf32, #tpu.memory_space<vmem>>
      tpu.enqueue_dma source(%dma_start3A_350 : memref<4096xf32, #tpu.memory_space<vmem>>) target(%dma_start3A_347 : memref<4096xf32, #tpu.memory_space<hbm>>) target_semaphore(%arg10 : memref<!tpu.dma_semaphore, #tpu.memory_space<semaphore_mem>>)
      %mul3A_351 = arith.constant 4096 : i32
      %mul3A_352 = arith.muli %add3A, %mul3A_351 : i32
      %dma_start3A_353 = arith.constant 0 : i32
      %dma_start3A_354 = arith.constant 2 : i32
      %dma_start3A_355 = arith.constant 8192 : i32
      %dma_start3A_356 = tpu.memref_slice %arg7[%dma_start3A_353, %dma_start3A_355] : memref<2x16384xf32, #tpu.memory_space<vmem>> -> memref<1x4096xf32, #tpu.memory_space<vmem>>
      %dma_start3A_357 = tpu.memref_squeeze %dma_start3A_356 : memref<1x4096xf32, #tpu.memory_space<vmem>> -> memref<4096xf32, #tpu.memory_space<vmem>>
      %dma_start3A_358 = tpu.memref_slice %arg4[%add3A_250, %dma_start3A_354, %mul3A_352] : memref<50x4x131072xf32, #tpu.memory_space<hbm>> -> memref<1x1x4096xf32, #tpu.memory_space<hbm>>
      %dma_start3A_359 = tpu.memref_squeeze %dma_start3A_358 : memref<1x1x4096xf32, #tpu.memory_space<hbm>> -> memref<4096xf32, #tpu.memory_space<hbm>>
      %dma_start3A_360 = tpu.memref_slice %arg4[%add3A_250, %dma_start3A_354, %mul3A_352] : memref<50x4x131072xf32, #tpu.memory_space<hbm>> -> memref<1x1x4096xf32, #tpu.memory_space<hbm>>
      %dma_start3A_361 = tpu.memref_squeeze %dma_start3A_360 : memref<1x1x4096xf32, #tpu.memory_space<hbm>> -> memref<4096xf32, #tpu.memory_space<hbm>>
      %dma_start3A_362 = arith.constant 8192 : i32
      %dma_start3A_363 = tpu.memref_slice %arg7[%dma_start3A_353, %dma_start3A_362] : memref<2x16384xf32, #tpu.memory_space<vmem>> -> memref<1x4096xf32, #tpu.memory_space<vmem>>
      %dma_start3A_364 = tpu.memref_squeeze %dma_start3A_363 : memref<1x4096xf32, #tpu.memory_space<vmem>> -> memref<4096xf32, #tpu.memory_space<vmem>>
      tpu.enqueue_dma source(%dma_start3A_364 : memref<4096xf32, #tpu.memory_space<vmem>>) target(%dma_start3A_361 : memref<4096xf32, #tpu.memory_space<hbm>>) target_semaphore(%arg10 : memref<!tpu.dma_semaphore, #tpu.memory_space<semaphore_mem>>)
      %mul3A_365 = arith.constant 4096 : i32
      %mul3A_366 = arith.muli %add3A, %mul3A_365 : i32
      %dma_start3A_367 = arith.constant 0 : i32
      %dma_start3A_368 = arith.constant 3 : i32
      %dma_start3A_369 = arith.constant 12288 : i32
      %dma_start3A_370 = tpu.memref_slice %arg7[%dma_start3A_367, %dma_start3A_369] : memref<2x16384xf32, #tpu.memory_space<vmem>> -> memref<1x4096xf32, #tpu.memory_space<vmem>>
      %dma_start3A_371 = tpu.memref_squeeze %dma_start3A_370 : memref<1x4096xf32, #tpu.memory_space<vmem>> -> memref<4096xf32, #tpu.memory_space<vmem>>
      %dma_start3A_372 = tpu.memref_slice %arg4[%add3A_250, %dma_start3A_368, %mul3A_366] : memref<50x4x131072xf32, #tpu.memory_space<hbm>> -> memref<1x1x4096xf32, #tpu.memory_space<hbm>>
      %dma_start3A_373 = tpu.memref_squeeze %dma_start3A_372 : memref<1x1x4096xf32, #tpu.memory_space<hbm>> -> memref<4096xf32, #tpu.memory_space<hbm>>
      %dma_start3A_374 = tpu.memref_slice %arg4[%add3A_250, %dma_start3A_368, %mul3A_366] : memref<50x4x131072xf32, #tpu.memory_space<hbm>> -> memref<1x1x4096xf32, #tpu.memory_space<hbm>>
      %dma_start3A_375 = tpu.memref_squeeze %dma_start3A_374 : memref<1x1x4096xf32, #tpu.memory_space<hbm>> -> memref<4096xf32, #tpu.memory_space<hbm>>
      %dma_start3A_376 = arith.constant 12288 : i32
      %dma_start3A_377 = tpu.memref_slice %arg7[%dma_start3A_367, %dma_start3A_376] : memref<2x16384xf32, #tpu.memory_space<vmem>> -> memref<1x4096xf32, #tpu.memory_space<vmem>>
      %dma_start3A_378 = tpu.memref_squeeze %dma_start3A_377 : memref<1x4096xf32, #tpu.memory_space<vmem>> -> memref<4096xf32, #tpu.memory_space<vmem>>
      tpu.enqueue_dma source(%dma_start3A_378 : memref<4096xf32, #tpu.memory_space<vmem>>) target(%dma_start3A_375 : memref<4096xf32, #tpu.memory_space<hbm>>) target_semaphore(%arg10 : memref<!tpu.dma_semaphore, #tpu.memory_space<semaphore_mem>>)
      %add3A_379 = arith.constant 2 : i32
      %add3A_380 = arith.addi %add3A_250, %add3A_379 : i32
      %lt3A = arith.constant 50 : i32
      %lt3A_381 = arith.cmpi slt, %add3A_380, %lt3A : i32
      %convert_element_type3A_382 = arith.extui %lt3A_381 : i1 to i32
      %cond3A_383 = arith.constant 0 : i32
      %cond3A_384 = arith.cmpi ne, %convert_element_type3A_382, %cond3A_383 : i32
      scf.if %cond3A_384 {
        %add3A_527 = arith.constant 2 : i32
        %add3A_528 = arith.addi %add3A_250, %add3A_527 : i32
        %run_scoped3A_529 = arith.constant 0 : i32
        "tpu.region"() ({
          %run_scoped3A_582 = tpu.sem_alloc : memref<!tpu.dma_semaphore, #tpu.memory_space<semaphore_mem>>
          %dma_start3A_583 = arith.constant 0 : i32
          %dma_start3A_584 = tpu.memref_slice %arg5[%run_scoped3A_529, %dma_start3A_583] : memref<2x512xi32, #tpu.memory_space<vmem>> -> memref<1x512xi32, #tpu.memory_space<vmem>>
          %dma_start3A_585 = tpu.memref_squeeze %dma_start3A_584 : memref<1x512xi32, #tpu.memory_space<vmem>> -> memref<512xi32, #tpu.memory_space<vmem>>
          %dma_start3A_586 = tpu.memref_slice %arg2[%add3A_528, %mul3A_2] : memref<50x16384xi32, #tpu.memory_space<hbm>> -> memref<1x512xi32, #tpu.memory_space<hbm>>
          %dma_start3A_587 = tpu.memref_squeeze %dma_start3A_586 : memref<1x512xi32, #tpu.memory_space<hbm>> -> memref<512xi32, #tpu.memory_space<hbm>>
          %dma_start3A_588 = arith.constant 0 : i32
          %dma_start3A_589 = tpu.memref_slice %arg5[%run_scoped3A_529, %dma_start3A_588] : memref<2x512xi32, #tpu.memory_space<vmem>> -> memref<1x512xi32, #tpu.memory_space<vmem>>
          %dma_start3A_590 = tpu.memref_squeeze %dma_start3A_589 : memref<1x512xi32, #tpu.memory_space<vmem>> -> memref<512xi32, #tpu.memory_space<vmem>>
          %dma_start3A_591 = tpu.memref_slice %arg2[%add3A_528, %mul3A_2] : memref<50x16384xi32, #tpu.memory_space<hbm>> -> memref<1x512xi32, #tpu.memory_space<hbm>>
          %dma_start3A_592 = tpu.memref_squeeze %dma_start3A_591 : memref<1x512xi32, #tpu.memory_space<hbm>> -> memref<512xi32, #tpu.memory_space<hbm>>
          tpu.enqueue_dma source(%dma_start3A_592 : memref<512xi32, #tpu.memory_space<hbm>>) target(%dma_start3A_590 : memref<512xi32, #tpu.memory_space<vmem>>) target_semaphore(%run_scoped3A_582 : memref<!tpu.dma_semaphore, #tpu.memory_space<semaphore_mem>>)
          %dma_wait3A_593 = arith.constant 0 : i32
          %dma_wait3A_594 = tpu.memref_slice %arg5[%run_scoped3A_529, %dma_wait3A_593] : memref<2x512xi32, #tpu.memory_space<vmem>> -> memref<1x512xi32, #tpu.memory_space<vmem>>
          %dma_wait3A_595 = tpu.memref_squeeze %dma_wait3A_594 : memref<1x512xi32, #tpu.memory_space<vmem>> -> memref<512xi32, #tpu.memory_space<vmem>>
          %dma_wait3A_596 = tpu.memref_slice %arg2[%add3A_528, %mul3A_2] : memref<50x16384xi32, #tpu.memory_space<hbm>> -> memref<1x512xi32, #tpu.memory_space<hbm>>
          %dma_wait3A_597 = tpu.memref_squeeze %dma_wait3A_596 : memref<1x512xi32, #tpu.memory_space<hbm>> -> memref<512xi32, #tpu.memory_space<hbm>>
          %dma_wait3A_598 = arith.constant 0 : i32
          %dma_wait3A_599 = tpu.memref_slice %arg5[%run_scoped3A_529, %dma_wait3A_598] : memref<2x512xi32, #tpu.memory_space<vmem>> -> memref<1x512xi32, #tpu.memory_space<vmem>>
          %dma_wait3A_600 = tpu.memref_squeeze %dma_wait3A_599 : memref<1x512xi32, #tpu.memory_space<vmem>> -> memref<512xi32, #tpu.memory_space<vmem>>
          %dma_wait3A_601 = tpu.memref_slice %arg2[%add3A_528, %mul3A_2] : memref<50x16384xi32, #tpu.memory_space<hbm>> -> memref<1x512xi32, #tpu.memory_space<hbm>>
          %dma_wait3A_602 = tpu.memref_squeeze %dma_wait3A_601 : memref<1x512xi32, #tpu.memory_space<hbm>> -> memref<512xi32, #tpu.memory_space<hbm>>
          tpu.wait_dma2 semaphore(%run_scoped3A_582 : memref<!tpu.dma_semaphore, #tpu.memory_space<semaphore_mem>>) src(%dma_wait3A_602 : memref<512xi32, #tpu.memory_space<hbm>>) dst(%dma_wait3A_600 : memref<512xi32, #tpu.memory_space<vmem>>)
          tpu.yield
        }) : () -> ()
        %dma_start3A_530 = arith.constant 0 : i32
        %dma_start3A_531 = arith.constant 0 : i32
        %dma_start3A_532 = arith.constant 0 : i32
        %dma_start3A_533 = arith.constant 0 : i32
        %dma_start3A_534 = arith.constant 0 : i32
        %dma_start3A_535 = tpu.memref_slice %arg6[%dma_start3A_531, %dma_start3A_532, %dma_start3A_533, %dma_start3A_534] : memref<2x4x128x32xf32, #tpu.memory_space<vmem>> -> memref<1x1x128x32xf32, #tpu.memory_space<vmem>>
        %dma_start3A_536 = tpu.memref_squeeze %dma_start3A_535 : memref<1x1x128x32xf32, #tpu.memory_space<vmem>> -> memref<128x32xf32, #tpu.memory_space<vmem>>
        %dma_start3A_537 = arith.constant 0 : i32
        %dma_start3A_538 = tpu.memref_slice %arg5[%dma_start3A_530, %dma_start3A_537] : memref<2x512xi32, #tpu.memory_space<vmem>> -> memref<1x128xi32, #tpu.memory_space<vmem>>
        %dma_start3A_539 = tpu.memref_squeeze %dma_start3A_538 : memref<1x128xi32, #tpu.memory_space<vmem>> -> memref<128xi32, #tpu.memory_space<vmem>>
        %dma_start3A_540 = arith.constant 0 : i32
        %dma_start3A_541 = arith.constant 0 : i32
        %dma_start3A_542 = tpu.memref_slice %arg3[%dma_start3A_540, %dma_start3A_541] : memref<1000000x32xf32, #tpu.memory_space<hbm>> -> memref<1000000x32xf32, #tpu.memory_space<hbm>>
        tpu.enqueue_indirect_dma source(%dma_start3A_542 : memref<1000000x32xf32, #tpu.memory_space<hbm>>) target(%dma_start3A_536 : memref<128x32xf32, #tpu.memory_space<vmem>>) offsets(%dma_start3A_539 : memref<128xi32, #tpu.memory_space<vmem>>) semaphore(%arg8 : memref<!tpu.dma_semaphore, #tpu.memory_space<semaphore_mem>>)
        %dma_start3A_543 = arith.constant 0 : i32
        %dma_start3A_544 = arith.constant 0 : i32
        %dma_start3A_545 = arith.constant 1 : i32
        %dma_start3A_546 = arith.constant 0 : i32
        %dma_start3A_547 = arith.constant 0 : i32
        %dma_start3A_548 = tpu.memref_slice %arg6[%dma_start3A_544, %dma_start3A_545, %dma_start3A_546, %dma_start3A_547] : memref<2x4x128x32xf32, #tpu.memory_space<vmem>> -> memref<1x1x128x32xf32, #tpu.memory_space<vmem>>
        %dma_start3A_549 = tpu.memref_squeeze %dma_start3A_548 : memref<1x1x128x32xf32, #tpu.memory_space<vmem>> -> memref<128x32xf32, #tpu.memory_space<vmem>>
        %dma_start3A_550 = arith.constant 128 : i32
        %dma_start3A_551 = tpu.memref_slice %arg5[%dma_start3A_543, %dma_start3A_550] : memref<2x512xi32, #tpu.memory_space<vmem>> -> memref<1x128xi32, #tpu.memory_space<vmem>>
        %dma_start3A_552 = tpu.memref_squeeze %dma_start3A_551 : memref<1x128xi32, #tpu.memory_space<vmem>> -> memref<128xi32, #tpu.memory_space<vmem>>
        %dma_start3A_553 = arith.constant 0 : i32
        %dma_start3A_554 = arith.constant 0 : i32
        %dma_start3A_555 = tpu.memref_slice %arg3[%dma_start3A_553, %dma_start3A_554] : memref<1000000x32xf32, #tpu.memory_space<hbm>> -> memref<1000000x32xf32, #tpu.memory_space<hbm>>
        tpu.enqueue_indirect_dma source(%dma_start3A_555 : memref<1000000x32xf32, #tpu.memory_space<hbm>>) target(%dma_start3A_549 : memref<128x32xf32, #tpu.memory_space<vmem>>) offsets(%dma_start3A_552 : memref<128xi32, #tpu.memory_space<vmem>>) semaphore(%arg8 : memref<!tpu.dma_semaphore, #tpu.memory_space<semaphore_mem>>)
        %dma_start3A_556 = arith.constant 0 : i32
        %dma_start3A_557 = arith.constant 0 : i32
        %dma_start3A_558 = arith.constant 2 : i32
        %dma_start3A_559 = arith.constant 0 : i32
        %dma_start3A_560 = arith.constant 0 : i32
        %dma_start3A_561 = tpu.memref_slice %arg6[%dma_start3A_557, %dma_start3A_558, %dma_start3A_559, %dma_start3A_560] : memref<2x4x128x32xf32, #tpu.memory_space<vmem>> -> memref<1x1x128x32xf32, #tpu.memory_space<vmem>>
        %dma_start3A_562 = tpu.memref_squeeze %dma_start3A_561 : memref<1x1x128x32xf32, #tpu.memory_space<vmem>> -> memref<128x32xf32, #tpu.memory_space<vmem>>
        %dma_start3A_563 = arith.constant 256 : i32
        %dma_start3A_564 = tpu.memref_slice %arg5[%dma_start3A_556, %dma_start3A_563] : memref<2x512xi32, #tpu.memory_space<vmem>> -> memref<1x128xi32, #tpu.memory_space<vmem>>
        %dma_start3A_565 = tpu.memref_squeeze %dma_start3A_564 : memref<1x128xi32, #tpu.memory_space<vmem>> -> memref<128xi32, #tpu.memory_space<vmem>>
        %dma_start3A_566 = arith.constant 0 : i32
        %dma_start3A_567 = arith.constant 0 : i32
        %dma_start3A_568 = tpu.memref_slice %arg3[%dma_start3A_566, %dma_start3A_567] : memref<1000000x32xf32, #tpu.memory_space<hbm>> -> memref<1000000x32xf32, #tpu.memory_space<hbm>>
        tpu.enqueue_indirect_dma source(%dma_start3A_568 : memref<1000000x32xf32, #tpu.memory_space<hbm>>) target(%dma_start3A_562 : memref<128x32xf32, #tpu.memory_space<vmem>>) offsets(%dma_start3A_565 : memref<128xi32, #tpu.memory_space<vmem>>) semaphore(%arg8 : memref<!tpu.dma_semaphore, #tpu.memory_space<semaphore_mem>>)
        %dma_start3A_569 = arith.constant 0 : i32
        %dma_start3A_570 = arith.constant 0 : i32
        %dma_start3A_571 = arith.constant 3 : i32
        %dma_start3A_572 = arith.constant 0 : i32
        %dma_start3A_573 = arith.constant 0 : i32
        %dma_start3A_574 = tpu.memref_slice %arg6[%dma_start3A_570, %dma_start3A_571, %dma_start3A_572, %dma_start3A_573] : memref<2x4x128x32xf32, #tpu.memory_space<vmem>> -> memref<1x1x128x32xf32, #tpu.memory_space<vmem>>
        %dma_start3A_575 = tpu.memref_squeeze %dma_start3A_574 : memref<1x1x128x32xf32, #tpu.memory_space<vmem>> -> memref<128x32xf32, #tpu.memory_space<vmem>>
        %dma_start3A_576 = arith.constant 384 : i32
        %dma_start3A_577 = tpu.memref_slice %arg5[%dma_start3A_569, %dma_start3A_576] : memref<2x512xi32, #tpu.memory_space<vmem>> -> memref<1x128xi32, #tpu.memory_space<vmem>>
        %dma_start3A_578 = tpu.memref_squeeze %dma_start3A_577 : memref<1x128xi32, #tpu.memory_space<vmem>> -> memref<128xi32, #tpu.memory_space<vmem>>
        %dma_start3A_579 = arith.constant 0 : i32
        %dma_start3A_580 = arith.constant 0 : i32
        %dma_start3A_581 = tpu.memref_slice %arg3[%dma_start3A_579, %dma_start3A_580] : memref<1000000x32xf32, #tpu.memory_space<hbm>> -> memref<1000000x32xf32, #tpu.memory_space<hbm>>
        tpu.enqueue_indirect_dma source(%dma_start3A_581 : memref<1000000x32xf32, #tpu.memory_space<hbm>>) target(%dma_start3A_575 : memref<128x32xf32, #tpu.memory_space<vmem>>) offsets(%dma_start3A_578 : memref<128xi32, #tpu.memory_space<vmem>>) semaphore(%arg8 : memref<!tpu.dma_semaphore, #tpu.memory_space<semaphore_mem>>)
      } else {
      }
      %mul3A_385 = arith.constant 2 : i32
      %mul3A_386 = arith.muli %mul3A_385, %scan3A_246 : i32
      %add3A_387 = arith.constant 1 : i32
      %add3A_388 = arith.addi %mul3A_386, %add3A_387 : i32
      %dma_wait3A_389 = arith.constant 1 : i32
      %dma_wait3A_390 = arith.constant 0 : i32
      %dma_wait3A_391 = arith.constant 0 : i32
      %dma_wait3A_392 = arith.constant 0 : i32
      %dma_wait3A_393 = tpu.memref_slice %arg6[%dma_wait3A_389, %dma_wait3A_390, %dma_wait3A_391, %dma_wait3A_392] : memref<2x4x128x32xf32, #tpu.memory_space<vmem>> -> memref<1x1x128x32xf32, #tpu.memory_space<vmem>>
      %dma_wait3A_394 = tpu.memref_squeeze %dma_wait3A_393 : memref<1x1x128x32xf32, #tpu.memory_space<vmem>> -> memref<128x32xf32, #tpu.memory_space<vmem>>
      %dma_wait3A_395 = arith.constant 0 : i32
      %dma_wait3A_396 = arith.constant 0 : i32
      %dma_wait3A_397 = tpu.memref_slice %arg3[%dma_wait3A_395, %dma_wait3A_396] : memref<1000000x32xf32, #tpu.memory_space<hbm>> -> memref<128x32xf32, #tpu.memory_space<hbm>>
      %dma_wait3A_398 = arith.constant 0 : i32
      %dma_wait3A_399 = arith.constant 0 : i32
      %dma_wait3A_400 = tpu.memref_slice %arg6[%dma_wait3A_389, %dma_wait3A_390, %dma_wait3A_398, %dma_wait3A_399] : memref<2x4x128x32xf32, #tpu.memory_space<vmem>> -> memref<1x1x128x32xf32, #tpu.memory_space<vmem>>
      %dma_wait3A_401 = tpu.memref_squeeze %dma_wait3A_400 : memref<1x1x128x32xf32, #tpu.memory_space<vmem>> -> memref<128x32xf32, #tpu.memory_space<vmem>>
      %dma_wait3A_402 = arith.constant 0 : i32
      %dma_wait3A_403 = arith.constant 0 : i32
      %dma_wait3A_404 = tpu.memref_slice %arg3[%dma_wait3A_402, %dma_wait3A_403] : memref<1000000x32xf32, #tpu.memory_space<hbm>> -> memref<128x32xf32, #tpu.memory_space<hbm>>
      tpu.wait_dma2 semaphore(%arg9 : memref<!tpu.dma_semaphore, #tpu.memory_space<semaphore_mem>>) src(%dma_wait3A_404 : memref<128x32xf32, #tpu.memory_space<hbm>>) dst(%dma_wait3A_401 : memref<128x32xf32, #tpu.memory_space<vmem>>)
      %dma_wait3A_405 = arith.constant 1 : i32
      %dma_wait3A_406 = arith.constant 1 : i32
      %dma_wait3A_407 = arith.constant 0 : i32
      %dma_wait3A_408 = arith.constant 0 : i32
      %dma_wait3A_409 = tpu.memref_slice %arg6[%dma_wait3A_405, %dma_wait3A_406, %dma_wait3A_407, %dma_wait3A_408] : memref<2x4x128x32xf32, #tpu.memory_space<vmem>> -> memref<1x1x128x32xf32, #tpu.memory_space<vmem>>
      %dma_wait3A_410 = tpu.memref_squeeze %dma_wait3A_409 : memref<1x1x128x32xf32, #tpu.memory_space<vmem>> -> memref<128x32xf32, #tpu.memory_space<vmem>>
      %dma_wait3A_411 = arith.constant 0 : i32
      %dma_wait3A_412 = arith.constant 0 : i32
      %dma_wait3A_413 = tpu.memref_slice %arg3[%dma_wait3A_411, %dma_wait3A_412] : memref<1000000x32xf32, #tpu.memory_space<hbm>> -> memref<128x32xf32, #tpu.memory_space<hbm>>
      %dma_wait3A_414 = arith.constant 0 : i32
      %dma_wait3A_415 = arith.constant 0 : i32
      %dma_wait3A_416 = tpu.memref_slice %arg6[%dma_wait3A_405, %dma_wait3A_406, %dma_wait3A_414, %dma_wait3A_415] : memref<2x4x128x32xf32, #tpu.memory_space<vmem>> -> memref<1x1x128x32xf32, #tpu.memory_space<vmem>>
      %dma_wait3A_417 = tpu.memref_squeeze %dma_wait3A_416 : memref<1x1x128x32xf32, #tpu.memory_space<vmem>> -> memref<128x32xf32, #tpu.memory_space<vmem>>
      %dma_wait3A_418 = arith.constant 0 : i32
      %dma_wait3A_419 = arith.constant 0 : i32
      %dma_wait3A_420 = tpu.memref_slice %arg3[%dma_wait3A_418, %dma_wait3A_419] : memref<1000000x32xf32, #tpu.memory_space<hbm>> -> memref<128x32xf32, #tpu.memory_space<hbm>>
      tpu.wait_dma2 semaphore(%arg9 : memref<!tpu.dma_semaphore, #tpu.memory_space<semaphore_mem>>) src(%dma_wait3A_420 : memref<128x32xf32, #tpu.memory_space<hbm>>) dst(%dma_wait3A_417 : memref<128x32xf32, #tpu.memory_space<vmem>>)
      %dma_wait3A_421 = arith.constant 1 : i32
      %dma_wait3A_422 = arith.constant 2 : i32
      %dma_wait3A_423 = arith.constant 0 : i32
      %dma_wait3A_424 = arith.constant 0 : i32
      %dma_wait3A_425 = tpu.memref_slice %arg6[%dma_wait3A_421, %dma_wait3A_422, %dma_wait3A_423, %dma_wait3A_424] : memref<2x4x128x32xf32, #tpu.memory_space<vmem>> -> memref<1x1x128x32xf32, #tpu.memory_space<vmem>>
      %dma_wait3A_426 = tpu.memref_squeeze %dma_wait3A_425 : memref<1x1x128x32xf32, #tpu.memory_space<vmem>> -> memref<128x32xf32, #tpu.memory_space<vmem>>
      %dma_wait3A_427 = arith.constant 0 : i32
      %dma_wait3A_428 = arith.constant 0 : i32
      %dma_wait3A_429 = tpu.memref_slice %arg3[%dma_wait3A_427, %dma_wait3A_428] : memref<1000000x32xf32, #tpu.memory_space<hbm>> -> memref<128x32xf32, #tpu.memory_space<hbm>>
      %dma_wait3A_430 = arith.constant 0 : i32
      %dma_wait3A_431 = arith.constant 0 : i32
      %dma_wait3A_432 = tpu.memref_slice %arg6[%dma_wait3A_421, %dma_wait3A_422, %dma_wait3A_430, %dma_wait3A_431] : memref<2x4x128x32xf32, #tpu.memory_space<vmem>> -> memref<1x1x128x32xf32, #tpu.memory_space<vmem>>
      %dma_wait3A_433 = tpu.memref_squeeze %dma_wait3A_432 : memref<1x1x128x32xf32, #tpu.memory_space<vmem>> -> memref<128x32xf32, #tpu.memory_space<vmem>>
      %dma_wait3A_434 = arith.constant 0 : i32
      %dma_wait3A_435 = arith.constant 0 : i32
      %dma_wait3A_436 = tpu.memref_slice %arg3[%dma_wait3A_434, %dma_wait3A_435] : memref<1000000x32xf32, #tpu.memory_space<hbm>> -> memref<128x32xf32, #tpu.memory_space<hbm>>
      tpu.wait_dma2 semaphore(%arg9 : memref<!tpu.dma_semaphore, #tpu.memory_space<semaphore_mem>>) src(%dma_wait3A_436 : memref<128x32xf32, #tpu.memory_space<hbm>>) dst(%dma_wait3A_433 : memref<128x32xf32, #tpu.memory_space<vmem>>)
      %dma_wait3A_437 = arith.constant 1 : i32
      %dma_wait3A_438 = arith.constant 3 : i32
      %dma_wait3A_439 = arith.constant 0 : i32
      %dma_wait3A_440 = arith.constant 0 : i32
      %dma_wait3A_441 = tpu.memref_slice %arg6[%dma_wait3A_437, %dma_wait3A_438, %dma_wait3A_439, %dma_wait3A_440] : memref<2x4x128x32xf32, #tpu.memory_space<vmem>> -> memref<1x1x128x32xf32, #tpu.memory_space<vmem>>
      %dma_wait3A_442 = tpu.memref_squeeze %dma_wait3A_441 : memref<1x1x128x32xf32, #tpu.memory_space<vmem>> -> memref<128x32xf32, #tpu.memory_space<vmem>>
      %dma_wait3A_443 = arith.constant 0 : i32
      %dma_wait3A_444 = arith.constant 0 : i32
      %dma_wait3A_445 = tpu.memref_slice %arg3[%dma_wait3A_443, %dma_wait3A_444] : memref<1000000x32xf32, #tpu.memory_space<hbm>> -> memref<128x32xf32, #tpu.memory_space<hbm>>
      %dma_wait3A_446 = arith.constant 0 : i32
      %dma_wait3A_447 = arith.constant 0 : i32
      %dma_wait3A_448 = tpu.memref_slice %arg6[%dma_wait3A_437, %dma_wait3A_438, %dma_wait3A_446, %dma_wait3A_447] : memref<2x4x128x32xf32, #tpu.memory_space<vmem>> -> memref<1x1x128x32xf32, #tpu.memory_space<vmem>>
      %dma_wait3A_449 = tpu.memref_squeeze %dma_wait3A_448 : memref<1x1x128x32xf32, #tpu.memory_space<vmem>> -> memref<128x32xf32, #tpu.memory_space<vmem>>
      %dma_wait3A_450 = arith.constant 0 : i32
      %dma_wait3A_451 = arith.constant 0 : i32
      %dma_wait3A_452 = tpu.memref_slice %arg3[%dma_wait3A_450, %dma_wait3A_451] : memref<1000000x32xf32, #tpu.memory_space<hbm>> -> memref<128x32xf32, #tpu.memory_space<hbm>>
      tpu.wait_dma2 semaphore(%arg9 : memref<!tpu.dma_semaphore, #tpu.memory_space<semaphore_mem>>) src(%dma_wait3A_452 : memref<128x32xf32, #tpu.memory_space<hbm>>) dst(%dma_wait3A_449 : memref<128x32xf32, #tpu.memory_space<vmem>>)
      %ge3A_453 = arith.constant 1 : i32
      %ge3A_454 = arith.cmpi sge, %scan3A_246, %ge3A_453 : i32
      %convert_element_type3A_455 = arith.extui %ge3A_454 : i1 to i32
      %cond3A_456 = arith.constant 0 : i32
      %cond3A_457 = arith.cmpi ne, %convert_element_type3A_455, %cond3A_456 : i32
      scf.if %cond3A_457 {
        %dma_wait3A_527 = arith.constant 0 : i32
        %dma_wait3A_528 = arith.constant 0 : i32
        %dma_wait3A_529 = arith.constant 1 : i32
        %dma_wait3A_530 = arith.constant 0 : i32
        %dma_wait3A_531 = tpu.memref_slice %arg7[%dma_wait3A_529, %dma_wait3A_530] : memref<2x16384xf32, #tpu.memory_space<vmem>> -> memref<1x4096xf32, #tpu.memory_space<vmem>>
        %dma_wait3A_532 = tpu.memref_squeeze %dma_wait3A_531 : memref<1x4096xf32, #tpu.memory_space<vmem>> -> memref<4096xf32, #tpu.memory_space<vmem>>
        %dma_wait3A_533 = arith.constant 0 : i32
        %dma_wait3A_534 = tpu.memref_slice %arg4[%dma_wait3A_527, %dma_wait3A_528, %dma_wait3A_533] : memref<50x4x131072xf32, #tpu.memory_space<hbm>> -> memref<1x1x4096xf32, #tpu.memory_space<hbm>>
        %dma_wait3A_535 = tpu.memref_squeeze %dma_wait3A_534 : memref<1x1x4096xf32, #tpu.memory_space<hbm>> -> memref<4096xf32, #tpu.memory_space<hbm>>
        %dma_wait3A_536 = arith.constant 0 : i32
        %dma_wait3A_537 = tpu.memref_slice %arg7[%dma_wait3A_529, %dma_wait3A_536] : memref<2x16384xf32, #tpu.memory_space<vmem>> -> memref<1x4096xf32, #tpu.memory_space<vmem>>
        %dma_wait3A_538 = tpu.memref_squeeze %dma_wait3A_537 : memref<1x4096xf32, #tpu.memory_space<vmem>> -> memref<4096xf32, #tpu.memory_space<vmem>>
        %dma_wait3A_539 = arith.constant 0 : i32
        %dma_wait3A_540 = tpu.memref_slice %arg4[%dma_wait3A_527, %dma_wait3A_528, %dma_wait3A_539] : memref<50x4x131072xf32, #tpu.memory_space<hbm>> -> memref<1x1x4096xf32, #tpu.memory_space<hbm>>
        %dma_wait3A_541 = tpu.memref_squeeze %dma_wait3A_540 : memref<1x1x4096xf32, #tpu.memory_space<hbm>> -> memref<4096xf32, #tpu.memory_space<hbm>>
        tpu.wait_dma2 semaphore(%arg11 : memref<!tpu.dma_semaphore, #tpu.memory_space<semaphore_mem>>) src(%dma_wait3A_541 : memref<4096xf32, #tpu.memory_space<hbm>>) dst(%dma_wait3A_538 : memref<4096xf32, #tpu.memory_space<vmem>>)
        %dma_wait3A_542 = arith.constant 0 : i32
        %dma_wait3A_543 = arith.constant 0 : i32
        %dma_wait3A_544 = arith.constant 1 : i32
        %dma_wait3A_545 = arith.constant 4096 : i32
        %dma_wait3A_546 = tpu.memref_slice %arg7[%dma_wait3A_544, %dma_wait3A_545] : memref<2x16384xf32, #tpu.memory_space<vmem>> -> memref<1x4096xf32, #tpu.memory_space<vmem>>
        %dma_wait3A_547 = tpu.memref_squeeze %dma_wait3A_546 : memref<1x4096xf32, #tpu.memory_space<vmem>> -> memref<4096xf32, #tpu.memory_space<vmem>>
        %dma_wait3A_548 = arith.constant 0 : i32
        %dma_wait3A_549 = tpu.memref_slice %arg4[%dma_wait3A_542, %dma_wait3A_543, %dma_wait3A_548] : memref<50x4x131072xf32, #tpu.memory_space<hbm>> -> memref<1x1x4096xf32, #tpu.memory_space<hbm>>
        %dma_wait3A_550 = tpu.memref_squeeze %dma_wait3A_549 : memref<1x1x4096xf32, #tpu.memory_space<hbm>> -> memref<4096xf32, #tpu.memory_space<hbm>>
        %dma_wait3A_551 = arith.constant 4096 : i32
        %dma_wait3A_552 = tpu.memref_slice %arg7[%dma_wait3A_544, %dma_wait3A_551] : memref<2x16384xf32, #tpu.memory_space<vmem>> -> memref<1x4096xf32, #tpu.memory_space<vmem>>
        %dma_wait3A_553 = tpu.memref_squeeze %dma_wait3A_552 : memref<1x4096xf32, #tpu.memory_space<vmem>> -> memref<4096xf32, #tpu.memory_space<vmem>>
        %dma_wait3A_554 = arith.constant 0 : i32
        %dma_wait3A_555 = tpu.memref_slice %arg4[%dma_wait3A_542, %dma_wait3A_543, %dma_wait3A_554] : memref<50x4x131072xf32, #tpu.memory_space<hbm>> -> memref<1x1x4096xf32, #tpu.memory_space<hbm>>
        %dma_wait3A_556 = tpu.memref_squeeze %dma_wait3A_555 : memref<1x1x4096xf32, #tpu.memory_space<hbm>> -> memref<4096xf32, #tpu.memory_space<hbm>>
        tpu.wait_dma2 semaphore(%arg11 : memref<!tpu.dma_semaphore, #tpu.memory_space<semaphore_mem>>) src(%dma_wait3A_556 : memref<4096xf32, #tpu.memory_space<hbm>>) dst(%dma_wait3A_553 : memref<4096xf32, #tpu.memory_space<vmem>>)
        %dma_wait3A_557 = arith.constant 0 : i32
        %dma_wait3A_558 = arith.constant 0 : i32
        %dma_wait3A_559 = arith.constant 1 : i32
        %dma_wait3A_560 = arith.constant 8192 : i32
        %dma_wait3A_561 = tpu.memref_slice %arg7[%dma_wait3A_559, %dma_wait3A_560] : memref<2x16384xf32, #tpu.memory_space<vmem>> -> memref<1x4096xf32, #tpu.memory_space<vmem>>
        %dma_wait3A_562 = tpu.memref_squeeze %dma_wait3A_561 : memref<1x4096xf32, #tpu.memory_space<vmem>> -> memref<4096xf32, #tpu.memory_space<vmem>>
        %dma_wait3A_563 = arith.constant 0 : i32
        %dma_wait3A_564 = tpu.memref_slice %arg4[%dma_wait3A_557, %dma_wait3A_558, %dma_wait3A_563] : memref<50x4x131072xf32, #tpu.memory_space<hbm>> -> memref<1x1x4096xf32, #tpu.memory_space<hbm>>
        %dma_wait3A_565 = tpu.memref_squeeze %dma_wait3A_564 : memref<1x1x4096xf32, #tpu.memory_space<hbm>> -> memref<4096xf32, #tpu.memory_space<hbm>>
        %dma_wait3A_566 = arith.constant 8192 : i32
        %dma_wait3A_567 = tpu.memref_slice %arg7[%dma_wait3A_559, %dma_wait3A_566] : memref<2x16384xf32, #tpu.memory_space<vmem>> -> memref<1x4096xf32, #tpu.memory_space<vmem>>
        %dma_wait3A_568 = tpu.memref_squeeze %dma_wait3A_567 : memref<1x4096xf32, #tpu.memory_space<vmem>> -> memref<4096xf32, #tpu.memory_space<vmem>>
        %dma_wait3A_569 = arith.constant 0 : i32
        %dma_wait3A_570 = tpu.memref_slice %arg4[%dma_wait3A_557, %dma_wait3A_558, %dma_wait3A_569] : memref<50x4x131072xf32, #tpu.memory_space<hbm>> -> memref<1x1x4096xf32, #tpu.memory_space<hbm>>
        %dma_wait3A_571 = tpu.memref_squeeze %dma_wait3A_570 : memref<1x1x4096xf32, #tpu.memory_space<hbm>> -> memref<4096xf32, #tpu.memory_space<hbm>>
        tpu.wait_dma2 semaphore(%arg11 : memref<!tpu.dma_semaphore, #tpu.memory_space<semaphore_mem>>) src(%dma_wait3A_571 : memref<4096xf32, #tpu.memory_space<hbm>>) dst(%dma_wait3A_568 : memref<4096xf32, #tpu.memory_space<vmem>>)
        %dma_wait3A_572 = arith.constant 0 : i32
        %dma_wait3A_573 = arith.constant 0 : i32
        %dma_wait3A_574 = arith.constant 1 : i32
        %dma_wait3A_575 = arith.constant 12288 : i32
        %dma_wait3A_576 = tpu.memref_slice %arg7[%dma_wait3A_574, %dma_wait3A_575] : memref<2x16384xf32, #tpu.memory_space<vmem>> -> memref<1x4096xf32, #tpu.memory_space<vmem>>
        %dma_wait3A_577 = tpu.memref_squeeze %dma_wait3A_576 : memref<1x4096xf32, #tpu.memory_space<vmem>> -> memref<4096xf32, #tpu.memory_space<vmem>>
        %dma_wait3A_578 = arith.constant 0 : i32
        %dma_wait3A_579 = tpu.memref_slice %arg4[%dma_wait3A_572, %dma_wait3A_573, %dma_wait3A_578] : memref<50x4x131072xf32, #tpu.memory_space<hbm>> -> memref<1x1x4096xf32, #tpu.memory_space<hbm>>
        %dma_wait3A_580 = tpu.memref_squeeze %dma_wait3A_579 : memref<1x1x4096xf32, #tpu.memory_space<hbm>> -> memref<4096xf32, #tpu.memory_space<hbm>>
        %dma_wait3A_581 = arith.constant 12288 : i32
        %dma_wait3A_582 = tpu.memref_slice %arg7[%dma_wait3A_574, %dma_wait3A_581] : memref<2x16384xf32, #tpu.memory_space<vmem>> -> memref<1x4096xf32, #tpu.memory_space<vmem>>
        %dma_wait3A_583 = tpu.memref_squeeze %dma_wait3A_582 : memref<1x4096xf32, #tpu.memory_space<vmem>> -> memref<4096xf32, #tpu.memory_space<vmem>>
        %dma_wait3A_584 = arith.constant 0 : i32
        %dma_wait3A_585 = tpu.memref_slice %arg4[%dma_wait3A_572, %dma_wait3A_573, %dma_wait3A_584] : memref<50x4x131072xf32, #tpu.memory_space<hbm>> -> memref<1x1x4096xf32, #tpu.memory_space<hbm>>
        %dma_wait3A_586 = tpu.memref_squeeze %dma_wait3A_585 : memref<1x1x4096xf32, #tpu.memory_space<hbm>> -> memref<4096xf32, #tpu.memory_space<hbm>>
        tpu.wait_dma2 semaphore(%arg11 : memref<!tpu.dma_semaphore, #tpu.memory_space<semaphore_mem>>) src(%dma_wait3A_586 : memref<4096xf32, #tpu.memory_space<hbm>>) dst(%dma_wait3A_583 : memref<4096xf32, #tpu.memory_space<vmem>>)
      } else {
      }
      %scan3A_458 = arith.constant 0 : i32
      %scan3A_459 = arith.constant 0 : i32
      %scan3A_460 = arith.constant 32 : i32
      %scan3A_461 = arith.addi %scan3A_459, %scan3A_460 : i32
      %scan3A_462 = arith.constant 1 : i32
      scf.for %scan3A_527 = %scan3A_459 to %scan3A_461 step %scan3A_462  : i32 {
        %mul3A_528 = arith.constant 4 : i32
        %mul3A_529 = arith.muli %mul3A_528, %scan3A_527 : i32
        %add3A_530 = arith.constant 0 : i32
        %add3A_531 = arith.addi %mul3A_529, %add3A_530 : i32
        %add3A_532 = arith.constant 0 : i32
        %add3A_533 = arith.addi %add3A_532, %add3A_531 : i32
        %get3A = arith.constant 1 : i32
        %get3A_534 = arith.constant 0 : i32
        %get3A_535 = arith.index_cast %get3A : i32 to index
        %get3A_536 = arith.index_cast %get3A_534 : i32 to index
        %get3A_537 = arith.index_cast %add3A_531 : i32 to index
        %get3A_538 = arith.constant 0 : index
        %get3A_539 = tpu.vector_load %arg6[%get3A_535, %get3A_536, %get3A_537, %get3A_538] {strides = array<i32>} : memref<2x4x128x32xf32, #tpu.memory_space<vmem>>, vector<16xf32>,
        %get3A_540 = arith.constant 1 : i32
        %get3A_541 = arith.constant 0 : i32
        %get3A_542 = arith.index_cast %get3A_540 : i32 to index
        %get3A_543 = arith.index_cast %get3A_541 : i32 to index
        %get3A_544 = arith.index_cast %add3A_531 : i32 to index
        %get3A_545 = arith.constant 16 : index
        %get3A_546 = tpu.vector_load %arg6[%get3A_542, %get3A_543, %get3A_544, %get3A_545] {strides = array<i32>} : memref<2x4x128x32xf32, #tpu.memory_space<vmem>>, vector<16xf32>,
        %add3A_547 = vector.broadcast %add3A_533 : i32 to vector<16xi32>
        %add3A_548 = arith.addi %add3A_12, %add3A_547 : vector<16xi32>
        %scatter3A = arith.constant 1 : i32
        %scatter3A_549 = arith.constant 0 : i32
        %scatter3A_550 = tpu.memref_slice %arg7[%scatter3A, %scatter3A_549] : memref<2x16384xf32, #tpu.memory_space<vmem>> -> memref<1x16384xf32, #tpu.memory_space<vmem>>
        %scatter3A_551 = tpu.memref_squeeze %scatter3A_550 : memref<1x16384xf32, #tpu.memory_space<vmem>> -> memref<16384xf32, #tpu.memory_space<vmem>>
        tpu.vector_store_idx %scatter3A_551[%add3A_548], %get3A_539 : memref<16384xf32, #tpu.memory_space<vmem>>[vector<16xi32>], vector<16xf32>,
        %add3A_552 = vector.broadcast %add3A_533 : i32 to vector<16xi32>
        %add3A_553 = arith.addi %add3A_15, %add3A_552 : vector<16xi32>
        %scatter3A_554 = arith.constant 1 : i32
        %scatter3A_555 = arith.constant 0 : i32
        %scatter3A_556 = tpu.memref_slice %arg7[%scatter3A_554, %scatter3A_555] : memref<2x16384xf32, #tpu.memory_space<vmem>> -> memref<1x16384xf32, #tpu.memory_space<vmem>>
        %scatter3A_557 = tpu.memref_squeeze %scatter3A_556 : memref<1x16384xf32, #tpu.memory_space<vmem>> -> memref<16384xf32, #tpu.memory_space<vmem>>
        tpu.vector_store_idx %scatter3A_557[%add3A_553], %get3A_546 : memref<16384xf32, #tpu.memory_space<vmem>>[vector<16xi32>], vector<16xf32>,
        %add3A_558 = arith.constant 1024 : i32
        %add3A_559 = arith.addi %add3A_558, %add3A_531 : i32
        %get3A_560 = arith.constant 1 : i32
        %get3A_561 = arith.constant 1 : i32
        %get3A_562 = arith.index_cast %get3A_560 : i32 to index
        %get3A_563 = arith.index_cast %get3A_561 : i32 to index
        %get3A_564 = arith.index_cast %add3A_531 : i32 to index
        %get3A_565 = arith.constant 0 : index
        %get3A_566 = tpu.vector_load %arg6[%get3A_562, %get3A_563, %get3A_564, %get3A_565] {strides = array<i32>} : memref<2x4x128x32xf32, #tpu.memory_space<vmem>>, vector<16xf32>,
        %get3A_567 = arith.constant 1 : i32
        %get3A_568 = arith.constant 1 : i32
        %get3A_569 = arith.index_cast %get3A_567 : i32 to index
        %get3A_570 = arith.index_cast %get3A_568 : i32 to index
        %get3A_571 = arith.index_cast %add3A_531 : i32 to index
        %get3A_572 = arith.constant 16 : index
        %get3A_573 = tpu.vector_load %arg6[%get3A_569, %get3A_570, %get3A_571, %get3A_572] {strides = array<i32>} : memref<2x4x128x32xf32, #tpu.memory_space<vmem>>, vector<16xf32>,
        %add3A_574 = vector.broadcast %add3A_559 : i32 to vector<16xi32>
        %add3A_575 = arith.addi %add3A_12, %add3A_574 : vector<16xi32>
        %scatter3A_576 = arith.constant 1 : i32
        %scatter3A_577 = arith.constant 0 : i32
        %scatter3A_578 = tpu.memref_slice %arg7[%scatter3A_576, %scatter3A_577] : memref<2x16384xf32, #tpu.memory_space<vmem>> -> memref<1x16384xf32, #tpu.memory_space<vmem>>
        %scatter3A_579 = tpu.memref_squeeze %scatter3A_578 : memref<1x16384xf32, #tpu.memory_space<vmem>> -> memref<16384xf32, #tpu.memory_space<vmem>>
        tpu.vector_store_idx %scatter3A_579[%add3A_575], %get3A_566 : memref<16384xf32, #tpu.memory_space<vmem>>[vector<16xi32>], vector<16xf32>,
        %add3A_580 = vector.broadcast %add3A_559 : i32 to vector<16xi32>
        %add3A_581 = arith.addi %add3A_15, %add3A_580 : vector<16xi32>
        %scatter3A_582 = arith.constant 1 : i32
        %scatter3A_583 = arith.constant 0 : i32
        %scatter3A_584 = tpu.memref_slice %arg7[%scatter3A_582, %scatter3A_583] : memref<2x16384xf32, #tpu.memory_space<vmem>> -> memref<1x16384xf32, #tpu.memory_space<vmem>>
        %scatter3A_585 = tpu.memref_squeeze %scatter3A_584 : memref<1x16384xf32, #tpu.memory_space<vmem>> -> memref<16384xf32, #tpu.memory_space<vmem>>
        tpu.vector_store_idx %scatter3A_585[%add3A_581], %get3A_573 : memref<16384xf32, #tpu.memory_space<vmem>>[vector<16xi32>], vector<16xf32>,
        %add3A_586 = arith.constant 2048 : i32
        %add3A_587 = arith.addi %add3A_586, %add3A_531 : i32
        %get3A_588 = arith.constant 1 : i32
        %get3A_589 = arith.constant 2 : i32
        %get3A_590 = arith.index_cast %get3A_588 : i32 to index
        %get3A_591 = arith.index_cast %get3A_589 : i32 to index
        %get3A_592 = arith.index_cast %add3A_531 : i32 to index
        %get3A_593 = arith.constant 0 : index
        %get3A_594 = tpu.vector_load %arg6[%get3A_590, %get3A_591, %get3A_592, %get3A_593] {strides = array<i32>} : memref<2x4x128x32xf32, #tpu.memory_space<vmem>>, vector<16xf32>,
        %get3A_595 = arith.constant 1 : i32
        %get3A_596 = arith.constant 2 : i32
        %get3A_597 = arith.index_cast %get3A_595 : i32 to index
        %get3A_598 = arith.index_cast %get3A_596 : i32 to index
        %get3A_599 = arith.index_cast %add3A_531 : i32 to index
        %get3A_600 = arith.constant 16 : index
        %get3A_601 = tpu.vector_load %arg6[%get3A_597, %get3A_598, %get3A_599, %get3A_600] {strides = array<i32>} : memref<2x4x128x32xf32, #tpu.memory_space<vmem>>, vector<16xf32>,
        %add3A_602 = vector.broadcast %add3A_587 : i32 to vector<16xi32>
        %add3A_603 = arith.addi %add3A_12, %add3A_602 : vector<16xi32>
        %scatter3A_604 = arith.constant 1 : i32
        %scatter3A_605 = arith.constant 0 : i32
        %scatter3A_606 = tpu.memref_slice %arg7[%scatter3A_604, %scatter3A_605] : memref<2x16384xf32, #tpu.memory_space<vmem>> -> memref<1x16384xf32, #tpu.memory_space<vmem>>
        %scatter3A_607 = tpu.memref_squeeze %scatter3A_606 : memref<1x16384xf32, #tpu.memory_space<vmem>> -> memref<16384xf32, #tpu.memory_space<vmem>>
        tpu.vector_store_idx %scatter3A_607[%add3A_603], %get3A_594 : memref<16384xf32, #tpu.memory_space<vmem>>[vector<16xi32>], vector<16xf32>,
        %add3A_608 = vector.broadcast %add3A_587 : i32 to vector<16xi32>
        %add3A_609 = arith.addi %add3A_15, %add3A_608 : vector<16xi32>
        %scatter3A_610 = arith.constant 1 : i32
        %scatter3A_611 = arith.constant 0 : i32
        %scatter3A_612 = tpu.memref_slice %arg7[%scatter3A_610, %scatter3A_611] : memref<2x16384xf32, #tpu.memory_space<vmem>> -> memref<1x16384xf32, #tpu.memory_space<vmem>>
        %scatter3A_613 = tpu.memref_squeeze %scatter3A_612 : memref<1x16384xf32, #tpu.memory_space<vmem>> -> memref<16384xf32, #tpu.memory_space<vmem>>
        tpu.vector_store_idx %scatter3A_613[%add3A_609], %get3A_601 : memref<16384xf32, #tpu.memory_space<vmem>>[vector<16xi32>], vector<16xf32>,
        %add3A_614 = arith.constant 3072 : i32
        %add3A_615 = arith.addi %add3A_614, %add3A_531 : i32
        %get3A_616 = arith.constant 1 : i32
        %get3A_617 = arith.constant 3 : i32
        %get3A_618 = arith.index_cast %get3A_616 : i32 to index
        %get3A_619 = arith.index_cast %get3A_617 : i32 to index
        %get3A_620 = arith.index_cast %add3A_531 : i32 to index
        %get3A_621 = arith.constant 0 : index
        %get3A_622 = tpu.vector_load %arg6[%get3A_618, %get3A_619, %get3A_620, %get3A_621] {strides = array<i32>} : memref<2x4x128x32xf32, #tpu.memory_space<vmem>>, vector<16xf32>,
        %get3A_623 = arith.constant 1 : i32
        %get3A_624 = arith.constant 3 : i32
        %get3A_625 = arith.index_cast %get3A_623 : i32 to index
        %get3A_626 = arith.index_cast %get3A_624 : i32 to index
        %get3A_627 = arith.index_cast %add3A_531 : i32 to index
        %get3A_628 = arith.constant 16 : index
        %get3A_629 = tpu.vector_load %arg6[%get3A_625, %get3A_626, %get3A_627, %get3A_628] {strides = array<i32>} : memref<2x4x128x32xf32, #tpu.memory_space<vmem>>, vector<16xf32>,
        %add3A_630 = vector.broadcast %add3A_615 : i32 to vector<16xi32>
        %add3A_631 = arith.addi %add3A_12, %add3A_630 : vector<16xi32>
        %scatter3A_632 = arith.constant 1 : i32
        %scatter3A_633 = arith.constant 0 : i32
        %scatter3A_634 = tpu.memref_slice %arg7[%scatter3A_632, %scatter3A_633] : memref<2x16384xf32, #tpu.memory_space<vmem>> -> memref<1x16384xf32, #tpu.memory_space<vmem>>
        %scatter3A_635 = tpu.memref_squeeze %scatter3A_634 : memref<1x16384xf32, #tpu.memory_space<vmem>> -> memref<16384xf32, #tpu.memory_space<vmem>>
        tpu.vector_store_idx %scatter3A_635[%add3A_631], %get3A_622 : memref<16384xf32, #tpu.memory_space<vmem>>[vector<16xi32>], vector<16xf32>,
        %add3A_636 = vector.broadcast %add3A_615 : i32 to vector<16xi32>
        %add3A_637 = arith.addi %add3A_15, %add3A_636 : vector<16xi32>
        %scatter3A_638 = arith.constant 1 : i32
        %scatter3A_639 = arith.constant 0 : i32
        %scatter3A_640 = tpu.memref_slice %arg7[%scatter3A_638, %scatter3A_639] : memref<2x16384xf32, #tpu.memory_space<vmem>> -> memref<1x16384xf32, #tpu.memory_space<vmem>>
        %scatter3A_641 = tpu.memref_squeeze %scatter3A_640 : memref<1x16384xf32, #tpu.memory_space<vmem>> -> memref<16384xf32, #tpu.memory_space<vmem>>
        tpu.vector_store_idx %scatter3A_641[%add3A_637], %get3A_629 : memref<16384xf32, #tpu.memory_space<vmem>>[vector<16xi32>], vector<16xf32>,
        %mul3A_642 = arith.constant 4 : i32
        %mul3A_643 = arith.muli %mul3A_642, %scan3A_527 : i32
        %add3A_644 = arith.constant 1 : i32
        %add3A_645 = arith.addi %mul3A_643, %add3A_644 : i32
        %add3A_646 = arith.constant 0 : i32
        %add3A_647 = arith.addi %add3A_646, %add3A_645 : i32
        %get3A_648 = arith.constant 1 : i32
        %get3A_649 = arith.constant 0 : i32
        %get3A_650 = arith.index_cast %get3A_648 : i32 to index
        %get3A_651 = arith.index_cast %get3A_649 : i32 to index
        %get3A_652 = arith.index_cast %add3A_645 : i32 to index
        %get3A_653 = arith.constant 0 : index
        %get3A_654 = tpu.vector_load %arg6[%get3A_650, %get3A_651, %get3A_652, %get3A_653] {strides = array<i32>} : memref<2x4x128x32xf32, #tpu.memory_space<vmem>>, vector<16xf32>,
        %get3A_655 = arith.constant 1 : i32
        %get3A_656 = arith.constant 0 : i32
        %get3A_657 = arith.index_cast %get3A_655 : i32 to index
        %get3A_658 = arith.index_cast %get3A_656 : i32 to index
        %get3A_659 = arith.index_cast %add3A_645 : i32 to index
        %get3A_660 = arith.constant 16 : index
        %get3A_661 = tpu.vector_load %arg6[%get3A_657, %get3A_658, %get3A_659, %get3A_660] {strides = array<i32>} : memref<2x4x128x32xf32, #tpu.memory_space<vmem>>, vector<16xf32>,
        %add3A_662 = vector.broadcast %add3A_647 : i32 to vector<16xi32>
        %add3A_663 = arith.addi %add3A_12, %add3A_662 : vector<16xi32>
        %scatter3A_664 = arith.constant 1 : i32
        %scatter3A_665 = arith.constant 0 : i32
        %scatter3A_666 = tpu.memref_slice %arg7[%scatter3A_664, %scatter3A_665] : memref<2x16384xf32, #tpu.memory_space<vmem>> -> memref<1x16384xf32, #tpu.memory_space<vmem>>
        %scatter3A_667 = tpu.memref_squeeze %scatter3A_666 : memref<1x16384xf32, #tpu.memory_space<vmem>> -> memref<16384xf32, #tpu.memory_space<vmem>>
        tpu.vector_store_idx %scatter3A_667[%add3A_663], %get3A_654 : memref<16384xf32, #tpu.memory_space<vmem>>[vector<16xi32>], vector<16xf32>,
        %add3A_668 = vector.broadcast %add3A_647 : i32 to vector<16xi32>
        %add3A_669 = arith.addi %add3A_15, %add3A_668 : vector<16xi32>
        %scatter3A_670 = arith.constant 1 : i32
        %scatter3A_671 = arith.constant 0 : i32
        %scatter3A_672 = tpu.memref_slice %arg7[%scatter3A_670, %scatter3A_671] : memref<2x16384xf32, #tpu.memory_space<vmem>> -> memref<1x16384xf32, #tpu.memory_space<vmem>>
        %scatter3A_673 = tpu.memref_squeeze %scatter3A_672 : memref<1x16384xf32, #tpu.memory_space<vmem>> -> memref<16384xf32, #tpu.memory_space<vmem>>
        tpu.vector_store_idx %scatter3A_673[%add3A_669], %get3A_661 : memref<16384xf32, #tpu.memory_space<vmem>>[vector<16xi32>], vector<16xf32>,
        %add3A_674 = arith.constant 1024 : i32
        %add3A_675 = arith.addi %add3A_674, %add3A_645 : i32
        %get3A_676 = arith.constant 1 : i32
        %get3A_677 = arith.constant 1 : i32
        %get3A_678 = arith.index_cast %get3A_676 : i32 to index
        %get3A_679 = arith.index_cast %get3A_677 : i32 to index
        %get3A_680 = arith.index_cast %add3A_645 : i32 to index
        %get3A_681 = arith.constant 0 : index
        %get3A_682 = tpu.vector_load %arg6[%get3A_678, %get3A_679, %get3A_680, %get3A_681] {strides = array<i32>} : memref<2x4x128x32xf32, #tpu.memory_space<vmem>>, vector<16xf32>,
        %get3A_683 = arith.constant 1 : i32
        %get3A_684 = arith.constant 1 : i32
        %get3A_685 = arith.index_cast %get3A_683 : i32 to index
        %get3A_686 = arith.index_cast %get3A_684 : i32 to index
        %get3A_687 = arith.index_cast %add3A_645 : i32 to index
        %get3A_688 = arith.constant 16 : index
        %get3A_689 = tpu.vector_load %arg6[%get3A_685, %get3A_686, %get3A_687, %get3A_688] {strides = array<i32>} : memref<2x4x128x32xf32, #tpu.memory_space<vmem>>, vector<16xf32>,
        %add3A_690 = vector.broadcast %add3A_675 : i32 to vector<16xi32>
        %add3A_691 = arith.addi %add3A_12, %add3A_690 : vector<16xi32>
        %scatter3A_692 = arith.constant 1 : i32
        %scatter3A_693 = arith.constant 0 : i32
        %scatter3A_694 = tpu.memref_slice %arg7[%scatter3A_692, %scatter3A_693] : memref<2x16384xf32, #tpu.memory_space<vmem>> -> memref<1x16384xf32, #tpu.memory_space<vmem>>
        %scatter3A_695 = tpu.memref_squeeze %scatter3A_694 : memref<1x16384xf32, #tpu.memory_space<vmem>> -> memref<16384xf32, #tpu.memory_space<vmem>>
        tpu.vector_store_idx %scatter3A_695[%add3A_691], %get3A_682 : memref<16384xf32, #tpu.memory_space<vmem>>[vector<16xi32>], vector<16xf32>,
        %add3A_696 = vector.broadcast %add3A_675 : i32 to vector<16xi32>
        %add3A_697 = arith.addi %add3A_15, %add3A_696 : vector<16xi32>
        %scatter3A_698 = arith.constant 1 : i32
        %scatter3A_699 = arith.constant 0 : i32
        %scatter3A_700 = tpu.memref_slice %arg7[%scatter3A_698, %scatter3A_699] : memref<2x16384xf32, #tpu.memory_space<vmem>> -> memref<1x16384xf32, #tpu.memory_space<vmem>>
        %scatter3A_701 = tpu.memref_squeeze %scatter3A_700 : memref<1x16384xf32, #tpu.memory_space<vmem>> -> memref<16384xf32, #tpu.memory_space<vmem>>
        tpu.vector_store_idx %scatter3A_701[%add3A_697], %get3A_689 : memref<16384xf32, #tpu.memory_space<vmem>>[vector<16xi32>], vector<16xf32>,
        %add3A_702 = arith.constant 2048 : i32
        %add3A_703 = arith.addi %add3A_702, %add3A_645 : i32
        %get3A_704 = arith.constant 1 : i32
        %get3A_705 = arith.constant 2 : i32
        %get3A_706 = arith.index_cast %get3A_704 : i32 to index
        %get3A_707 = arith.index_cast %get3A_705 : i32 to index
        %get3A_708 = arith.index_cast %add3A_645 : i32 to index
        %get3A_709 = arith.constant 0 : index
        %get3A_710 = tpu.vector_load %arg6[%get3A_706, %get3A_707, %get3A_708, %get3A_709] {strides = array<i32>} : memref<2x4x128x32xf32, #tpu.memory_space<vmem>>, vector<16xf32>,
        %get3A_711 = arith.constant 1 : i32
        %get3A_712 = arith.constant 2 : i32
        %get3A_713 = arith.index_cast %get3A_711 : i32 to index
        %get3A_714 = arith.index_cast %get3A_712 : i32 to index
        %get3A_715 = arith.index_cast %add3A_645 : i32 to index
        %get3A_716 = arith.constant 16 : index
        %get3A_717 = tpu.vector_load %arg6[%get3A_713, %get3A_714, %get3A_715, %get3A_716] {strides = array<i32>} : memref<2x4x128x32xf32, #tpu.memory_space<vmem>>, vector<16xf32>,
        %add3A_718 = vector.broadcast %add3A_703 : i32 to vector<16xi32>
        %add3A_719 = arith.addi %add3A_12, %add3A_718 : vector<16xi32>
        %scatter3A_720 = arith.constant 1 : i32
        %scatter3A_721 = arith.constant 0 : i32
        %scatter3A_722 = tpu.memref_slice %arg7[%scatter3A_720, %scatter3A_721] : memref<2x16384xf32, #tpu.memory_space<vmem>> -> memref<1x16384xf32, #tpu.memory_space<vmem>>
        %scatter3A_723 = tpu.memref_squeeze %scatter3A_722 : memref<1x16384xf32, #tpu.memory_space<vmem>> -> memref<16384xf32, #tpu.memory_space<vmem>>
        tpu.vector_store_idx %scatter3A_723[%add3A_719], %get3A_710 : memref<16384xf32, #tpu.memory_space<vmem>>[vector<16xi32>], vector<16xf32>,
        %add3A_724 = vector.broadcast %add3A_703 : i32 to vector<16xi32>
        %add3A_725 = arith.addi %add3A_15, %add3A_724 : vector<16xi32>
        %scatter3A_726 = arith.constant 1 : i32
        %scatter3A_727 = arith.constant 0 : i32
        %scatter3A_728 = tpu.memref_slice %arg7[%scatter3A_726, %scatter3A_727] : memref<2x16384xf32, #tpu.memory_space<vmem>> -> memref<1x16384xf32, #tpu.memory_space<vmem>>
        %scatter3A_729 = tpu.memref_squeeze %scatter3A_728 : memref<1x16384xf32, #tpu.memory_space<vmem>> -> memref<16384xf32, #tpu.memory_space<vmem>>
        tpu.vector_store_idx %scatter3A_729[%add3A_725], %get3A_717 : memref<16384xf32, #tpu.memory_space<vmem>>[vector<16xi32>], vector<16xf32>,
        %add3A_730 = arith.constant 3072 : i32
        %add3A_731 = arith.addi %add3A_730, %add3A_645 : i32
        %get3A_732 = arith.constant 1 : i32
        %get3A_733 = arith.constant 3 : i32
        %get3A_734 = arith.index_cast %get3A_732 : i32 to index
        %get3A_735 = arith.index_cast %get3A_733 : i32 to index
        %get3A_736 = arith.index_cast %add3A_645 : i32 to index
        %get3A_737 = arith.constant 0 : index
        %get3A_738 = tpu.vector_load %arg6[%get3A_734, %get3A_735, %get3A_736, %get3A_737] {strides = array<i32>} : memref<2x4x128x32xf32, #tpu.memory_space<vmem>>, vector<16xf32>,
        %get3A_739 = arith.constant 1 : i32
        %get3A_740 = arith.constant 3 : i32
        %get3A_741 = arith.index_cast %get3A_739 : i32 to index
        %get3A_742 = arith.index_cast %get3A_740 : i32 to index
        %get3A_743 = arith.index_cast %add3A_645 : i32 to index
        %get3A_744 = arith.constant 16 : index
        %get3A_745 = tpu.vector_load %arg6[%get3A_741, %get3A_742, %get3A_743, %get3A_744] {strides = array<i32>} : memref<2x4x128x32xf32, #tpu.memory_space<vmem>>, vector<16xf32>,
        %add3A_746 = vector.broadcast %add3A_731 : i32 to vector<16xi32>
        %add3A_747 = arith.addi %add3A_12, %add3A_746 : vector<16xi32>
        %scatter3A_748 = arith.constant 1 : i32
        %scatter3A_749 = arith.constant 0 : i32
        %scatter3A_750 = tpu.memref_slice %arg7[%scatter3A_748, %scatter3A_749] : memref<2x16384xf32, #tpu.memory_space<vmem>> -> memref<1x16384xf32, #tpu.memory_space<vmem>>
        %scatter3A_751 = tpu.memref_squeeze %scatter3A_750 : memref<1x16384xf32, #tpu.memory_space<vmem>> -> memref<16384xf32, #tpu.memory_space<vmem>>
        tpu.vector_store_idx %scatter3A_751[%add3A_747], %get3A_738 : memref<16384xf32, #tpu.memory_space<vmem>>[vector<16xi32>], vector<16xf32>,
        %add3A_752 = vector.broadcast %add3A_731 : i32 to vector<16xi32>
        %add3A_753 = arith.addi %add3A_15, %add3A_752 : vector<16xi32>
        %scatter3A_754 = arith.constant 1 : i32
        %scatter3A_755 = arith.constant 0 : i32
        %scatter3A_756 = tpu.memref_slice %arg7[%scatter3A_754, %scatter3A_755] : memref<2x16384xf32, #tpu.memory_space<vmem>> -> memref<1x16384xf32, #tpu.memory_space<vmem>>
        %scatter3A_757 = tpu.memref_squeeze %scatter3A_756 : memref<1x16384xf32, #tpu.memory_space<vmem>> -> memref<16384xf32, #tpu.memory_space<vmem>>
        tpu.vector_store_idx %scatter3A_757[%add3A_753], %get3A_745 : memref<16384xf32, #tpu.memory_space<vmem>>[vector<16xi32>], vector<16xf32>,
        %mul3A_758 = arith.constant 4 : i32
        %mul3A_759 = arith.muli %mul3A_758, %scan3A_527 : i32
        %add3A_760 = arith.constant 2 : i32
        %add3A_761 = arith.addi %mul3A_759, %add3A_760 : i32
        %add3A_762 = arith.constant 0 : i32
        %add3A_763 = arith.addi %add3A_762, %add3A_761 : i32
        %get3A_764 = arith.constant 1 : i32
        %get3A_765 = arith.constant 0 : i32
        %get3A_766 = arith.index_cast %get3A_764 : i32 to index
        %get3A_767 = arith.index_cast %get3A_765 : i32 to index
        %get3A_768 = arith.index_cast %add3A_761 : i32 to index
        %get3A_769 = arith.constant 0 : index
        %get3A_770 = tpu.vector_load %arg6[%get3A_766, %get3A_767, %get3A_768, %get3A_769] {strides = array<i32>} : memref<2x4x128x32xf32, #tpu.memory_space<vmem>>, vector<16xf32>,
        %get3A_771 = arith.constant 1 : i32
        %get3A_772 = arith.constant 0 : i32
        %get3A_773 = arith.index_cast %get3A_771 : i32 to index
        %get3A_774 = arith.index_cast %get3A_772 : i32 to index
        %get3A_775 = arith.index_cast %add3A_761 : i32 to index
        %get3A_776 = arith.constant 16 : index
        %get3A_777 = tpu.vector_load %arg6[%get3A_773, %get3A_774, %get3A_775, %get3A_776] {strides = array<i32>} : memref<2x4x128x32xf32, #tpu.memory_space<vmem>>, vector<16xf32>,
        %add3A_778 = vector.broadcast %add3A_763 : i32 to vector<16xi32>
        %add3A_779 = arith.addi %add3A_12, %add3A_778 : vector<16xi32>
        %scatter3A_780 = arith.constant 1 : i32
        %scatter3A_781 = arith.constant 0 : i32
        %scatter3A_782 = tpu.memref_slice %arg7[%scatter3A_780, %scatter3A_781] : memref<2x16384xf32, #tpu.memory_space<vmem>> -> memref<1x16384xf32, #tpu.memory_space<vmem>>
        %scatter3A_783 = tpu.memref_squeeze %scatter3A_782 : memref<1x16384xf32, #tpu.memory_space<vmem>> -> memref<16384xf32, #tpu.memory_space<vmem>>
        tpu.vector_store_idx %scatter3A_783[%add3A_779], %get3A_770 : memref<16384xf32, #tpu.memory_space<vmem>>[vector<16xi32>], vector<16xf32>,
        %add3A_784 = vector.broadcast %add3A_763 : i32 to vector<16xi32>
        %add3A_785 = arith.addi %add3A_15, %add3A_784 : vector<16xi32>
        %scatter3A_786 = arith.constant 1 : i32
        %scatter3A_787 = arith.constant 0 : i32
        %scatter3A_788 = tpu.memref_slice %arg7[%scatter3A_786, %scatter3A_787] : memref<2x16384xf32, #tpu.memory_space<vmem>> -> memref<1x16384xf32, #tpu.memory_space<vmem>>
        %scatter3A_789 = tpu.memref_squeeze %scatter3A_788 : memref<1x16384xf32, #tpu.memory_space<vmem>> -> memref<16384xf32, #tpu.memory_space<vmem>>
        tpu.vector_store_idx %scatter3A_789[%add3A_785], %get3A_777 : memref<16384xf32, #tpu.memory_space<vmem>>[vector<16xi32>], vector<16xf32>,
        %add3A_790 = arith.constant 1024 : i32
        %add3A_791 = arith.addi %add3A_790, %add3A_761 : i32
        %get3A_792 = arith.constant 1 : i32
        %get3A_793 = arith.constant 1 : i32
        %get3A_794 = arith.index_cast %get3A_792 : i32 to index
        %get3A_795 = arith.index_cast %get3A_793 : i32 to index
        %get3A_796 = arith.index_cast %add3A_761 : i32 to index
        %get3A_797 = arith.constant 0 : index
        %get3A_798 = tpu.vector_load %arg6[%get3A_794, %get3A_795, %get3A_796, %get3A_797] {strides = array<i32>} : memref<2x4x128x32xf32, #tpu.memory_space<vmem>>, vector<16xf32>,
        %get3A_799 = arith.constant 1 : i32
        %get3A_800 = arith.constant 1 : i32
        %get3A_801 = arith.index_cast %get3A_799 : i32 to index
        %get3A_802 = arith.index_cast %get3A_800 : i32 to index
        %get3A_803 = arith.index_cast %add3A_761 : i32 to index
        %get3A_804 = arith.constant 16 : index
        %get3A_805 = tpu.vector_load %arg6[%get3A_801, %get3A_802, %get3A_803, %get3A_804] {strides = array<i32>} : memref<2x4x128x32xf32, #tpu.memory_space<vmem>>, vector<16xf32>,
        %add3A_806 = vector.broadcast %add3A_791 : i32 to vector<16xi32>
        %add3A_807 = arith.addi %add3A_12, %add3A_806 : vector<16xi32>
        %scatter3A_808 = arith.constant 1 : i32
        %scatter3A_809 = arith.constant 0 : i32
        %scatter3A_810 = tpu.memref_slice %arg7[%scatter3A_808, %scatter3A_809] : memref<2x16384xf32, #tpu.memory_space<vmem>> -> memref<1x16384xf32, #tpu.memory_space<vmem>>
        %scatter3A_811 = tpu.memref_squeeze %scatter3A_810 : memref<1x16384xf32, #tpu.memory_space<vmem>> -> memref<16384xf32, #tpu.memory_space<vmem>>
        tpu.vector_store_idx %scatter3A_811[%add3A_807], %get3A_798 : memref<16384xf32, #tpu.memory_space<vmem>>[vector<16xi32>], vector<16xf32>,
        %add3A_812 = vector.broadcast %add3A_791 : i32 to vector<16xi32>
        %add3A_813 = arith.addi %add3A_15, %add3A_812 : vector<16xi32>
        %scatter3A_814 = arith.constant 1 : i32
        %scatter3A_815 = arith.constant 0 : i32
        %scatter3A_816 = tpu.memref_slice %arg7[%scatter3A_814, %scatter3A_815] : memref<2x16384xf32, #tpu.memory_space<vmem>> -> memref<1x16384xf32, #tpu.memory_space<vmem>>
        %scatter3A_817 = tpu.memref_squeeze %scatter3A_816 : memref<1x16384xf32, #tpu.memory_space<vmem>> -> memref<16384xf32, #tpu.memory_space<vmem>>
        tpu.vector_store_idx %scatter3A_817[%add3A_813], %get3A_805 : memref<16384xf32, #tpu.memory_space<vmem>>[vector<16xi32>], vector<16xf32>,
        %add3A_818 = arith.constant 2048 : i32
        %add3A_819 = arith.addi %add3A_818, %add3A_761 : i32
        %get3A_820 = arith.constant 1 : i32
        %get3A_821 = arith.constant 2 : i32
        %get3A_822 = arith.index_cast %get3A_820 : i32 to index
        %get3A_823 = arith.index_cast %get3A_821 : i32 to index
        %get3A_824 = arith.index_cast %add3A_761 : i32 to index
        %get3A_825 = arith.constant 0 : index
        %get3A_826 = tpu.vector_load %arg6[%get3A_822, %get3A_823, %get3A_824, %get3A_825] {strides = array<i32>} : memref<2x4x128x32xf32, #tpu.memory_space<vmem>>, vector<16xf32>,
        %get3A_827 = arith.constant 1 : i32
        %get3A_828 = arith.constant 2 : i32
        %get3A_829 = arith.index_cast %get3A_827 : i32 to index
        %get3A_830 = arith.index_cast %get3A_828 : i32 to index
        %get3A_831 = arith.index_cast %add3A_761 : i32 to index
        %get3A_832 = arith.constant 16 : index
        %get3A_833 = tpu.vector_load %arg6[%get3A_829, %get3A_830, %get3A_831, %get3A_832] {strides = array<i32>} : memref<2x4x128x32xf32, #tpu.memory_space<vmem>>, vector<16xf32>,
        %add3A_834 = vector.broadcast %add3A_819 : i32 to vector<16xi32>
        %add3A_835 = arith.addi %add3A_12, %add3A_834 : vector<16xi32>
        %scatter3A_836 = arith.constant 1 : i32
        %scatter3A_837 = arith.constant 0 : i32
        %scatter3A_838 = tpu.memref_slice %arg7[%scatter3A_836, %scatter3A_837] : memref<2x16384xf32, #tpu.memory_space<vmem>> -> memref<1x16384xf32, #tpu.memory_space<vmem>>
        %scatter3A_839 = tpu.memref_squeeze %scatter3A_838 : memref<1x16384xf32, #tpu.memory_space<vmem>> -> memref<16384xf32, #tpu.memory_space<vmem>>
        tpu.vector_store_idx %scatter3A_839[%add3A_835], %get3A_826 : memref<16384xf32, #tpu.memory_space<vmem>>[vector<16xi32>], vector<16xf32>,
        %add3A_840 = vector.broadcast %add3A_819 : i32 to vector<16xi32>
        %add3A_841 = arith.addi %add3A_15, %add3A_840 : vector<16xi32>
        %scatter3A_842 = arith.constant 1 : i32
        %scatter3A_843 = arith.constant 0 : i32
        %scatter3A_844 = tpu.memref_slice %arg7[%scatter3A_842, %scatter3A_843] : memref<2x16384xf32, #tpu.memory_space<vmem>> -> memref<1x16384xf32, #tpu.memory_space<vmem>>
        %scatter3A_845 = tpu.memref_squeeze %scatter3A_844 : memref<1x16384xf32, #tpu.memory_space<vmem>> -> memref<16384xf32, #tpu.memory_space<vmem>>
        tpu.vector_store_idx %scatter3A_845[%add3A_841], %get3A_833 : memref<16384xf32, #tpu.memory_space<vmem>>[vector<16xi32>], vector<16xf32>,
        %add3A_846 = arith.constant 3072 : i32
        %add3A_847 = arith.addi %add3A_846, %add3A_761 : i32
        %get3A_848 = arith.constant 1 : i32
        %get3A_849 = arith.constant 3 : i32
        %get3A_850 = arith.index_cast %get3A_848 : i32 to index
        %get3A_851 = arith.index_cast %get3A_849 : i32 to index
        %get3A_852 = arith.index_cast %add3A_761 : i32 to index
        %get3A_853 = arith.constant 0 : index
        %get3A_854 = tpu.vector_load %arg6[%get3A_850, %get3A_851, %get3A_852, %get3A_853] {strides = array<i32>} : memref<2x4x128x32xf32, #tpu.memory_space<vmem>>, vector<16xf32>,
        %get3A_855 = arith.constant 1 : i32
        %get3A_856 = arith.constant 3 : i32
        %get3A_857 = arith.index_cast %get3A_855 : i32 to index
        %get3A_858 = arith.index_cast %get3A_856 : i32 to index
        %get3A_859 = arith.index_cast %add3A_761 : i32 to index
        %get3A_860 = arith.constant 16 : index
        %get3A_861 = tpu.vector_load %arg6[%get3A_857, %get3A_858, %get3A_859, %get3A_860] {strides = array<i32>} : memref<2x4x128x32xf32, #tpu.memory_space<vmem>>, vector<16xf32>,
        %add3A_862 = vector.broadcast %add3A_847 : i32 to vector<16xi32>
        %add3A_863 = arith.addi %add3A_12, %add3A_862 : vector<16xi32>
        %scatter3A_864 = arith.constant 1 : i32
        %scatter3A_865 = arith.constant 0 : i32
        %scatter3A_866 = tpu.memref_slice %arg7[%scatter3A_864, %scatter3A_865] : memref<2x16384xf32, #tpu.memory_space<vmem>> -> memref<1x16384xf32, #tpu.memory_space<vmem>>
        %scatter3A_867 = tpu.memref_squeeze %scatter3A_866 : memref<1x16384xf32, #tpu.memory_space<vmem>> -> memref<16384xf32, #tpu.memory_space<vmem>>
        tpu.vector_store_idx %scatter3A_867[%add3A_863], %get3A_854 : memref<16384xf32, #tpu.memory_space<vmem>>[vector<16xi32>], vector<16xf32>,
        %add3A_868 = vector.broadcast %add3A_847 : i32 to vector<16xi32>
        %add3A_869 = arith.addi %add3A_15, %add3A_868 : vector<16xi32>
        %scatter3A_870 = arith.constant 1 : i32
        %scatter3A_871 = arith.constant 0 : i32
        %scatter3A_872 = tpu.memref_slice %arg7[%scatter3A_870, %scatter3A_871] : memref<2x16384xf32, #tpu.memory_space<vmem>> -> memref<1x16384xf32, #tpu.memory_space<vmem>>
        %scatter3A_873 = tpu.memref_squeeze %scatter3A_872 : memref<1x16384xf32, #tpu.memory_space<vmem>> -> memref<16384xf32, #tpu.memory_space<vmem>>
        tpu.vector_store_idx %scatter3A_873[%add3A_869], %get3A_861 : memref<16384xf32, #tpu.memory_space<vmem>>[vector<16xi32>], vector<16xf32>,
        %mul3A_874 = arith.constant 4 : i32
        %mul3A_875 = arith.muli %mul3A_874, %scan3A_527 : i32
        %add3A_876 = arith.constant 3 : i32
        %add3A_877 = arith.addi %mul3A_875, %add3A_876 : i32
        %add3A_878 = arith.constant 0 : i32
        %add3A_879 = arith.addi %add3A_878, %add3A_877 : i32
        %get3A_880 = arith.constant 1 : i32
        %get3A_881 = arith.constant 0 : i32
        %get3A_882 = arith.index_cast %get3A_880 : i32 to index
        %get3A_883 = arith.index_cast %get3A_881 : i32 to index
        %get3A_884 = arith.index_cast %add3A_877 : i32 to index
        %get3A_885 = arith.constant 0 : index
        %get3A_886 = tpu.vector_load %arg6[%get3A_882, %get3A_883, %get3A_884, %get3A_885] {strides = array<i32>} : memref<2x4x128x32xf32, #tpu.memory_space<vmem>>, vector<16xf32>,
        %get3A_887 = arith.constant 1 : i32
        %get3A_888 = arith.constant 0 : i32
        %get3A_889 = arith.index_cast %get3A_887 : i32 to index
        %get3A_890 = arith.index_cast %get3A_888 : i32 to index
        %get3A_891 = arith.index_cast %add3A_877 : i32 to index
        %get3A_892 = arith.constant 16 : index
        %get3A_893 = tpu.vector_load %arg6[%get3A_889, %get3A_890, %get3A_891, %get3A_892] {strides = array<i32>} : memref<2x4x128x32xf32, #tpu.memory_space<vmem>>, vector<16xf32>,
        %add3A_894 = vector.broadcast %add3A_879 : i32 to vector<16xi32>
        %add3A_895 = arith.addi %add3A_12, %add3A_894 : vector<16xi32>
        %scatter3A_896 = arith.constant 1 : i32
        %scatter3A_897 = arith.constant 0 : i32
        %scatter3A_898 = tpu.memref_slice %arg7[%scatter3A_896, %scatter3A_897] : memref<2x16384xf32, #tpu.memory_space<vmem>> -> memref<1x16384xf32, #tpu.memory_space<vmem>>
        %scatter3A_899 = tpu.memref_squeeze %scatter3A_898 : memref<1x16384xf32, #tpu.memory_space<vmem>> -> memref<16384xf32, #tpu.memory_space<vmem>>
        tpu.vector_store_idx %scatter3A_899[%add3A_895], %get3A_886 : memref<16384xf32, #tpu.memory_space<vmem>>[vector<16xi32>], vector<16xf32>,
        %add3A_900 = vector.broadcast %add3A_879 : i32 to vector<16xi32>
        %add3A_901 = arith.addi %add3A_15, %add3A_900 : vector<16xi32>
        %scatter3A_902 = arith.constant 1 : i32
        %scatter3A_903 = arith.constant 0 : i32
        %scatter3A_904 = tpu.memref_slice %arg7[%scatter3A_902, %scatter3A_903] : memref<2x16384xf32, #tpu.memory_space<vmem>> -> memref<1x16384xf32, #tpu.memory_space<vmem>>
        %scatter3A_905 = tpu.memref_squeeze %scatter3A_904 : memref<1x16384xf32, #tpu.memory_space<vmem>> -> memref<16384xf32, #tpu.memory_space<vmem>>
        tpu.vector_store_idx %scatter3A_905[%add3A_901], %get3A_893 : memref<16384xf32, #tpu.memory_space<vmem>>[vector<16xi32>], vector<16xf32>,
        %add3A_906 = arith.constant 1024 : i32
        %add3A_907 = arith.addi %add3A_906, %add3A_877 : i32
        %get3A_908 = arith.constant 1 : i32
        %get3A_909 = arith.constant 1 : i32
        %get3A_910 = arith.index_cast %get3A_908 : i32 to index
        %get3A_911 = arith.index_cast %get3A_909 : i32 to index
        %get3A_912 = arith.index_cast %add3A_877 : i32 to index
        %get3A_913 = arith.constant 0 : index
        %get3A_914 = tpu.vector_load %arg6[%get3A_910, %get3A_911, %get3A_912, %get3A_913] {strides = array<i32>} : memref<2x4x128x32xf32, #tpu.memory_space<vmem>>, vector<16xf32>,
        %get3A_915 = arith.constant 1 : i32
        %get3A_916 = arith.constant 1 : i32
        %get3A_917 = arith.index_cast %get3A_915 : i32 to index
        %get3A_918 = arith.index_cast %get3A_916 : i32 to index
        %get3A_919 = arith.index_cast %add3A_877 : i32 to index
        %get3A_920 = arith.constant 16 : index
        %get3A_921 = tpu.vector_load %arg6[%get3A_917, %get3A_918, %get3A_919, %get3A_920] {strides = array<i32>} : memref<2x4x128x32xf32, #tpu.memory_space<vmem>>, vector<16xf32>,
        %add3A_922 = vector.broadcast %add3A_907 : i32 to vector<16xi32>
        %add3A_923 = arith.addi %add3A_12, %add3A_922 : vector<16xi32>
        %scatter3A_924 = arith.constant 1 : i32
        %scatter3A_925 = arith.constant 0 : i32
        %scatter3A_926 = tpu.memref_slice %arg7[%scatter3A_924, %scatter3A_925] : memref<2x16384xf32, #tpu.memory_space<vmem>> -> memref<1x16384xf32, #tpu.memory_space<vmem>>
        %scatter3A_927 = tpu.memref_squeeze %scatter3A_926 : memref<1x16384xf32, #tpu.memory_space<vmem>> -> memref<16384xf32, #tpu.memory_space<vmem>>
        tpu.vector_store_idx %scatter3A_927[%add3A_923], %get3A_914 : memref<16384xf32, #tpu.memory_space<vmem>>[vector<16xi32>], vector<16xf32>,
        %add3A_928 = vector.broadcast %add3A_907 : i32 to vector<16xi32>
        %add3A_929 = arith.addi %add3A_15, %add3A_928 : vector<16xi32>
        %scatter3A_930 = arith.constant 1 : i32
        %scatter3A_931 = arith.constant 0 : i32
        %scatter3A_932 = tpu.memref_slice %arg7[%scatter3A_930, %scatter3A_931] : memref<2x16384xf32, #tpu.memory_space<vmem>> -> memref<1x16384xf32, #tpu.memory_space<vmem>>
        %scatter3A_933 = tpu.memref_squeeze %scatter3A_932 : memref<1x16384xf32, #tpu.memory_space<vmem>> -> memref<16384xf32, #tpu.memory_space<vmem>>
        tpu.vector_store_idx %scatter3A_933[%add3A_929], %get3A_921 : memref<16384xf32, #tpu.memory_space<vmem>>[vector<16xi32>], vector<16xf32>,
        %add3A_934 = arith.constant 2048 : i32
        %add3A_935 = arith.addi %add3A_934, %add3A_877 : i32
        %get3A_936 = arith.constant 1 : i32
        %get3A_937 = arith.constant 2 : i32
        %get3A_938 = arith.index_cast %get3A_936 : i32 to index
        %get3A_939 = arith.index_cast %get3A_937 : i32 to index
        %get3A_940 = arith.index_cast %add3A_877 : i32 to index
        %get3A_941 = arith.constant 0 : index
        %get3A_942 = tpu.vector_load %arg6[%get3A_938, %get3A_939, %get3A_940, %get3A_941] {strides = array<i32>} : memref<2x4x128x32xf32, #tpu.memory_space<vmem>>, vector<16xf32>,
        %get3A_943 = arith.constant 1 : i32
        %get3A_944 = arith.constant 2 : i32
        %get3A_945 = arith.index_cast %get3A_943 : i32 to index
        %get3A_946 = arith.index_cast %get3A_944 : i32 to index
        %get3A_947 = arith.index_cast %add3A_877 : i32 to index
        %get3A_948 = arith.constant 16 : index
        %get3A_949 = tpu.vector_load %arg6[%get3A_945, %get3A_946, %get3A_947, %get3A_948] {strides = array<i32>} : memref<2x4x128x32xf32, #tpu.memory_space<vmem>>, vector<16xf32>,
        %add3A_950 = vector.broadcast %add3A_935 : i32 to vector<16xi32>
        %add3A_951 = arith.addi %add3A_12, %add3A_950 : vector<16xi32>
        %scatter3A_952 = arith.constant 1 : i32
        %scatter3A_953 = arith.constant 0 : i32
        %scatter3A_954 = tpu.memref_slice %arg7[%scatter3A_952, %scatter3A_953] : memref<2x16384xf32, #tpu.memory_space<vmem>> -> memref<1x16384xf32, #tpu.memory_space<vmem>>
        %scatter3A_955 = tpu.memref_squeeze %scatter3A_954 : memref<1x16384xf32, #tpu.memory_space<vmem>> -> memref<16384xf32, #tpu.memory_space<vmem>>
        tpu.vector_store_idx %scatter3A_955[%add3A_951], %get3A_942 : memref<16384xf32, #tpu.memory_space<vmem>>[vector<16xi32>], vector<16xf32>,
        %add3A_956 = vector.broadcast %add3A_935 : i32 to vector<16xi32>
        %add3A_957 = arith.addi %add3A_15, %add3A_956 : vector<16xi32>
        %scatter3A_958 = arith.constant 1 : i32
        %scatter3A_959 = arith.constant 0 : i32
        %scatter3A_960 = tpu.memref_slice %arg7[%scatter3A_958, %scatter3A_959] : memref<2x16384xf32, #tpu.memory_space<vmem>> -> memref<1x16384xf32, #tpu.memory_space<vmem>>
        %scatter3A_961 = tpu.memref_squeeze %scatter3A_960 : memref<1x16384xf32, #tpu.memory_space<vmem>> -> memref<16384xf32, #tpu.memory_space<vmem>>
        tpu.vector_store_idx %scatter3A_961[%add3A_957], %get3A_949 : memref<16384xf32, #tpu.memory_space<vmem>>[vector<16xi32>], vector<16xf32>,
        %add3A_962 = arith.constant 3072 : i32
        %add3A_963 = arith.addi %add3A_962, %add3A_877 : i32
        %get3A_964 = arith.constant 1 : i32
        %get3A_965 = arith.constant 3 : i32
        %get3A_966 = arith.index_cast %get3A_964 : i32 to index
        %get3A_967 = arith.index_cast %get3A_965 : i32 to index
        %get3A_968 = arith.index_cast %add3A_877 : i32 to index
        %get3A_969 = arith.constant 0 : index
        %get3A_970 = tpu.vector_load %arg6[%get3A_966, %get3A_967, %get3A_968, %get3A_969] {strides = array<i32>} : memref<2x4x128x32xf32, #tpu.memory_space<vmem>>, vector<16xf32>,
        %get3A_971 = arith.constant 1 : i32
        %get3A_972 = arith.constant 3 : i32
        %get3A_973 = arith.index_cast %get3A_971 : i32 to index
        %get3A_974 = arith.index_cast %get3A_972 : i32 to index
        %get3A_975 = arith.index_cast %add3A_877 : i32 to index
        %get3A_976 = arith.constant 16 : index
        %get3A_977 = tpu.vector_load %arg6[%get3A_973, %get3A_974, %get3A_975, %get3A_976] {strides = array<i32>} : memref<2x4x128x32xf32, #tpu.memory_space<vmem>>, vector<16xf32>,
        %add3A_978 = vector.broadcast %add3A_963 : i32 to vector<16xi32>
        %add3A_979 = arith.addi %add3A_12, %add3A_978 : vector<16xi32>
        %scatter3A_980 = arith.constant 1 : i32
        %scatter3A_981 = arith.constant 0 : i32
        %scatter3A_982 = tpu.memref_slice %arg7[%scatter3A_980, %scatter3A_981] : memref<2x16384xf32, #tpu.memory_space<vmem>> -> memref<1x16384xf32, #tpu.memory_space<vmem>>
        %scatter3A_983 = tpu.memref_squeeze %scatter3A_982 : memref<1x16384xf32, #tpu.memory_space<vmem>> -> memref<16384xf32, #tpu.memory_space<vmem>>
        tpu.vector_store_idx %scatter3A_983[%add3A_979], %get3A_970 : memref<16384xf32, #tpu.memory_space<vmem>>[vector<16xi32>], vector<16xf32>,
        %add3A_984 = vector.broadcast %add3A_963 : i32 to vector<16xi32>
        %add3A_985 = arith.addi %add3A_15, %add3A_984 : vector<16xi32>
        %scatter3A_986 = arith.constant 1 : i32
        %scatter3A_987 = arith.constant 0 : i32
        %scatter3A_988 = tpu.memref_slice %arg7[%scatter3A_986, %scatter3A_987] : memref<2x16384xf32, #tpu.memory_space<vmem>> -> memref<1x16384xf32, #tpu.memory_space<vmem>>
        %scatter3A_989 = tpu.memref_squeeze %scatter3A_988 : memref<1x16384xf32, #tpu.memory_space<vmem>> -> memref<16384xf32, #tpu.memory_space<vmem>>
        tpu.vector_store_idx %scatter3A_989[%add3A_985], %get3A_977 : memref<16384xf32, #tpu.memory_space<vmem>>[vector<16xi32>], vector<16xf32>,
      }
      %scan3A_463 = arith.constant 32 : i32
      %mul3A_464 = arith.constant 4096 : i32
      %mul3A_465 = arith.muli %add3A, %mul3A_464 : i32
      %dma_start3A_466 = arith.constant 1 : i32
      %dma_start3A_467 = arith.constant 0 : i32
      %dma_start3A_468 = arith.constant 0 : i32
      %dma_start3A_469 = tpu.memref_slice %arg7[%dma_start3A_466, %dma_start3A_468] : memref<2x16384xf32, #tpu.memory_space<vmem>> -> memref<1x4096xf32, #tpu.memory_space<vmem>>
      %dma_start3A_470 = tpu.memref_squeeze %dma_start3A_469 : memref<1x4096xf32, #tpu.memory_space<vmem>> -> memref<4096xf32, #tpu.memory_space<vmem>>
      %dma_start3A_471 = tpu.memref_slice %arg4[%add3A_388, %dma_start3A_467, %mul3A_465] : memref<50x4x131072xf32, #tpu.memory_space<hbm>> -> memref<1x1x4096xf32, #tpu.memory_space<hbm>>
      %dma_start3A_472 = tpu.memref_squeeze %dma_start3A_471 : memref<1x1x4096xf32, #tpu.memory_space<hbm>> -> memref<4096xf32, #tpu.memory_space<hbm>>
      %dma_start3A_473 = tpu.memref_slice %arg4[%add3A_388, %dma_start3A_467, %mul3A_465] : memref<50x4x131072xf32, #tpu.memory_space<hbm>> -> memref<1x1x4096xf32, #tpu.memory_space<hbm>>
      %dma_start3A_474 = tpu.memref_squeeze %dma_start3A_473 : memref<1x1x4096xf32, #tpu.memory_space<hbm>> -> memref<4096xf32, #tpu.memory_space<hbm>>
      %dma_start3A_475 = arith.constant 0 : i32
      %dma_start3A_476 = tpu.memref_slice %arg7[%dma_start3A_466, %dma_start3A_475] : memref<2x16384xf32, #tpu.memory_space<vmem>> -> memref<1x4096xf32, #tpu.memory_space<vmem>>
      %dma_start3A_477 = tpu.memref_squeeze %dma_start3A_476 : memref<1x4096xf32, #tpu.memory_space<vmem>> -> memref<4096xf32, #tpu.memory_space<vmem>>
      tpu.enqueue_dma source(%dma_start3A_477 : memref<4096xf32, #tpu.memory_space<vmem>>) target(%dma_start3A_474 : memref<4096xf32, #tpu.memory_space<hbm>>) target_semaphore(%arg11 : memref<!tpu.dma_semaphore, #tpu.memory_space<semaphore_mem>>)
      %mul3A_478 = arith.constant 4096 : i32
      %mul3A_479 = arith.muli %add3A, %mul3A_478 : i32
      %dma_start3A_480 = arith.constant 1 : i32
      %dma_start3A_481 = arith.constant 1 : i32
      %dma_start3A_482 = arith.constant 4096 : i32
      %dma_start3A_483 = tpu.memref_slice %arg7[%dma_start3A_480, %dma_start3A_482] : memref<2x16384xf32, #tpu.memory_space<vmem>> -> memref<1x4096xf32, #tpu.memory_space<vmem>>
      %dma_start3A_484 = tpu.memref_squeeze %dma_start3A_483 : memref<1x4096xf32, #tpu.memory_space<vmem>> -> memref<4096xf32, #tpu.memory_space<vmem>>
      %dma_start3A_485 = tpu.memref_slice %arg4[%add3A_388, %dma_start3A_481, %mul3A_479] : memref<50x4x131072xf32, #tpu.memory_space<hbm>> -> memref<1x1x4096xf32, #tpu.memory_space<hbm>>
      %dma_start3A_486 = tpu.memref_squeeze %dma_start3A_485 : memref<1x1x4096xf32, #tpu.memory_space<hbm>> -> memref<4096xf32, #tpu.memory_space<hbm>>
      %dma_start3A_487 = tpu.memref_slice %arg4[%add3A_388, %dma_start3A_481, %mul3A_479] : memref<50x4x131072xf32, #tpu.memory_space<hbm>> -> memref<1x1x4096xf32, #tpu.memory_space<hbm>>
      %dma_start3A_488 = tpu.memref_squeeze %dma_start3A_487 : memref<1x1x4096xf32, #tpu.memory_space<hbm>> -> memref<4096xf32, #tpu.memory_space<hbm>>
      %dma_start3A_489 = arith.constant 4096 : i32
      %dma_start3A_490 = tpu.memref_slice %arg7[%dma_start3A_480, %dma_start3A_489] : memref<2x16384xf32, #tpu.memory_space<vmem>> -> memref<1x4096xf32, #tpu.memory_space<vmem>>
      %dma_start3A_491 = tpu.memref_squeeze %dma_start3A_490 : memref<1x4096xf32, #tpu.memory_space<vmem>> -> memref<4096xf32, #tpu.memory_space<vmem>>
      tpu.enqueue_dma source(%dma_start3A_491 : memref<4096xf32, #tpu.memory_space<vmem>>) target(%dma_start3A_488 : memref<4096xf32, #tpu.memory_space<hbm>>) target_semaphore(%arg11 : memref<!tpu.dma_semaphore, #tpu.memory_space<semaphore_mem>>)
      %mul3A_492 = arith.constant 4096 : i32
      %mul3A_493 = arith.muli %add3A, %mul3A_492 : i32
      %dma_start3A_494 = arith.constant 1 : i32
      %dma_start3A_495 = arith.constant 2 : i32
      %dma_start3A_496 = arith.constant 8192 : i32
      %dma_start3A_497 = tpu.memref_slice %arg7[%dma_start3A_494, %dma_start3A_496] : memref<2x16384xf32, #tpu.memory_space<vmem>> -> memref<1x4096xf32, #tpu.memory_space<vmem>>
      %dma_start3A_498 = tpu.memref_squeeze %dma_start3A_497 : memref<1x4096xf32, #tpu.memory_space<vmem>> -> memref<4096xf32, #tpu.memory_space<vmem>>
      %dma_start3A_499 = tpu.memref_slice %arg4[%add3A_388, %dma_start3A_495, %mul3A_493] : memref<50x4x131072xf32, #tpu.memory_space<hbm>> -> memref<1x1x4096xf32, #tpu.memory_space<hbm>>
      %dma_start3A_500 = tpu.memref_squeeze %dma_start3A_499 : memref<1x1x4096xf32, #tpu.memory_space<hbm>> -> memref<4096xf32, #tpu.memory_space<hbm>>
      %dma_start3A_501 = tpu.memref_slice %arg4[%add3A_388, %dma_start3A_495, %mul3A_493] : memref<50x4x131072xf32, #tpu.memory_space<hbm>> -> memref<1x1x4096xf32, #tpu.memory_space<hbm>>
      %dma_start3A_502 = tpu.memref_squeeze %dma_start3A_501 : memref<1x1x4096xf32, #tpu.memory_space<hbm>> -> memref<4096xf32, #tpu.memory_space<hbm>>
      %dma_start3A_503 = arith.constant 8192 : i32
      %dma_start3A_504 = tpu.memref_slice %arg7[%dma_start3A_494, %dma_start3A_503] : memref<2x16384xf32, #tpu.memory_space<vmem>> -> memref<1x4096xf32, #tpu.memory_space<vmem>>
      %dma_start3A_505 = tpu.memref_squeeze %dma_start3A_504 : memref<1x4096xf32, #tpu.memory_space<vmem>> -> memref<4096xf32, #tpu.memory_space<vmem>>
      tpu.enqueue_dma source(%dma_start3A_505 : memref<4096xf32, #tpu.memory_space<vmem>>) target(%dma_start3A_502 : memref<4096xf32, #tpu.memory_space<hbm>>) target_semaphore(%arg11 : memref<!tpu.dma_semaphore, #tpu.memory_space<semaphore_mem>>)
      %mul3A_506 = arith.constant 4096 : i32
      %mul3A_507 = arith.muli %add3A, %mul3A_506 : i32
      %dma_start3A_508 = arith.constant 1 : i32
      %dma_start3A_509 = arith.constant 3 : i32
      %dma_start3A_510 = arith.constant 12288 : i32
      %dma_start3A_511 = tpu.memref_slice %arg7[%dma_start3A_508, %dma_start3A_510] : memref<2x16384xf32, #tpu.memory_space<vmem>> -> memref<1x4096xf32, #tpu.memory_space<vmem>>
      %dma_start3A_512 = tpu.memref_squeeze %dma_start3A_511 : memref<1x4096xf32, #tpu.memory_space<vmem>> -> memref<4096xf32, #tpu.memory_space<vmem>>
      %dma_start3A_513 = tpu.memref_slice %arg4[%add3A_388, %dma_start3A_509, %mul3A_507] : memref<50x4x131072xf32, #tpu.memory_space<hbm>> -> memref<1x1x4096xf32, #tpu.memory_space<hbm>>
      %dma_start3A_514 = tpu.memref_squeeze %dma_start3A_513 : memref<1x1x4096xf32, #tpu.memory_space<hbm>> -> memref<4096xf32, #tpu.memory_space<hbm>>
      %dma_start3A_515 = tpu.memref_slice %arg4[%add3A_388, %dma_start3A_509, %mul3A_507] : memref<50x4x131072xf32, #tpu.memory_space<hbm>> -> memref<1x1x4096xf32, #tpu.memory_space<hbm>>
      %dma_start3A_516 = tpu.memref_squeeze %dma_start3A_515 : memref<1x1x4096xf32, #tpu.memory_space<hbm>> -> memref<4096xf32, #tpu.memory_space<hbm>>
      %dma_start3A_517 = arith.constant 12288 : i32
      %dma_start3A_518 = tpu.memref_slice %arg7[%dma_start3A_508, %dma_start3A_517] : memref<2x16384xf32, #tpu.memory_space<vmem>> -> memref<1x4096xf32, #tpu.memory_space<vmem>>
      %dma_start3A_519 = tpu.memref_squeeze %dma_start3A_518 : memref<1x4096xf32, #tpu.memory_space<vmem>> -> memref<4096xf32, #tpu.memory_space<vmem>>
      tpu.enqueue_dma source(%dma_start3A_519 : memref<4096xf32, #tpu.memory_space<vmem>>) target(%dma_start3A_516 : memref<4096xf32, #tpu.memory_space<hbm>>) target_semaphore(%arg11 : memref<!tpu.dma_semaphore, #tpu.memory_space<semaphore_mem>>)
      %add3A_520 = arith.constant 2 : i32
      %add3A_521 = arith.addi %add3A_388, %add3A_520 : i32
      %lt3A_522 = arith.constant 50 : i32
      %lt3A_523 = arith.cmpi slt, %add3A_521, %lt3A_522 : i32
      %convert_element_type3A_524 = arith.extui %lt3A_523 : i1 to i32
      %cond3A_525 = arith.constant 0 : i32
      %cond3A_526 = arith.cmpi ne, %convert_element_type3A_524, %cond3A_525 : i32
      scf.if %cond3A_526 {
        %add3A_527 = arith.constant 2 : i32
        %add3A_528 = arith.addi %add3A_388, %add3A_527 : i32
        %run_scoped3A_529 = arith.constant 1 : i32
        "tpu.region"() ({
          %run_scoped3A_582 = tpu.sem_alloc : memref<!tpu.dma_semaphore, #tpu.memory_space<semaphore_mem>>
          %dma_start3A_583 = arith.constant 0 : i32
          %dma_start3A_584 = tpu.memref_slice %arg5[%run_scoped3A_529, %dma_start3A_583] : memref<2x512xi32, #tpu.memory_space<vmem>> -> memref<1x512xi32, #tpu.memory_space<vmem>>
          %dma_start3A_585 = tpu.memref_squeeze %dma_start3A_584 : memref<1x512xi32, #tpu.memory_space<vmem>> -> memref<512xi32, #tpu.memory_space<vmem>>
          %dma_start3A_586 = tpu.memref_slice %arg2[%add3A_528, %mul3A_2] : memref<50x16384xi32, #tpu.memory_space<hbm>> -> memref<1x512xi32, #tpu.memory_space<hbm>>
          %dma_start3A_587 = tpu.memref_squeeze %dma_start3A_586 : memref<1x512xi32, #tpu.memory_space<hbm>> -> memref<512xi32, #tpu.memory_space<hbm>>
          %dma_start3A_588 = arith.constant 0 : i32
          %dma_start3A_589 = tpu.memref_slice %arg5[%run_scoped3A_529, %dma_start3A_588] : memref<2x512xi32, #tpu.memory_space<vmem>> -> memref<1x512xi32, #tpu.memory_space<vmem>>
          %dma_start3A_590 = tpu.memref_squeeze %dma_start3A_589 : memref<1x512xi32, #tpu.memory_space<vmem>> -> memref<512xi32, #tpu.memory_space<vmem>>
          %dma_start3A_591 = tpu.memref_slice %arg2[%add3A_528, %mul3A_2] : memref<50x16384xi32, #tpu.memory_space<hbm>> -> memref<1x512xi32, #tpu.memory_space<hbm>>
          %dma_start3A_592 = tpu.memref_squeeze %dma_start3A_591 : memref<1x512xi32, #tpu.memory_space<hbm>> -> memref<512xi32, #tpu.memory_space<hbm>>
          tpu.enqueue_dma source(%dma_start3A_592 : memref<512xi32, #tpu.memory_space<hbm>>) target(%dma_start3A_590 : memref<512xi32, #tpu.memory_space<vmem>>) target_semaphore(%run_scoped3A_582 : memref<!tpu.dma_semaphore, #tpu.memory_space<semaphore_mem>>)
          %dma_wait3A_593 = arith.constant 0 : i32
          %dma_wait3A_594 = tpu.memref_slice %arg5[%run_scoped3A_529, %dma_wait3A_593] : memref<2x512xi32, #tpu.memory_space<vmem>> -> memref<1x512xi32, #tpu.memory_space<vmem>>
          %dma_wait3A_595 = tpu.memref_squeeze %dma_wait3A_594 : memref<1x512xi32, #tpu.memory_space<vmem>> -> memref<512xi32, #tpu.memory_space<vmem>>
          %dma_wait3A_596 = tpu.memref_slice %arg2[%add3A_528, %mul3A_2] : memref<50x16384xi32, #tpu.memory_space<hbm>> -> memref<1x512xi32, #tpu.memory_space<hbm>>
          %dma_wait3A_597 = tpu.memref_squeeze %dma_wait3A_596 : memref<1x512xi32, #tpu.memory_space<hbm>> -> memref<512xi32, #tpu.memory_space<hbm>>
          %dma_wait3A_598 = arith.constant 0 : i32
          %dma_wait3A_599 = tpu.memref_slice %arg5[%run_scoped3A_529, %dma_wait3A_598] : memref<2x512xi32, #tpu.memory_space<vmem>> -> memref<1x512xi32, #tpu.memory_space<vmem>>
          %dma_wait3A_600 = tpu.memref_squeeze %dma_wait3A_599 : memref<1x512xi32, #tpu.memory_space<vmem>> -> memref<512xi32, #tpu.memory_space<vmem>>
          %dma_wait3A_601 = tpu.memref_slice %arg2[%add3A_528, %mul3A_2] : memref<50x16384xi32, #tpu.memory_space<hbm>> -> memref<1x512xi32, #tpu.memory_space<hbm>>
          %dma_wait3A_602 = tpu.memref_squeeze %dma_wait3A_601 : memref<1x512xi32, #tpu.memory_space<hbm>> -> memref<512xi32, #tpu.memory_space<hbm>>
          tpu.wait_dma2 semaphore(%run_scoped3A_582 : memref<!tpu.dma_semaphore, #tpu.memory_space<semaphore_mem>>) src(%dma_wait3A_602 : memref<512xi32, #tpu.memory_space<hbm>>) dst(%dma_wait3A_600 : memref<512xi32, #tpu.memory_space<vmem>>)
          tpu.yield
        }) : () -> ()
        %dma_start3A_530 = arith.constant 1 : i32
        %dma_start3A_531 = arith.constant 1 : i32
        %dma_start3A_532 = arith.constant 0 : i32
        %dma_start3A_533 = arith.constant 0 : i32
        %dma_start3A_534 = arith.constant 0 : i32
        %dma_start3A_535 = tpu.memref_slice %arg6[%dma_start3A_531, %dma_start3A_532, %dma_start3A_533, %dma_start3A_534] : memref<2x4x128x32xf32, #tpu.memory_space<vmem>> -> memref<1x1x128x32xf32, #tpu.memory_space<vmem>>
        %dma_start3A_536 = tpu.memref_squeeze %dma_start3A_535 : memref<1x1x128x32xf32, #tpu.memory_space<vmem>> -> memref<128x32xf32, #tpu.memory_space<vmem>>
        %dma_start3A_537 = arith.constant 0 : i32
        %dma_start3A_538 = tpu.memref_slice %arg5[%dma_start3A_530, %dma_start3A_537] : memref<2x512xi32, #tpu.memory_space<vmem>> -> memref<1x128xi32, #tpu.memory_space<vmem>>
        %dma_start3A_539 = tpu.memref_squeeze %dma_start3A_538 : memref<1x128xi32, #tpu.memory_space<vmem>> -> memref<128xi32, #tpu.memory_space<vmem>>
        %dma_start3A_540 = arith.constant 0 : i32
        %dma_start3A_541 = arith.constant 0 : i32
        %dma_start3A_542 = tpu.memref_slice %arg3[%dma_start3A_540, %dma_start3A_541] : memref<1000000x32xf32, #tpu.memory_space<hbm>> -> memref<1000000x32xf32, #tpu.memory_space<hbm>>
        tpu.enqueue_indirect_dma source(%dma_start3A_542 : memref<1000000x32xf32, #tpu.memory_space<hbm>>) target(%dma_start3A_536 : memref<128x32xf32, #tpu.memory_space<vmem>>) offsets(%dma_start3A_539 : memref<128xi32, #tpu.memory_space<vmem>>) semaphore(%arg9 : memref<!tpu.dma_semaphore, #tpu.memory_space<semaphore_mem>>)
        %dma_start3A_543 = arith.constant 1 : i32
        %dma_start3A_544 = arith.constant 1 : i32
        %dma_start3A_545 = arith.constant 1 : i32
        %dma_start3A_546 = arith.constant 0 : i32
        %dma_start3A_547 = arith.constant 0 : i32
        %dma_start3A_548 = tpu.memref_slice %arg6[%dma_start3A_544, %dma_start3A_545, %dma_start3A_546, %dma_start3A_547] : memref<2x4x128x32xf32, #tpu.memory_space<vmem>> -> memref<1x1x128x32xf32, #tpu.memory_space<vmem>>
        %dma_start3A_549 = tpu.memref_squeeze %dma_start3A_548 : memref<1x1x128x32xf32, #tpu.memory_space<vmem>> -> memref<128x32xf32, #tpu.memory_space<vmem>>
        %dma_start3A_550 = arith.constant 128 : i32
        %dma_start3A_551 = tpu.memref_slice %arg5[%dma_start3A_543, %dma_start3A_550] : memref<2x512xi32, #tpu.memory_space<vmem>> -> memref<1x128xi32, #tpu.memory_space<vmem>>
        %dma_start3A_552 = tpu.memref_squeeze %dma_start3A_551 : memref<1x128xi32, #tpu.memory_space<vmem>> -> memref<128xi32, #tpu.memory_space<vmem>>
        %dma_start3A_553 = arith.constant 0 : i32
        %dma_start3A_554 = arith.constant 0 : i32
        %dma_start3A_555 = tpu.memref_slice %arg3[%dma_start3A_553, %dma_start3A_554] : memref<1000000x32xf32, #tpu.memory_space<hbm>> -> memref<1000000x32xf32, #tpu.memory_space<hbm>>
        tpu.enqueue_indirect_dma source(%dma_start3A_555 : memref<1000000x32xf32, #tpu.memory_space<hbm>>) target(%dma_start3A_549 : memref<128x32xf32, #tpu.memory_space<vmem>>) offsets(%dma_start3A_552 : memref<128xi32, #tpu.memory_space<vmem>>) semaphore(%arg9 : memref<!tpu.dma_semaphore, #tpu.memory_space<semaphore_mem>>)
        %dma_start3A_556 = arith.constant 1 : i32
        %dma_start3A_557 = arith.constant 1 : i32
        %dma_start3A_558 = arith.constant 2 : i32
        %dma_start3A_559 = arith.constant 0 : i32
        %dma_start3A_560 = arith.constant 0 : i32
        %dma_start3A_561 = tpu.memref_slice %arg6[%dma_start3A_557, %dma_start3A_558, %dma_start3A_559, %dma_start3A_560] : memref<2x4x128x32xf32, #tpu.memory_space<vmem>> -> memref<1x1x128x32xf32, #tpu.memory_space<vmem>>
        %dma_start3A_562 = tpu.memref_squeeze %dma_start3A_561 : memref<1x1x128x32xf32, #tpu.memory_space<vmem>> -> memref<128x32xf32, #tpu.memory_space<vmem>>
        %dma_start3A_563 = arith.constant 256 : i32
        %dma_start3A_564 = tpu.memref_slice %arg5[%dma_start3A_556, %dma_start3A_563] : memref<2x512xi32, #tpu.memory_space<vmem>> -> memref<1x128xi32, #tpu.memory_space<vmem>>
        %dma_start3A_565 = tpu.memref_squeeze %dma_start3A_564 : memref<1x128xi32, #tpu.memory_space<vmem>> -> memref<128xi32, #tpu.memory_space<vmem>>
        %dma_start3A_566 = arith.constant 0 : i32
        %dma_start3A_567 = arith.constant 0 : i32
        %dma_start3A_568 = tpu.memref_slice %arg3[%dma_start3A_566, %dma_start3A_567] : memref<1000000x32xf32, #tpu.memory_space<hbm>> -> memref<1000000x32xf32, #tpu.memory_space<hbm>>
        tpu.enqueue_indirect_dma source(%dma_start3A_568 : memref<1000000x32xf32, #tpu.memory_space<hbm>>) target(%dma_start3A_562 : memref<128x32xf32, #tpu.memory_space<vmem>>) offsets(%dma_start3A_565 : memref<128xi32, #tpu.memory_space<vmem>>) semaphore(%arg9 : memref<!tpu.dma_semaphore, #tpu.memory_space<semaphore_mem>>)
        %dma_start3A_569 = arith.constant 1 : i32
        %dma_start3A_570 = arith.constant 1 : i32
        %dma_start3A_571 = arith.constant 3 : i32
        %dma_start3A_572 = arith.constant 0 : i32
        %dma_start3A_573 = arith.constant 0 : i32
        %dma_start3A_574 = tpu.memref_slice %arg6[%dma_start3A_570, %dma_start3A_571, %dma_start3A_572, %dma_start3A_573] : memref<2x4x128x32xf32, #tpu.memory_space<vmem>> -> memref<1x1x128x32xf32, #tpu.memory_space<vmem>>
        %dma_start3A_575 = tpu.memref_squeeze %dma_start3A_574 : memref<1x1x128x32xf32, #tpu.memory_space<vmem>> -> memref<128x32xf32, #tpu.memory_space<vmem>>
        %dma_start3A_576 = arith.constant 384 : i32
        %dma_start3A_577 = tpu.memref_slice %arg5[%dma_start3A_569, %dma_start3A_576] : memref<2x512xi32, #tpu.memory_space<vmem>> -> memref<1x128xi32, #tpu.memory_space<vmem>>
        %dma_start3A_578 = tpu.memref_squeeze %dma_start3A_577 : memref<1x128xi32, #tpu.memory_space<vmem>> -> memref<128xi32, #tpu.memory_space<vmem>>
        %dma_start3A_579 = arith.constant 0 : i32
        %dma_start3A_580 = arith.constant 0 : i32
        %dma_start3A_581 = tpu.memref_slice %arg3[%dma_start3A_579, %dma_start3A_580] : memref<1000000x32xf32, #tpu.memory_space<hbm>> -> memref<1000000x32xf32, #tpu.memory_space<hbm>>
        tpu.enqueue_indirect_dma source(%dma_start3A_581 : memref<1000000x32xf32, #tpu.memory_space<hbm>>) target(%dma_start3A_575 : memref<128x32xf32, #tpu.memory_space<vmem>>) offsets(%dma_start3A_578 : memref<128xi32, #tpu.memory_space<vmem>>) semaphore(%arg9 : memref<!tpu.dma_semaphore, #tpu.memory_space<semaphore_mem>>)
      } else {
      }
    }
    %scan3A_126 = arith.constant 25 : i32
    %dma_wait3A = arith.constant 0 : i32
    %dma_wait3A_127 = arith.constant 0 : i32
    %dma_wait3A_128 = arith.constant 0 : i32
    %dma_wait3A_129 = arith.constant 0 : i32
    %dma_wait3A_130 = tpu.memref_slice %arg7[%dma_wait3A_128, %dma_wait3A_129] : memref<2x16384xf32, #tpu.memory_space<vmem>> -> memref<1x4096xf32, #tpu.memory_space<vmem>>
    %dma_wait3A_131 = tpu.memref_squeeze %dma_wait3A_130 : memref<1x4096xf32, #tpu.memory_space<vmem>> -> memref<4096xf32, #tpu.memory_space<vmem>>
    %dma_wait3A_132 = arith.constant 0 : i32
    %dma_wait3A_133 = tpu.memref_slice %arg4[%dma_wait3A, %dma_wait3A_127, %dma_wait3A_132] : memref<50x4x131072xf32, #tpu.memory_space<hbm>> -> memref<1x1x4096xf32, #tpu.memory_space<hbm>>
    %dma_wait3A_134 = tpu.memref_squeeze %dma_wait3A_133 : memref<1x1x4096xf32, #tpu.memory_space<hbm>> -> memref<4096xf32, #tpu.memory_space<hbm>>
    %dma_wait3A_135 = arith.constant 0 : i32
    %dma_wait3A_136 = tpu.memref_slice %arg7[%dma_wait3A_128, %dma_wait3A_135] : memref<2x16384xf32, #tpu.memory_space<vmem>> -> memref<1x4096xf32, #tpu.memory_space<vmem>>
    %dma_wait3A_137 = tpu.memref_squeeze %dma_wait3A_136 : memref<1x4096xf32, #tpu.memory_space<vmem>> -> memref<4096xf32, #tpu.memory_space<vmem>>
    %dma_wait3A_138 = arith.constant 0 : i32
    %dma_wait3A_139 = tpu.memref_slice %arg4[%dma_wait3A, %dma_wait3A_127, %dma_wait3A_138] : memref<50x4x131072xf32, #tpu.memory_space<hbm>> -> memref<1x1x4096xf32, #tpu.memory_space<hbm>>
    %dma_wait3A_140 = tpu.memref_squeeze %dma_wait3A_139 : memref<1x1x4096xf32, #tpu.memory_space<hbm>> -> memref<4096xf32, #tpu.memory_space<hbm>>
    tpu.wait_dma2 semaphore(%arg10 : memref<!tpu.dma_semaphore, #tpu.memory_space<semaphore_mem>>) src(%dma_wait3A_140 : memref<4096xf32, #tpu.memory_space<hbm>>) dst(%dma_wait3A_137 : memref<4096xf32, #tpu.memory_space<vmem>>)
    %dma_wait3A_141 = arith.constant 0 : i32
    %dma_wait3A_142 = arith.constant 0 : i32
    %dma_wait3A_143 = arith.constant 0 : i32
    %dma_wait3A_144 = arith.constant 4096 : i32
    %dma_wait3A_145 = tpu.memref_slice %arg7[%dma_wait3A_143, %dma_wait3A_144] : memref<2x16384xf32, #tpu.memory_space<vmem>> -> memref<1x4096xf32, #tpu.memory_space<vmem>>
    %dma_wait3A_146 = tpu.memref_squeeze %dma_wait3A_145 : memref<1x4096xf32, #tpu.memory_space<vmem>> -> memref<4096xf32, #tpu.memory_space<vmem>>
    %dma_wait3A_147 = arith.constant 0 : i32
    %dma_wait3A_148 = tpu.memref_slice %arg4[%dma_wait3A_141, %dma_wait3A_142, %dma_wait3A_147] : memref<50x4x131072xf32, #tpu.memory_space<hbm>> -> memref<1x1x4096xf32, #tpu.memory_space<hbm>>
    %dma_wait3A_149 = tpu.memref_squeeze %dma_wait3A_148 : memref<1x1x4096xf32, #tpu.memory_space<hbm>> -> memref<4096xf32, #tpu.memory_space<hbm>>
    %dma_wait3A_150 = arith.constant 4096 : i32
    %dma_wait3A_151 = tpu.memref_slice %arg7[%dma_wait3A_143, %dma_wait3A_150] : memref<2x16384xf32, #tpu.memory_space<vmem>> -> memref<1x4096xf32, #tpu.memory_space<vmem>>
    %dma_wait3A_152 = tpu.memref_squeeze %dma_wait3A_151 : memref<1x4096xf32, #tpu.memory_space<vmem>> -> memref<4096xf32, #tpu.memory_space<vmem>>
    %dma_wait3A_153 = arith.constant 0 : i32
    %dma_wait3A_154 = tpu.memref_slice %arg4[%dma_wait3A_141, %dma_wait3A_142, %dma_wait3A_153] : memref<50x4x131072xf32, #tpu.memory_space<hbm>> -> memref<1x1x4096xf32, #tpu.memory_space<hbm>>
    %dma_wait3A_155 = tpu.memref_squeeze %dma_wait3A_154 : memref<1x1x4096xf32, #tpu.memory_space<hbm>> -> memref<4096xf32, #tpu.memory_space<hbm>>
    tpu.wait_dma2 semaphore(%arg10 : memref<!tpu.dma_semaphore, #tpu.memory_space<semaphore_mem>>) src(%dma_wait3A_155 : memref<4096xf32, #tpu.memory_space<hbm>>) dst(%dma_wait3A_152 : memref<4096xf32, #tpu.memory_space<vmem>>)
    %dma_wait3A_156 = arith.constant 0 : i32
    %dma_wait3A_157 = arith.constant 0 : i32
    %dma_wait3A_158 = arith.constant 0 : i32
    %dma_wait3A_159 = arith.constant 8192 : i32
    %dma_wait3A_160 = tpu.memref_slice %arg7[%dma_wait3A_158, %dma_wait3A_159] : memref<2x16384xf32, #tpu.memory_space<vmem>> -> memref<1x4096xf32, #tpu.memory_space<vmem>>
    %dma_wait3A_161 = tpu.memref_squeeze %dma_wait3A_160 : memref<1x4096xf32, #tpu.memory_space<vmem>> -> memref<4096xf32, #tpu.memory_space<vmem>>
    %dma_wait3A_162 = arith.constant 0 : i32
    %dma_wait3A_163 = tpu.memref_slice %arg4[%dma_wait3A_156, %dma_wait3A_157, %dma_wait3A_162] : memref<50x4x131072xf32, #tpu.memory_space<hbm>> -> memref<1x1x4096xf32, #tpu.memory_space<hbm>>
    %dma_wait3A_164 = tpu.memref_squeeze %dma_wait3A_163 : memref<1x1x4096xf32, #tpu.memory_space<hbm>> -> memref<4096xf32, #tpu.memory_space<hbm>>
    %dma_wait3A_165 = arith.constant 8192 : i32
    %dma_wait3A_166 = tpu.memref_slice %arg7[%dma_wait3A_158, %dma_wait3A_165] : memref<2x16384xf32, #tpu.memory_space<vmem>> -> memref<1x4096xf32, #tpu.memory_space<vmem>>
    %dma_wait3A_167 = tpu.memref_squeeze %dma_wait3A_166 : memref<1x4096xf32, #tpu.memory_space<vmem>> -> memref<4096xf32, #tpu.memory_space<vmem>>
    %dma_wait3A_168 = arith.constant 0 : i32
    %dma_wait3A_169 = tpu.memref_slice %arg4[%dma_wait3A_156, %dma_wait3A_157, %dma_wait3A_168] : memref<50x4x131072xf32, #tpu.memory_space<hbm>> -> memref<1x1x4096xf32, #tpu.memory_space<hbm>>
    %dma_wait3A_170 = tpu.memref_squeeze %dma_wait3A_169 : memref<1x1x4096xf32, #tpu.memory_space<hbm>> -> memref<4096xf32, #tpu.memory_space<hbm>>
    tpu.wait_dma2 semaphore(%arg10 : memref<!tpu.dma_semaphore, #tpu.memory_space<semaphore_mem>>) src(%dma_wait3A_170 : memref<4096xf32, #tpu.memory_space<hbm>>) dst(%dma_wait3A_167 : memref<4096xf32, #tpu.memory_space<vmem>>)
    %dma_wait3A_171 = arith.constant 0 : i32
    %dma_wait3A_172 = arith.constant 0 : i32
    %dma_wait3A_173 = arith.constant 0 : i32
    %dma_wait3A_174 = arith.constant 12288 : i32
    %dma_wait3A_175 = tpu.memref_slice %arg7[%dma_wait3A_173, %dma_wait3A_174] : memref<2x16384xf32, #tpu.memory_space<vmem>> -> memref<1x4096xf32, #tpu.memory_space<vmem>>
    %dma_wait3A_176 = tpu.memref_squeeze %dma_wait3A_175 : memref<1x4096xf32, #tpu.memory_space<vmem>> -> memref<4096xf32, #tpu.memory_space<vmem>>
    %dma_wait3A_177 = arith.constant 0 : i32
    %dma_wait3A_178 = tpu.memref_slice %arg4[%dma_wait3A_171, %dma_wait3A_172, %dma_wait3A_177] : memref<50x4x131072xf32, #tpu.memory_space<hbm>> -> memref<1x1x4096xf32, #tpu.memory_space<hbm>>
    %dma_wait3A_179 = tpu.memref_squeeze %dma_wait3A_178 : memref<1x1x4096xf32, #tpu.memory_space<hbm>> -> memref<4096xf32, #tpu.memory_space<hbm>>
    %dma_wait3A_180 = arith.constant 12288 : i32
    %dma_wait3A_181 = tpu.memref_slice %arg7[%dma_wait3A_173, %dma_wait3A_180] : memref<2x16384xf32, #tpu.memory_space<vmem>> -> memref<1x4096xf32, #tpu.memory_space<vmem>>
    %dma_wait3A_182 = tpu.memref_squeeze %dma_wait3A_181 : memref<1x4096xf32, #tpu.memory_space<vmem>> -> memref<4096xf32, #tpu.memory_space<vmem>>
    %dma_wait3A_183 = arith.constant 0 : i32
    %dma_wait3A_184 = tpu.memref_slice %arg4[%dma_wait3A_171, %dma_wait3A_172, %dma_wait3A_183] : memref<50x4x131072xf32, #tpu.memory_space<hbm>> -> memref<1x1x4096xf32, #tpu.memory_space<hbm>>
    %dma_wait3A_185 = tpu.memref_squeeze %dma_wait3A_184 : memref<1x1x4096xf32, #tpu.memory_space<hbm>> -> memref<4096xf32, #tpu.memory_space<hbm>>
    tpu.wait_dma2 semaphore(%arg10 : memref<!tpu.dma_semaphore, #tpu.memory_space<semaphore_mem>>) src(%dma_wait3A_185 : memref<4096xf32, #tpu.memory_space<hbm>>) dst(%dma_wait3A_182 : memref<4096xf32, #tpu.memory_space<vmem>>)
    %dma_wait3A_186 = arith.constant 0 : i32
    %dma_wait3A_187 = arith.constant 0 : i32
    %dma_wait3A_188 = arith.constant 1 : i32
    %dma_wait3A_189 = arith.constant 0 : i32
    %dma_wait3A_190 = tpu.memref_slice %arg7[%dma_wait3A_188, %dma_wait3A_189] : memref<2x16384xf32, #tpu.memory_space<vmem>> -> memref<1x4096xf32, #tpu.memory_space<vmem>>
    %dma_wait3A_191 = tpu.memref_squeeze %dma_wait3A_190 : memref<1x4096xf32, #tpu.memory_space<vmem>> -> memref<4096xf32, #tpu.memory_space<vmem>>
    %dma_wait3A_192 = arith.constant 0 : i32
    %dma_wait3A_193 = tpu.memref_slice %arg4[%dma_wait3A_186, %dma_wait3A_187, %dma_wait3A_192] : memref<50x4x131072xf32, #tpu.memory_space<hbm>> -> memref<1x1x4096xf32, #tpu.memory_space<hbm>>
    %dma_wait3A_194 = tpu.memref_squeeze %dma_wait3A_193 : memref<1x1x4096xf32, #tpu.memory_space<hbm>> -> memref<4096xf32, #tpu.memory_space<hbm>>
    %dma_wait3A_195 = arith.constant 0 : i32
    %dma_wait3A_196 = tpu.memref_slice %arg7[%dma_wait3A_188, %dma_wait3A_195] : memref<2x16384xf32, #tpu.memory_space<vmem>> -> memref<1x4096xf32, #tpu.memory_space<vmem>>
    %dma_wait3A_197 = tpu.memref_squeeze %dma_wait3A_196 : memref<1x4096xf32, #tpu.memory_space<vmem>> -> memref<4096xf32, #tpu.memory_space<vmem>>
    %dma_wait3A_198 = arith.constant 0 : i32
    %dma_wait3A_199 = tpu.memref_slice %arg4[%dma_wait3A_186, %dma_wait3A_187, %dma_wait3A_198] : memref<50x4x131072xf32, #tpu.memory_space<hbm>> -> memref<1x1x4096xf32, #tpu.memory_space<hbm>>
    %dma_wait3A_200 = tpu.memref_squeeze %dma_wait3A_199 : memref<1x1x4096xf32, #tpu.memory_space<hbm>> -> memref<4096xf32, #tpu.memory_space<hbm>>
    tpu.wait_dma2 semaphore(%arg11 : memref<!tpu.dma_semaphore, #tpu.memory_space<semaphore_mem>>) src(%dma_wait3A_200 : memref<4096xf32, #tpu.memory_space<hbm>>) dst(%dma_wait3A_197 : memref<4096xf32, #tpu.memory_space<vmem>>)
    %dma_wait3A_201 = arith.constant 0 : i32
    %dma_wait3A_202 = arith.constant 0 : i32
    %dma_wait3A_203 = arith.constant 1 : i32
    %dma_wait3A_204 = arith.constant 4096 : i32
    %dma_wait3A_205 = tpu.memref_slice %arg7[%dma_wait3A_203, %dma_wait3A_204] : memref<2x16384xf32, #tpu.memory_space<vmem>> -> memref<1x4096xf32, #tpu.memory_space<vmem>>
    %dma_wait3A_206 = tpu.memref_squeeze %dma_wait3A_205 : memref<1x4096xf32, #tpu.memory_space<vmem>> -> memref<4096xf32, #tpu.memory_space<vmem>>
    %dma_wait3A_207 = arith.constant 0 : i32
    %dma_wait3A_208 = tpu.memref_slice %arg4[%dma_wait3A_201, %dma_wait3A_202, %dma_wait3A_207] : memref<50x4x131072xf32, #tpu.memory_space<hbm>> -> memref<1x1x4096xf32, #tpu.memory_space<hbm>>
    %dma_wait3A_209 = tpu.memref_squeeze %dma_wait3A_208 : memref<1x1x4096xf32, #tpu.memory_space<hbm>> -> memref<4096xf32, #tpu.memory_space<hbm>>
    %dma_wait3A_210 = arith.constant 4096 : i32
    %dma_wait3A_211 = tpu.memref_slice %arg7[%dma_wait3A_203, %dma_wait3A_210] : memref<2x16384xf32, #tpu.memory_space<vmem>> -> memref<1x4096xf32, #tpu.memory_space<vmem>>
    %dma_wait3A_212 = tpu.memref_squeeze %dma_wait3A_211 : memref<1x4096xf32, #tpu.memory_space<vmem>> -> memref<4096xf32, #tpu.memory_space<vmem>>
    %dma_wait3A_213 = arith.constant 0 : i32
    %dma_wait3A_214 = tpu.memref_slice %arg4[%dma_wait3A_201, %dma_wait3A_202, %dma_wait3A_213] : memref<50x4x131072xf32, #tpu.memory_space<hbm>> -> memref<1x1x4096xf32, #tpu.memory_space<hbm>>
    %dma_wait3A_215 = tpu.memref_squeeze %dma_wait3A_214 : memref<1x1x4096xf32, #tpu.memory_space<hbm>> -> memref<4096xf32, #tpu.memory_space<hbm>>
    tpu.wait_dma2 semaphore(%arg11 : memref<!tpu.dma_semaphore, #tpu.memory_space<semaphore_mem>>) src(%dma_wait3A_215 : memref<4096xf32, #tpu.memory_space<hbm>>) dst(%dma_wait3A_212 : memref<4096xf32, #tpu.memory_space<vmem>>)
    %dma_wait3A_216 = arith.constant 0 : i32
    %dma_wait3A_217 = arith.constant 0 : i32
    %dma_wait3A_218 = arith.constant 1 : i32
    %dma_wait3A_219 = arith.constant 8192 : i32
    %dma_wait3A_220 = tpu.memref_slice %arg7[%dma_wait3A_218, %dma_wait3A_219] : memref<2x16384xf32, #tpu.memory_space<vmem>> -> memref<1x4096xf32, #tpu.memory_space<vmem>>
    %dma_wait3A_221 = tpu.memref_squeeze %dma_wait3A_220 : memref<1x4096xf32, #tpu.memory_space<vmem>> -> memref<4096xf32, #tpu.memory_space<vmem>>
    %dma_wait3A_222 = arith.constant 0 : i32
    %dma_wait3A_223 = tpu.memref_slice %arg4[%dma_wait3A_216, %dma_wait3A_217, %dma_wait3A_222] : memref<50x4x131072xf32, #tpu.memory_space<hbm>> -> memref<1x1x4096xf32, #tpu.memory_space<hbm>>
    %dma_wait3A_224 = tpu.memref_squeeze %dma_wait3A_223 : memref<1x1x4096xf32, #tpu.memory_space<hbm>> -> memref<4096xf32, #tpu.memory_space<hbm>>
    %dma_wait3A_225 = arith.constant 8192 : i32
    %dma_wait3A_226 = tpu.memref_slice %arg7[%dma_wait3A_218, %dma_wait3A_225] : memref<2x16384xf32, #tpu.memory_space<vmem>> -> memref<1x4096xf32, #tpu.memory_space<vmem>>
    %dma_wait3A_227 = tpu.memref_squeeze %dma_wait3A_226 : memref<1x4096xf32, #tpu.memory_space<vmem>> -> memref<4096xf32, #tpu.memory_space<vmem>>
    %dma_wait3A_228 = arith.constant 0 : i32
    %dma_wait3A_229 = tpu.memref_slice %arg4[%dma_wait3A_216, %dma_wait3A_217, %dma_wait3A_228] : memref<50x4x131072xf32, #tpu.memory_space<hbm>> -> memref<1x1x4096xf32, #tpu.memory_space<hbm>>
    %dma_wait3A_230 = tpu.memref_squeeze %dma_wait3A_229 : memref<1x1x4096xf32, #tpu.memory_space<hbm>> -> memref<4096xf32, #tpu.memory_space<hbm>>
    tpu.wait_dma2 semaphore(%arg11 : memref<!tpu.dma_semaphore, #tpu.memory_space<semaphore_mem>>) src(%dma_wait3A_230 : memref<4096xf32, #tpu.memory_space<hbm>>) dst(%dma_wait3A_227 : memref<4096xf32, #tpu.memory_space<vmem>>)
    %dma_wait3A_231 = arith.constant 0 : i32
    %dma_wait3A_232 = arith.constant 0 : i32
    %dma_wait3A_233 = arith.constant 1 : i32
    %dma_wait3A_234 = arith.constant 12288 : i32
    %dma_wait3A_235 = tpu.memref_slice %arg7[%dma_wait3A_233, %dma_wait3A_234] : memref<2x16384xf32, #tpu.memory_space<vmem>> -> memref<1x4096xf32, #tpu.memory_space<vmem>>
    %dma_wait3A_236 = tpu.memref_squeeze %dma_wait3A_235 : memref<1x4096xf32, #tpu.memory_space<vmem>> -> memref<4096xf32, #tpu.memory_space<vmem>>
    %dma_wait3A_237 = arith.constant 0 : i32
    %dma_wait3A_238 = tpu.memref_slice %arg4[%dma_wait3A_231, %dma_wait3A_232, %dma_wait3A_237] : memref<50x4x131072xf32, #tpu.memory_space<hbm>> -> memref<1x1x4096xf32, #tpu.memory_space<hbm>>
    %dma_wait3A_239 = tpu.memref_squeeze %dma_wait3A_238 : memref<1x1x4096xf32, #tpu.memory_space<hbm>> -> memref<4096xf32, #tpu.memory_space<hbm>>
    %dma_wait3A_240 = arith.constant 12288 : i32
    %dma_wait3A_241 = tpu.memref_slice %arg7[%dma_wait3A_233, %dma_wait3A_240] : memref<2x16384xf32, #tpu.memory_space<vmem>> -> memref<1x4096xf32, #tpu.memory_space<vmem>>
    %dma_wait3A_242 = tpu.memref_squeeze %dma_wait3A_241 : memref<1x4096xf32, #tpu.memory_space<vmem>> -> memref<4096xf32, #tpu.memory_space<vmem>>
    %dma_wait3A_243 = arith.constant 0 : i32
    %dma_wait3A_244 = tpu.memref_slice %arg4[%dma_wait3A_231, %dma_wait3A_232, %dma_wait3A_243] : memref<50x4x131072xf32, #tpu.memory_space<hbm>> -> memref<1x1x4096xf32, #tpu.memory_space<hbm>>
    %dma_wait3A_245 = tpu.memref_squeeze %dma_wait3A_244 : memref<1x1x4096xf32, #tpu.memory_space<hbm>> -> memref<4096xf32, #tpu.memory_space<hbm>>
    tpu.wait_dma2 semaphore(%arg11 : memref<!tpu.dma_semaphore, #tpu.memory_space<semaphore_mem>>) src(%dma_wait3A_245 : memref<4096xf32, #tpu.memory_space<hbm>>) dst(%dma_wait3A_242 : memref<4096xf32, #tpu.memory_space<vmem>>)
    return
  }
}

</mosaic_0001>

<sc_bundles>
// kernel: kernel.3.cloned.1.call-start
scs
__scs_entry_jumppad:
0x0: {  	(pc) =	sbr.rel $0x88, $3  }
0x1: {  	(tag) =	ssettag $0x0;
	lr =	simm.s32 $0x1  }
0x2: {  	[smem:$0x3F9F] =	sst lr;
	_ =	strace $0xD0000000  }
0x3: {  	_ = 	snop  }
0x4: {  	_ = 	snop  }
0x5: {  	_ = 	snop  }
0x6: {  	_ = 	snop  }
0x7: {  	_ = 	snop  }
__scs_overlays_trampoline_lowered:
0x8: {  	[smem:$0x3FAE] =	sst s0  }
0x9: {  	[smem:$0x3FAF] =	sst s1  }
0xa: {  	[smem:$0x3FB0] =	sst s2  }
0xb: {  	[smem:$0x3FB1] =	sst s3  }
0xc: {  	[smem:$0x3FB2] =	sst s4  }
0xd: {  	[smem:$0x3FB3] =	sst s5  }
0xe: {  	[smem:$0x3FB4] =	sst s6  }
0xf: {  	[smem:$0x3FB5] =	sst s7  }
0x10: {  	[smem:$0x3FB6] =	sst s8  }
0x11: {  	[smem:$0x3FB7] =	sst s9;
	s0 =	simm.s32 @!p0 $0x0  }
0x12: {  	s1 =	sld [smem:$0x3F9D];
	s0 =	simm.s32 @p0 $0x1  }
0x13: {  	[smem:$0x3FB8] =	sst s0;
	s0 =	simm.s32 @!p1 $0x0  }
0x14: {  	s2 =	sld [smem:$0x3F9C];
	s0 =	simm.s32 @p1 $0x1  }
0x15: {  	[smem:$0x3FB9] =	sst s0;
	s0 =	simm.s32 @!p2 $0x0  }
0x16: {  	s3 =	sld [smem:$0x3FDB];
	s0 =	simm.s32 @p2 $0x1  }
0x17: {  	s4 =	simm.s32 $0x1BF5;
	[smem:$0x3FBB] =	sst s0  }
0x18: {  	s0 =	sld [smem:$0x3F9E];
	_ =	swait.ge [sflag:s4], $0x0  }
0x19: {  	s7 =	sld [smem:$0x3F9F]  }
0x1a: {  	s8 =	sadd.s32 $0xFFFFE003, lr  }
0x1b: {  	s9 =	sadd.s32 $0xFFFFFEF7, lr;
	s5 =	simm.s32 $0xFFFFFFFF;
	p2 =	slt.u32 s8, $0xFFFFF086  }
0x1c: {  	p1 =	slt.u32 s9, $0xF7A;
	s5 =	simm.s32 @!p2 $0x0  }
0x1d: {  	s5 =	simm.s32 @p1 $0x1;
	p0 =	seq.s32 s7, s2  }
0x1e: {  	s7 =	smul.u32 @!p0 $0xF7A, s2;
	p2 =	seq.s32 @!p0 s5, $0x0  }
0x1f: {  	s9 =	smul.u32 $0xF7A, s1;
	s8 =	simm.s32 @!p0 $0x1BF5;
	p2 =	por !p2, p0  }
0x20: {  	[sflag:s8] =	ssyncset.s32 @!p0 $0xFFFFF086;
	s6 =	sadd.s32 @!p0 s3, s7;
	s7 =	simm.s32 @!p0 $0x108  }
0x21: {  	s3 =	sadd.s32 s3, s9;
	s6 =	sadd.s32 @!p0 $0x88, s6;
	s7 =	simm.s32 @p2 $0x1082  }
0x22: {  	[simem:s7], [sflag:s8] =	dma.local @!p0 [hbm:s6], $0xF7A  }
0x23: {  	s9 =	sor.u32 $0xD0000000, s2;
	s6 =	simm.s32 $0x108;
	_ =	swait.ge @!p0 [sflag:s8], $0x0  }
0x24: {  	s3 =	sadd.s32 $0x88, s3;
	s6 =	simm.s32 @!p1 $0x1082;
	[sflag:s4] =	ssyncset.s32 $0xFFFFF086  }
0x25: {  	[simem:s6], [sflag:s4] =	dma.local [hbm:s3], $0xF7A  }
0x26: {  	[smem:$0x3F9F] =	sst s1;
	(tag) =	ssettag s2;
	_ =	strace s9  }
0x27: {  	s1 =	sld [smem:$0x3FAF]  }
0x28: {  	s2 =	sld [smem:$0x3FB0]  }
0x29: {  	s4 =	sld [smem:$0x3FB2]  }
0x2a: {  	p0 =	seq.s32 s5, $0x0;
	s5 =	sld [smem:$0x3FB3]  }
0x2b: {  	s6 =	sld [smem:$0x3FB4]  }
0x2c: {  	s7 =	sld [smem:$0x3FB5]  }
0x2d: {  	s3 =	simm.s32 $0x108;
	s8 =	sld [smem:$0x3FB6]  }
0x2e: {  	s3 =	simm.s32 @!p0 $0x1082;
	s9 =	sld [smem:$0x3FB7]  }
0x2f: {  	lr =	sadd.s32 s0, s3;
	s0 =	sld [smem:$0x3FAE]  }
0x30: {  	s3 =	sld [smem:$0x3FB1]  }
0x31: {  	[smem:$0x3FBA] =	sst s10  }
0x32: {  	s10 =	sld [smem:$0x3FB8];
	_ =	sdelay $0x3  }
0x33: {  	p0 =	seq.s32 s10, $0x1;
	s10 =	sld [smem:$0x3FBA];
	_ =	sdelay $0x3  }
0x34: {  	[smem:$0x3FBA] =	sst s10  }
0x35: {  	s10 =	sld [smem:$0x3FB9];
	_ =	sdelay $0x3  }
0x36: {  	p1 =	seq.s32 s10, $0x1;
	s10 =	sld [smem:$0x3FBA];
	_ =	sdelay $0x3  }
0x37: {  	[smem:$0x3FBA] =	sst s10  }
0x38: {  	s10 =	sld [smem:$0x3FBB]  }
0x39: {  	_ = 	snop;
	(pc) =	sbr.ind lr, $3  }
0x3a: {  	_ = 	snop  }
0x3b: {  	_ = 	snop  }
0x3c: {  	p2 =	seq.s32 s10, $0x1;
	s10 =	sld [smem:$0x3FBA]  }
0x3d: {  	_ =	shalt  }
0x3e: {  	_ =	shalt  }
0x3f: {  	_ =	shalt  }
0x40: {  	_ =	shalt  }
0x41: {  	_ =	shalt  }
0x42: {  	_ =	shalt  }
0x43: {  	_ =	shalt  }
0x44: {  	_ =	shalt  }
0x45: {  	_ =	shalt  }
0x46: {  	_ =	shalt  }
0x47: {  	_ =	shalt  }
0x48: {  	_ =	shalt  }
0x49: {  	_ =	shalt  }
0x4a: {  	_ =	shalt  }
0x4b: {  	_ =	shalt  }
0x4c: {  	_ =	shalt  }
0x4d: {  	_ =	shalt  }
0x4e: {  	_ =	shalt  }
0x4f: {  	_ =	shalt  }
0x50: {  	_ =	shalt  }
0x51: {  	_ =	shalt  }
0x52: {  	_ =	shalt  }
0x53: {  	_ =	shalt  }
0x54: {  	_ =	shalt  }
0x55: {  	_ =	shalt  }
0x56: {  	_ =	shalt  }
0x57: {  	_ =	shalt  }
0x58: {  	_ =	shalt  }
0x59: {  	_ =	shalt  }
0x5a: {  	_ =	shalt  }
0x5b: {  	_ =	shalt  }
0x5c: {  	_ =	shalt  }
0x5d: {  	_ =	shalt  }
0x5e: {  	_ =	shalt  }
0x5f: {  	_ =	shalt  }
0x60: {  	_ =	shalt  }
0x61: {  	_ =	shalt  }
0x62: {  	_ =	shalt  }
0x63: {  	_ =	shalt  }
0x64: {  	_ =	shalt  }
0x65: {  	_ =	shalt  }
0x66: {  	_ =	shalt  }
0x67: {  	_ =	shalt  }
0x68: {  	_ =	shalt  }
0x69: {  	_ =	shalt  }
0x6a: {  	_ =	shalt  }
0x6b: {  	_ =	shalt  }
0x6c: {  	_ =	shalt  }
0x6d: {  	_ =	shalt  }
0x6e: {  	_ =	shalt  }
0x6f: {  	_ =	shalt  }
0x70: {  	_ =	shalt  }
0x71: {  	_ =	shalt  }
0x72: {  	_ =	shalt  }
0x73: {  	_ =	shalt  }
0x74: {  	_ =	shalt  }
0x75: {  	_ =	shalt  }
0x76: {  	_ =	shalt  }
0x77: {  	_ =	shalt  }
0x78: {  	_ =	shalt  }
0x79: {  	_ =	shalt  }
0x7a: {  	_ =	shalt  }
0x7b: {  	_ =	shalt  }
0x7c: {  	_ =	shalt  }
0x7d: {  	_ =	shalt  }
0x7e: {  	_ =	shalt  }
0x7f: {  	_ =	shalt  }
0x80: {  	_ =	shalt  }
0x81: {  	_ =	shalt  }
0x82: {  	_ =	shalt  }
0x83: {  	_ =	shalt  }
0x84: {  	_ =	shalt  }
0x85: {  	_ =	shalt  }
0x86: {  	_ =	shalt  }
0x87: {  	_ =	shalt  }
.Lfunc_end0:
.L_simem_size_0:
called_computation_lowered:
.L_overlay_start_0:
0x88: {  	s2 =	sld [smem:$0x3FD9]  }
0x89: {  	s3 =	sld [smem:$0x3FFE];
	_ =	sdelay $0x1  }
0x8a: {  	s1 =	srdreg.scid  }
0x8b: {  	s0 =	sand.u32 $0x1, s1  }
0x8c: {  	s17 =	sshll.u32 s0, $0xA;
	s2 =	sadd.s32 s3, s2  }
0x8d: {  	s2 =	sadd.s32 s2, s17  }
0x8e: {  	[smem:$0x3FC6] =	sst s2  }
0x8f: {  	_ = 	snop  }
0x90: {  	s2 =	sld [smem:$0x3FD0];
	(tm) =	ssettm $0x1  }
0x91: {  	s18 =	sld [smem:$0x3FFB];
	_ =	sdelay $0x3  }
0x92: {  	_ =	strace s18  }
0x93: {  	s3 =	sld [smem:$0x3FFC];
	_ =	sdelay $0x3  }
0x94: {  	_ =	strace s3  }
0x95: {  	s3 =	sld [smem:$0x3FFD];
	_ =	sdelay $0x3  }
0x96: {  	_ =	strace s3  }
0x97: {  	_ =	strace $0x8FFFFFFF  }
0x98: {  	s19 =	sld [smem:$0x3FDB];
	_ =	sdelay $0x1  }
0x99: {  	s4 =	simm.s32 $_scs_section_size  }
0x9a: {  	s5 =	simm.s32 $_size__tile_overlayer_lowered;
	s6 =	simm.s32 $_tile_overlayer_lowered  }
0x9b: {  	s22 =	simm.s32 $0x1BFF;
	s21 =	sshll.u32 s6, $0x1;
	s3 =	sadd.s32 s4, s19  }
0x9c: {  	s7 =	simm.s32 $0x0;
	s20 =	sshll.u32 s5, $0x1;
	s5 =	sadd.s32 s21, s3  }
0x9d: {  	[timem:s7], [sflag:s22] =	dma.local [hbm:s5], s20  }
0x9e: {  	_ =	swait.ge [sflag:s22], s20  }
0x9f: {  	s4 =	ssub.s32 $0x0, s20;
	[sflag:s22] =	ssyncset.done $0x0  }
0xa0: {  	[sflag:s22] =	ssyncadd.s32 s4;
	_ =	sdelay $0x1  }
0xa1: {  	s23 =	simm.s32 $0x1B8B  }
0xa2: {  	_ =	swait.ge [sflag:s23], $0x1  }
0xa3: {  	[sflag:s23] =	ssyncset.done $0x0  }
0xa4: {  	s25 =	simm.s32 $0x1B8E;
	s24 =	sld [smem:$0x3FFE];
	[sflag:s23] =	ssyncadd.s32 $0xFFFFFFFF  }
0xa5: {  	s26 =	simm.s32 $execute0_lowered;
	[smem:$0x3FD2] =	sst s25  }
0xa6: {  	s5 =	sshll.u32 s26, $0x1;
	_ =	strace $0x80000046;
	[dreg:$0x1] =	wrdreg $0xFFFFFFFF  }
0xa7: {  	s28 =	simm.s32 $_size_execute0_lowered;
	s3 =	sadd.s32 s3, s5;
	[dreg:$0x0] =	wrdreg $0x0  }
0xa8: {  	s5 =	sshll.u32 s28, $0x1;
	[dreg:$0x2] =	wrdreg s3  }
0xa9: {  	[dreg:$0x3] =	wrdreg s5  }
0xaa: {  	[dreg:$0x4] =	wrdreg $0xC0  }
0xab: {  	_ =	task [dreg:s7], $0x5FFFF  }
0xac: {  	[dreg:$0x1] =	wrdreg $0xFFFFFFFF  }
0xad: {  	[dreg:$0x0] =	wrdreg $0x60  }
0xae: {  	[dreg:$0x2] =	wrdreg s24  }
0xaf: {  	[dreg:$0x3] =	wrdreg s2  }
0xb0: {  	[dreg:$0x4] =	wrdreg $0x9  }
0xb1: {  	_ =	task.clear_ibuf [dreg:s7], $0x5FFFF;
	_ =	strace $0x90000046  }
0xb2: {  	s29 =	simm.s32 $0x9;
	_ =	strace $0x80000048  }
0xb3: {  	_ =	swait.ge [sflag:s29], $0x1  }
0xb4: {  	[sflag:s29] =	ssyncadd.s32 $0xFFFFFFFF  }
0xb5: {  	_ =	strace $0x90000048  }
0xb6: {  	_ =	sfence  }
0xb7: {  	s30 =	sld [smem:$0x0];
	_ =	sdelay $0x2  }
0xb8: {  	s31 =	sshll.u32 s1, $0xD;
	s1 =	sshrl.u32 s1, $0x2  }
0xb9: {  	s3 =	sand.u32 $0x4000, s31;
	s1 =	sadd.s32 s1, s30  }
0xba: {  	s0 =	sor.u32 s3, s0;
	s1 =	sshll.u32 s1, $0x11  }
0xbb: {  	s0 =	sor.u32 s1, s0  }
0xbc: {  	s0 =	sadd.s32 $0x8F2B, s0  }
0xbd: {  	[sflag:s0] =	ssyncadd.remote.s32 $0x1  }
0xbe: {  	_ =	sfence.sel $0xFFFF  }
0xbf: {  	[dreg:$0x0] =	wrdreg $0xFFFFFFFF;
	(pc) =	sbr.abs _section_cstart, $3  }
0xc0: {  	[dreg:$0x1] =	wrdreg $0xFFFFFFFF  }
0xc1: {  	_ =	task.clear_ibuf [dreg:s7], $0x2FFFF;
	_ =	strace $0x9FFFFFFF  }
0xc2: {  	(tm) =	ssettm $0x7FFFFFFF  }
0xc3: {  	_ =	shalt  }
tec
execute0_lowered:
.L_overlay_start_1:
0x0: {  	(tag) =	ssettag $0x1  }
0x1: {  	v0 =	vimm.s32 $0x1380  }
0x2: {  	vm0 =	vcmask $0x300;
	v1 =	vimm.s32 $0x3380;
	vm1 =	vcmask $0x704  }
0x3: {  	s0 =	rddreg [dreg:$0x0];
	vm15 =	vcmask $0xB08;
	v0 =	vsel vm0, $0x0, v0;
	v1 =	vsel vm0, $0x2000, v1  }
0x4: {  	s8 =	rddreg [dreg:$0x1];
	s3 =	simm.s32 $0x0;
	s1 =	srdreg.scid;
	vm4 =	vcmask $0xF0C;
	v0 =	vsel vm1, $0x80, v0;
	v1 =	vsel vm1, $0x2080, v1  }
0x5: {  	s2 =	stileid.u32;
	vm5 =	vcmask $0x1310;
	s19 =	simm.s32 $0x5;
	s20 =	simm.s32 $0x80;
	v0 =	vsel vm15, $0x100, v0;
	v1 =	vsel vm15, $0x2100, v1  }
0x6: {  	vm6 =	vcmask $0x1714;
	s28 =	simm.s32 $0x200;
	s23 =	simm.s32 $0x1;
	s24 =	simm.s32 $0x8400;
	v0 =	vsel vm4, $0x180, v0;
	v1 =	vsel vm4, $0x2180, v1  }
0x7: {  	vm7 =	vcmask $0x1B18;
	s18 =	simm.s32 $0x2;
	s29 =	simm.s32 $0xE400;
	s30 =	simm.s32 $0xF400;
	v0 =	vsel vm5, $0x200, v0;
	v1 =	vsel vm5, $0x2200, v1  }
0x8: {  	vm8 =	vcmask $0x1F1C;
	[smem:$0x7FF] =	sst s3;
	s1 =	sand.u32 $0x1, s1;
	s2 =	sshll.u32 s2, $0x1;
	v0 =	vsel vm6, $0x280, v0;
	v1 =	vsel vm6, $0x2280, v1  }
0x9: {  	s4 =	sadd.s32 $0x600, s0;
	s5 =	sadd.s32 $0xF42A00, s0;
	s11 =	sadd.s32 $0x4000, s8;
	v0 =	vsel vm7, $0x300, v0;
	v1 =	vsel vm7, $0x2300, v1  }
0xa: {  	vm9 =	vcmask $0x2320;
	s12 =	sadd.s32 $0x8000, s8;
	s13 =	sadd.s32 $0xC000, s8;
	s14 =	sadd.s32 $0x10000, s8;
	v0 =	vsel vm8, $0x380, v0;
	v1 =	vsel vm8, $0x2380, v1  }
0xb: {  	vm10 =	vcmask $0x2724;
	s15 =	sadd.s32 $0x14000, s8;
	s16 =	sadd.s32 $0x18000, s8;
	s17 =	sadd.s32 $0x1C000, s8;
	v0 =	vsel vm9, $0x1000, v0;
	v1 =	vsel vm9, $0x3000, v1  }
0xc: {  	vm11 =	vcmask $0x2B28;
	_ =	strace $0x80000047;
	s2 =	sor.u32 s1, s2;
	s1 =	ssub.s32 $0x2, s1;
	v0 =	vsel vm10, $0x1080, v0;
	v1 =	vsel vm10, $0x3080, v1  }
.Ltmp0:
0xd: {  	vm12 =	vcmask $0x2F2C;
	s6 =	sshll.u32 s2, $0x6;
	s26 =	sshrl.u32 s1, $0x1;
	v0 =	vsel vm11, $0x1100, v0;
	v1 =	vsel vm11, $0x3100, v1;
	(pc) =	sbr.rel .LBB2_1-.Ltmp0, $4  }
0xe: {  	vm13 =	vcmask $0x3330;
	s7 =	sshll.u32 s2, $0x9;
	s2 =	simm.s32 $0x0;
	s6 =	sadd.s32 s4, s6;
	v0 =	vsel vm12, $0x1180, v0;
	v1 =	vsel vm12, $0x3180, v1  }
0xf: {  	vm14 =	vcmask $0x3734;
	s0 =	ssub.s32 s1, s26;
	[dreg:$0x3] =	wrdreg s6;
	s31 =	sadd.s32 $0x800, s6;
	v0 =	vsel vm13, $0x1200, v0;
	v1 =	vsel vm13, $0x3200, v1  }
0x10: {  	vm15 =	vcmask $0x3B38;
	s9 =	sor.u32 $0x8000, s7;
	s0 =	smax.u32 s0, $0x1;
	[dreg:$0x4] =	wrdreg s31;
	v0 =	vsel vm14, $0x1280, v0;
	v1 =	vsel vm14, $0x3280, v1  }
0x11: {  	s10 =	sor.u32 $0xC000, s7;
	s6 =	simm.s32 $0xC400;
	[dreg:$0x5] =	wrdreg s0;
	v0 =	vsel vm15, $0x1300, v0;
	v1 =	vsel vm15, $0x3300, v1  }
.LBB2_8:
0x12: {  	s0 =	simm.s32 $0x3  }
0x13: {  	_ =	swait.ge [sflag:s0], $0x1000  }
0x14: {  	[sflag:s0] =	ssyncset.done $0x0  }
0x15: {  	[sflag:s0] =	ssyncadd.s32 $0xFFFFF000  }
0x16: {  	_ =	swait.ge [sflag:s0], $0x1000  }
0x17: {  	[sflag:s0] =	ssyncset.done $0x0  }
0x18: {  	[sflag:s0] =	ssyncadd.s32 $0xFFFFF000  }
0x19: {  	_ =	swait.ge [sflag:s0], $0x1000  }
0x1a: {  	[sflag:s0] =	ssyncset.done $0x0  }
0x1b: {  	[sflag:s0] =	ssyncadd.s32 $0xFFFFF000  }
0x1c: {  	_ =	swait.ge [sflag:s0], $0x1000  }
0x1d: {  	[sflag:s0] =	ssyncset.done $0x0  }
0x1e: {  	s1 =	simm.s32 $0x4;
	[sflag:s0] =	ssyncadd.s32 $0xFFFFF000  }
0x1f: {  	_ =	swait.ge [sflag:s1], $0x1000  }
0x20: {  	[sflag:s1] =	ssyncset.done $0x0  }
0x21: {  	[sflag:s1] =	ssyncadd.s32 $0xFFFFF000  }
0x22: {  	_ =	swait.ge [sflag:s1], $0x1000  }
0x23: {  	[sflag:s1] =	ssyncset.done $0x0  }
0x24: {  	[sflag:s1] =	ssyncadd.s32 $0xFFFFF000  }
0x25: {  	_ =	swait.ge [sflag:s1], $0x1000  }
0x26: {  	[sflag:s1] =	ssyncset.done $0x0  }
0x27: {  	[sflag:s1] =	ssyncadd.s32 $0xFFFFF000  }
0x28: {  	_ =	swait.ge [sflag:s1], $0x1000  }
0x29: {  	s2 =	rddreg [dreg:$0x6]  }
0x2a: {  	s31 =	rddreg [dreg:$0x5];
	s2 =	sadd.s32 $0x1, s2  }
0x2b: {  	p0 =	sne.s32 s2, s31  }
.Ltmp1:
0x2c: {  	_ = 	snop;
	(pc) =	sbr.rel @!p0 .LBB2_9-.Ltmp1, $3  }
0x2d: {  	_ =	sdelay $0x1  }
0x2e: {  	[sflag:s1] =	ssyncset.done $0x0  }
0x2f: {  	[sflag:s1] =	ssyncadd.s32 $0xFFFFF000  }
.LBB2_1:
0x30: {  	[dreg:$0x6] =	wrdreg s2  }
0x31: {  	s0 =	rddreg [dreg:$0x3]  }
0x32: {  	[tilespmem:s3], [sflag:$0x5] =	stream.linear.gather [hbm4b:s0+s3], $0x200, $0x38;
	[tilespmem:$0x10400] =	vst v63  }
0x33: {  	_ =	swait.ge [sflag:s19], $0x200  }
0x34: {  	[sflag:s19] =	ssyncset.done $0x0  }
0x35: {  	s2 =	simm.s32 $0x400;
	[sflag:s19] =	ssyncadd.s32 $0xFFFFFE00  }
0x36: {  	[tilespmem:s2], [sflag:$0x1] =	stream.indirect.gather [hbm4b:s5+s20], $0x20, s3, s20, $0xb8;
	[tilespmem:$0x10400] =	vst v63  }
0x37: {  	s8 =	simm.s32 $0x1400  }
0x38: {  	[tilespmem:s8], [sflag:$0x1] =	stream.indirect.gather [hbm4b:s5+s20], $0x20, s20, s20, $0xb8;
	[tilespmem:$0x10400] =	vst v63  }
0x39: {  	s21 =	simm.s32 $0x100;
	s1 =	simm.s32 $0x2400  }
0x3a: {  	[tilespmem:s1], [sflag:$0x1] =	stream.indirect.gather [hbm4b:s5+s20], $0x20, s21, s20, $0xb8;
	[tilespmem:$0x10400] =	vst v63  }
0x3b: {  	s22 =	simm.s32 $0x180;
	s25 =	simm.s32 $0x3400  }
0x3c: {  	[tilespmem:s25], [sflag:$0x1] =	stream.indirect.gather [hbm4b:s5+s20], $0x20, s22, s20, $0xb8;
	[tilespmem:$0x10400] =	vst v63  }
0x3d: {  	s26 =	rddreg [dreg:$0x4]  }
0x3e: {  	[tilespmem:s28], [sflag:$0x5] =	stream.linear.gather [hbm4b:s26+s3], $0x200, $0x38;
	[tilespmem:$0x10400] =	vst v63  }
0x3f: {  	_ =	swait.ge [sflag:s19], $0x200  }
0x40: {  	[sflag:s19] =	ssyncset.done $0x0  }
0x41: {  	s1 =	simm.s32 $0x4400;
	[sflag:s19] =	ssyncadd.s32 $0xFFFFFE00  }
0x42: {  	[tilespmem:s1], [sflag:$0x2] =	stream.indirect.gather [hbm4b:s5+s20], $0x20, s28, s20, $0xb8;
	[tilespmem:$0x10400] =	vst v63  }
0x43: {  	s2 =	simm.s32 $0x280;
	s8 =	simm.s32 $0x5400  }
0x44: {  	[tilespmem:s8], [sflag:$0x2] =	stream.indirect.gather [hbm4b:s5+s20], $0x20, s2, s20, $0xb8;
	[tilespmem:$0x10400] =	vst v63  }
0x45: {  	s21 =	simm.s32 $0x300;
	s22 =	simm.s32 $0x6400  }
0x46: {  	[tilespmem:s22], [sflag:$0x2] =	stream.indirect.gather [hbm4b:s5+s20], $0x20, s21, s20, $0xb8;
	[tilespmem:$0x10400] =	vst v63  }
0x47: {  	s31 =	simm.s32 $0x0;
	s25 =	simm.s32 $0x380;
	s26 =	simm.s32 $0x7400  }
0x48: {  	[tilespmem:s26], [sflag:$0x2] =	stream.indirect.gather [hbm4b:s5+s20], $0x20, s25, s20, $0xb8;
	[tilespmem:$0x10400] =	vst v63  }
.LBB2_2:
0x49: {  	_ =	swait.ge [sflag:s23], $0x1000  }
0x4a: {  	[sflag:s23] =	ssyncset.done $0x0  }
0x4b: {  	[sflag:s23] =	ssyncadd.s32 $0xFFFFF000  }
0x4c: {  	_ =	swait.ge [sflag:s23], $0x1000  }
0x4d: {  	[sflag:s23] =	ssyncset.done $0x0  }
0x4e: {  	[sflag:s23] =	ssyncadd.s32 $0xFFFFF000  }
0x4f: {  	_ =	swait.ge [sflag:s23], $0x1000  }
0x50: {  	[sflag:s23] =	ssyncset.done $0x0  }
0x51: {  	[sflag:s23] =	ssyncadd.s32 $0xFFFFF000  }
0x52: {  	_ =	swait.ge [sflag:s23], $0x1000  }
0x53: {  	p0 =	seq.s32 s31, $0x0;
	[sflag:s23] =	ssyncset.done $0x0  }
0x54: {  	s0 =	simm.s32 @!p0 $0x3;
	[sflag:s23] =	ssyncadd.s32 $0xFFFFF000  }
0x55: {  	_ =	swait.ge @!p0 [sflag:s0], $0x1000  }
0x56: {  	[sflag:s0] =	ssyncset.done @!p0 $0x0  }
0x57: {  	[sflag:s0] =	ssyncadd.s32 @!p0 $0xFFFFF000  }
0x58: {  	_ =	swait.ge @!p0 [sflag:s0], $0x1000  }
0x59: {  	[sflag:s0] =	ssyncset.done @!p0 $0x0  }
0x5a: {  	[sflag:s0] =	ssyncadd.s32 @!p0 $0xFFFFF000  }
0x5b: {  	_ =	swait.ge @!p0 [sflag:s0], $0x1000  }
0x5c: {  	[sflag:s0] =	ssyncset.done @!p0 $0x0  }
0x5d: {  	[sflag:s0] =	ssyncadd.s32 @!p0 $0xFFFFF000  }
0x5e: {  	_ =	swait.ge @!p0 [sflag:s0], $0x1000  }
0x5f: {  	[sflag:s0] =	ssyncset.done @!p0 $0x0  }
0x60: {  	s1 =	simm.s32 $0x2400;
	s22 =	simm.s32 $0x0;
	[sflag:s0] =	ssyncadd.s32 @!p0 $0xFFFFF000  }
0x61: {  	v3 =	vor.u32 s22, v0;
	v2 =	vld [tilespmem:s1+$0xFFFFE000]  }
0x62: {  	v5 =	vor.u32 s22, v1;
	v4 =	vld [tilespmem:s1+$0xFFFFE010];
	_ =	sdelay $0x3  }
0x63: {  	[tilespmem:v3+s24+$0x0] =	vst.idx.msk $0xffff, v2  }
0x64: {  	s25 =	simm.s32 $0x400;
	[tilespmem:v5+s24+$0x0] =	vst.idx.msk $0xffff, v4  }
0x65: {  	v3 =	vor.u32 s25, v0;
	v2 =	vld [tilespmem:s1+$0xFFFFF000]  }
0x66: {  	v5 =	vor.u32 s25, v1;
	v4 =	vld [tilespmem:s1+$0xFFFFF010];
	_ =	sdelay $0x3  }
0x67: {  	[tilespmem:v3+s24+$0x0] =	vst.idx.msk $0xffff, v2  }
0x68: {  	s26 =	simm.s32 $0x800;
	[tilespmem:v5+s24+$0x0] =	vst.idx.msk $0xffff, v4  }
0x69: {  	v3 =	vor.u32 s26, v0;
	v2 =	vld [tilespmem:s1+$0x0]  }
0x6a: {  	v5 =	vor.u32 s26, v1;
	v4 =	vld [tilespmem:s1+$0x10];
	_ =	sdelay $0x3  }
0x6b: {  	[tilespmem:v3+s24+$0x0] =	vst.idx.msk $0xffff, v2  }
0x6c: {  	s2 =	simm.s32 $0xC00;
	[tilespmem:v5+s24+$0x0] =	vst.idx.msk $0xffff, v4  }
0x6d: {  	v3 =	vor.u32 s2, v0;
	v2 =	vld [tilespmem:s1+$0x1000]  }
0x6e: {  	v5 =	vor.u32 s2, v1;
	v4 =	vld [tilespmem:s1+$0x1010];
	_ =	sdelay $0x3  }
0x6f: {  	[tilespmem:v3+s24+$0x0] =	vst.idx.msk $0xffff, v2  }
0x70: {  	s8 =	simm.s32 $0x1;
	[tilespmem:v5+s24+$0x0] =	vst.idx.msk $0xffff, v4  }
0x71: {  	v3 =	vor.u32 s8, v0;
	v2 =	vld [tilespmem:s1+$0xFFFFE020]  }
0x72: {  	v5 =	vor.u32 s8, v1;
	v4 =	vld [tilespmem:s1+$0xFFFFE030];
	_ =	sdelay $0x3  }
0x73: {  	[tilespmem:v3+s24+$0x0] =	vst.idx.msk $0xffff, v2  }
0x74: {  	s21 =	simm.s32 $0x401;
	[tilespmem:v5+s24+$0x0] =	vst.idx.msk $0xffff, v4  }
0x75: {  	v3 =	vor.u32 s21, v0;
	v2 =	vld [tilespmem:s1+$0xFFFFF020]  }
0x76: {  	v5 =	vor.u32 s21, v1;
	v4 =	vld [tilespmem:s1+$0xFFFFF030];
	_ =	sdelay $0x3  }
0x77: {  	[tilespmem:v3+s24+$0x0] =	vst.idx.msk $0xffff, v2  }
0x78: {  	s22 =	simm.s32 $0x801;
	[tilespmem:v5+s24+$0x0] =	vst.idx.msk $0xffff, v4  }
0x79: {  	v3 =	vor.u32 s22, v0;
	v2 =	vld [tilespmem:s1+$0x20]  }
0x7a: {  	v5 =	vor.u32 s22, v1;
	v4 =	vld [tilespmem:s1+$0x30];
	_ =	sdelay $0x3  }
0x7b: {  	[tilespmem:v3+s24+$0x0] =	vst.idx.msk $0xffff, v2  }
0x7c: {  	s25 =	simm.s32 $0xC01;
	[tilespmem:v5+s24+$0x0] =	vst.idx.msk $0xffff, v4  }
0x7d: {  	v3 =	vor.u32 s25, v0;
	v2 =	vld [tilespmem:s1+$0x1020]  }
0x7e: {  	v5 =	vor.u32 s25, v1;
	v4 =	vld [tilespmem:s1+$0x1030];
	_ =	sdelay $0x3  }
0x7f: {  	[tilespmem:v3+s24+$0x0] =	vst.idx.msk $0xffff, v2  }
0x80: {  	s26 =	simm.s32 $0x2;
	[tilespmem:v5+s24+$0x0] =	vst.idx.msk $0xffff, v4  }
0x81: {  	v3 =	vor.u32 s26, v0;
	v2 =	vld [tilespmem:s1+$0xFFFFE040]  }
0x82: {  	v5 =	vor.u32 s26, v1;
	v4 =	vld [tilespmem:s1+$0xFFFFE050];
	_ =	sdelay $0x3  }
0x83: {  	[tilespmem:v3+s24+$0x0] =	vst.idx.msk $0xffff, v2  }
0x84: {  	s2 =	simm.s32 $0x402;
	[tilespmem:v5+s24+$0x0] =	vst.idx.msk $0xffff, v4  }
0x85: {  	v3 =	vor.u32 s2, v0;
	v2 =	vld [tilespmem:s1+$0xFFFFF040]  }
0x86: {  	v5 =	vor.u32 s2, v1;
	v4 =	vld [tilespmem:s1+$0xFFFFF050];
	_ =	sdelay $0x3  }
0x87: {  	[tilespmem:v3+s24+$0x0] =	vst.idx.msk $0xffff, v2  }
0x88: {  	s8 =	simm.s32 $0x802;
	[tilespmem:v5+s24+$0x0] =	vst.idx.msk $0xffff, v4  }
0x89: {  	v3 =	vor.u32 s8, v0;
	v2 =	vld [tilespmem:s1+$0x40]  }
0x8a: {  	v5 =	vor.u32 s8, v1;
	v4 =	vld [tilespmem:s1+$0x50];
	_ =	sdelay $0x3  }
0x8b: {  	[tilespmem:v3+s24+$0x0] =	vst.idx.msk $0xffff, v2  }
0x8c: {  	s21 =	simm.s32 $0xC02;
	[tilespmem:v5+s24+$0x0] =	vst.idx.msk $0xffff, v4  }
0x8d: {  	v3 =	vor.u32 s21, v0;
	v2 =	vld [tilespmem:s1+$0x1040]  }
0x8e: {  	v5 =	vor.u32 s21, v1;
	v4 =	vld [tilespmem:s1+$0x1050];
	_ =	sdelay $0x3  }
0x8f: {  	[tilespmem:v3+s24+$0x0] =	vst.idx.msk $0xffff, v2  }
0x90: {  	s22 =	simm.s32 $0x3;
	[tilespmem:v5+s24+$0x0] =	vst.idx.msk $0xffff, v4  }
0x91: {  	v3 =	vor.u32 s22, v0;
	v2 =	vld [tilespmem:s1+$0xFFFFE060]  }
0x92: {  	v5 =	vor.u32 s22, v1;
	v4 =	vld [tilespmem:s1+$0xFFFFE070];
	_ =	sdelay $0x3  }
0x93: {  	[tilespmem:v3+s24+$0x0] =	vst.idx.msk $0xffff, v2  }
0x94: {  	s25 =	simm.s32 $0x403;
	[tilespmem:v5+s24+$0x0] =	vst.idx.msk $0xffff, v4  }
0x95: {  	v3 =	vor.u32 s25, v0;
	v2 =	vld [tilespmem:s1+$0xFFFFF060]  }
0x96: {  	v5 =	vor.u32 s25, v1;
	v4 =	vld [tilespmem:s1+$0xFFFFF070];
	_ =	sdelay $0x3  }
0x97: {  	[tilespmem:v3+s24+$0x0] =	vst.idx.msk $0xffff, v2  }
0x98: {  	s26 =	simm.s32 $0x803;
	[tilespmem:v5+s24+$0x0] =	vst.idx.msk $0xffff, v4  }
0x99: {  	v3 =	vor.u32 s26, v0;
	v2 =	vld [tilespmem:s1+$0x60]  }
0x9a: {  	v5 =	vor.u32 s26, v1;
	v4 =	vld [tilespmem:s1+$0x70];
	_ =	sdelay $0x3  }
0x9b: {  	[tilespmem:v3+s24+$0x0] =	vst.idx.msk $0xffff, v2  }
0x9c: {  	s22 =	simm.s32 $0xC03;
	[tilespmem:v5+s24+$0x0] =	vst.idx.msk $0xffff, v4  }
0x9d: {  	v5 =	vor.u32 s22, v0;
	v4 =	vld [tilespmem:s1+$0x1060];
	_ =	sdelay $0x1  }
0x9e: {  	v3 =	vor.u32 s22, v1;
	v2 =	vld [tilespmem:s1+$0x1070];
	_ =	sdelay $0x2  }
0x9f: {  	s0 =	sshll.u32 s31, $0xF;
	s8 =	simm.s32 $0xC0B;
	s21 =	simm.s32 $0xC07;
	[tilespmem:v5+s24+$0x0] =	vst.idx.msk $0xffff, v4  }
.LBB2_3:
0xa0: {  	s26 =	sadd.s32 $0xFFFFF3FD, s21  }
0xa1: {  	[tilespmem:v3+s24+$0x0] =	vst.idx.msk $0xffff, v2;
	s1 =	sadd.s32 $0x80, s1;
	s25 =	smov.u32 s8;
	s22 =	sadd.s32 $0x4, s8  }
0xa2: {  	p1 =	sne.s32 s8, $0xC7F;
	v2 =	vld [tilespmem:s1+$0xFFFFE000];
	v3 =	vor.u32 s26, v0  }
0xa3: {  	v5 =	vor.u32 s26, v1;
	v4 =	vld [tilespmem:s1+$0xFFFFE010];
	_ =	sdelay $0x3  }
0xa4: {  	[tilespmem:v3+s24+$0x0] =	vst.idx.msk $0xffff, v2  }
0xa5: {  	s8 =	sadd.s32 $0xFFFFF7FD, s21;
	[tilespmem:v5+s24+$0x0] =	vst.idx.msk $0xffff, v4  }
0xa6: {  	v3 =	vor.u32 s8, v0;
	v2 =	vld [tilespmem:s1+$0xFFFFF000]  }
0xa7: {  	v5 =	vor.u32 s8, v1;
	v4 =	vld [tilespmem:s1+$0xFFFFF010];
	_ =	sdelay $0x3  }
0xa8: {  	[tilespmem:v3+s24+$0x0] =	vst.idx.msk $0xffff, v2  }
0xa9: {  	s8 =	sadd.s32 $0xFFFFFBFD, s21;
	[tilespmem:v5+s24+$0x0] =	vst.idx.msk $0xffff, v4  }
0xaa: {  	v3 =	vor.u32 s8, v0;
	v2 =	vld [tilespmem:s1+$0x0]  }
0xab: {  	v5 =	vor.u32 s8, v1;
	v4 =	vld [tilespmem:s1+$0x10];
	_ =	sdelay $0x3  }
0xac: {  	[tilespmem:v3+s24+$0x0] =	vst.idx.msk $0xffff, v2  }
0xad: {  	s8 =	sadd.s32 $0xFFFFFFFD, s21;
	[tilespmem:v5+s24+$0x0] =	vst.idx.msk $0xffff, v4  }
0xae: {  	v3 =	vor.u32 s8, v0;
	v2 =	vld [tilespmem:s1+$0x1000]  }
0xaf: {  	v5 =	vor.u32 s8, v1;
	v4 =	vld [tilespmem:s1+$0x1010];
	_ =	sdelay $0x3  }
0xb0: {  	[tilespmem:v3+s24+$0x0] =	vst.idx.msk $0xffff, v2  }
0xb1: {  	s8 =	sadd.s32 $0xFFFFF3FE, s21;
	[tilespmem:v5+s24+$0x0] =	vst.idx.msk $0xffff, v4  }
0xb2: {  	v3 =	vor.u32 s8, v0;
	v2 =	vld [tilespmem:s1+$0xFFFFE020]  }
0xb3: {  	v5 =	vor.u32 s8, v1;
	v4 =	vld [tilespmem:s1+$0xFFFFE030];
	_ =	sdelay $0x3  }
0xb4: {  	[tilespmem:v3+s24+$0x0] =	vst.idx.msk $0xffff, v2  }
0xb5: {  	s8 =	sadd.s32 $0xFFFFF7FE, s21;
	[tilespmem:v5+s24+$0x0] =	vst.idx.msk $0xffff, v4  }
0xb6: {  	v3 =	vor.u32 s8, v0;
	v2 =	vld [tilespmem:s1+$0xFFFFF020]  }
0xb7: {  	v5 =	vor.u32 s8, v1;
	v4 =	vld [tilespmem:s1+$0xFFFFF030];
	_ =	sdelay $0x3  }
0xb8: {  	[tilespmem:v3+s24+$0x0] =	vst.idx.msk $0xffff, v2  }
0xb9: {  	s8 =	sadd.s32 $0xFFFFFBFE, s21;
	[tilespmem:v5+s24+$0x0] =	vst.idx.msk $0xffff, v4  }
0xba: {  	v3 =	vor.u32 s8, v0;
	v2 =	vld [tilespmem:s1+$0x20]  }
0xbb: {  	v5 =	vor.u32 s8, v1;
	v4 =	vld [tilespmem:s1+$0x30];
	_ =	sdelay $0x3  }
0xbc: {  	[tilespmem:v3+s24+$0x0] =	vst.idx.msk $0xffff, v2  }
0xbd: {  	s8 =	sadd.s32 $0xFFFFFFFE, s21;
	[tilespmem:v5+s24+$0x0] =	vst.idx.msk $0xffff, v4  }
0xbe: {  	v3 =	vor.u32 s8, v0;
	v2 =	vld [tilespmem:s1+$0x1020]  }
0xbf: {  	v5 =	vor.u32 s8, v1;
	v4 =	vld [tilespmem:s1+$0x1030];
	_ =	sdelay $0x3  }
0xc0: {  	[tilespmem:v3+s24+$0x0] =	vst.idx.msk $0xffff, v2  }
0xc1: {  	s8 =	sadd.s32 $0xFFFFF3FF, s21;
	[tilespmem:v5+s24+$0x0] =	vst.idx.msk $0xffff, v4  }
0xc2: {  	v3 =	vor.u32 s8, v0;
	v2 =	vld [tilespmem:s1+$0xFFFFE040]  }
0xc3: {  	v5 =	vor.u32 s8, v1;
	v4 =	vld [tilespmem:s1+$0xFFFFE050];
	_ =	sdelay $0x3  }
0xc4: {  	[tilespmem:v3+s24+$0x0] =	vst.idx.msk $0xffff, v2  }
0xc5: {  	s8 =	sadd.s32 $0xFFFFF7FF, s21;
	[tilespmem:v5+s24+$0x0] =	vst.idx.msk $0xffff, v4  }
0xc6: {  	v3 =	vor.u32 s8, v0;
	v2 =	vld [tilespmem:s1+$0xFFFFF040]  }
0xc7: {  	v5 =	vor.u32 s8, v1;
	v4 =	vld [tilespmem:s1+$0xFFFFF050];
	_ =	sdelay $0x3  }
0xc8: {  	[tilespmem:v3+s24+$0x0] =	vst.idx.msk $0xffff, v2  }
0xc9: {  	s8 =	sadd.s32 $0xFFFFFBFF, s21;
	[tilespmem:v5+s24+$0x0] =	vst.idx.msk $0xffff, v4  }
0xca: {  	v3 =	vor.u32 s8, v0;
	v2 =	vld [tilespmem:s1+$0x40]  }
0xcb: {  	v5 =	vor.u32 s8, v1;
	v4 =	vld [tilespmem:s1+$0x50];
	_ =	sdelay $0x3  }
0xcc: {  	[tilespmem:v3+s24+$0x0] =	vst.idx.msk $0xffff, v2  }
0xcd: {  	s8 =	sadd.s32 $0xFFFFFFFF, s21;
	[tilespmem:v5+s24+$0x0] =	vst.idx.msk $0xffff, v4  }
0xce: {  	v3 =	vor.u32 s8, v0;
	v2 =	vld [tilespmem:s1+$0x1040]  }
0xcf: {  	v5 =	vor.u32 s8, v1;
	v4 =	vld [tilespmem:s1+$0x1050];
	_ =	sdelay $0x3  }
0xd0: {  	[tilespmem:v3+s24+$0x0] =	vst.idx.msk $0xffff, v2  }
0xd1: {  	s8 =	sadd.s32 $0xFFFFF400, s21;
	[tilespmem:v5+s24+$0x0] =	vst.idx.msk $0xffff, v4  }
0xd2: {  	v3 =	vor.u32 s8, v0;
	v2 =	vld [tilespmem:s1+$0xFFFFE060]  }
0xd3: {  	v5 =	vor.u32 s8, v1;
	v4 =	vld [tilespmem:s1+$0xFFFFE070];
	_ =	sdelay $0x3  }
0xd4: {  	[tilespmem:v3+s24+$0x0] =	vst.idx.msk $0xffff, v2  }
0xd5: {  	s8 =	sadd.s32 $0xFFFFF800, s21;
	[tilespmem:v5+s24+$0x0] =	vst.idx.msk $0xffff, v4  }
0xd6: {  	v3 =	vor.u32 s8, v0;
	v2 =	vld [tilespmem:s1+$0xFFFFF060]  }
0xd7: {  	v5 =	vor.u32 s8, v1;
	v4 =	vld [tilespmem:s1+$0xFFFFF070];
	_ =	sdelay $0x3  }
0xd8: {  	[tilespmem:v3+s24+$0x0] =	vst.idx.msk $0xffff, v2  }
0xd9: {  	s8 =	sadd.s32 $0xFFFFFC00, s21;
	[tilespmem:v5+s24+$0x0] =	vst.idx.msk $0xffff, v4  }
0xda: {  	v3 =	vor.u32 s8, v0;
	v2 =	vld [tilespmem:s1+$0x60]  }
0xdb: {  	v5 =	vor.u32 s8, v1;
	v4 =	vld [tilespmem:s1+$0x70];
	_ =	sdelay $0x3  }
0xdc: {  	[tilespmem:v3+s24+$0x0] =	vst.idx.msk $0xffff, v2  }
0xdd: {  	[tilespmem:v5+s24+$0x0] =	vst.idx.msk $0xffff, v4  }
0xde: {  	v5 =	vor.u32 s21, v0;
	v4 =	vld [tilespmem:s1+$0x1060]  }
.Ltmp2:
0xdf: {  	v3 =	vor.u32 s21, v1;
	s21 =	smov.u32 s25;
	v2 =	vld [tilespmem:s1+$0x1070];
	(pc) =	sbr.rel @p1 .LBB2_3-.Ltmp2, $2  }
0xe0: {  	_ =	sdelay $0x2  }
0xe1: {  	s8 =	smov.u32 s22;
	[tilespmem:v5+s24+$0x0] =	vst.idx.msk $0xffff, v4  }
0xe2: {  	_ =	sdelay $0x3  }
0xe3: {  	s8 =	sadd.s32 $0xFFFFF3FD, s21;
	[tilespmem:v3+s24+$0x0] =	vst.idx.msk $0xffff, v2;
	s1 =	sadd.s32 $0x80, s1  }
0xe4: {  	v2 =	vld [tilespmem:s1+$0xFFFFE000];
	v3 =	vor.u32 s8, v0  }
0xe5: {  	v4 =	vld [tilespmem:s1+$0xFFFFE010];
	v5 =	vor.u32 s8, v1;
	_ =	sdelay $0x3  }
0xe6: {  	[tilespmem:v3+s24+$0x0] =	vst.idx.msk $0xffff, v2  }
0xe7: {  	s26 =	sadd.s32 $0xFFFFF7FD, s21;
	[tilespmem:v5+s24+$0x0] =	vst.idx.msk $0xffff, v4  }
0xe8: {  	v3 =	vor.u32 s26, v0;
	v2 =	vld [tilespmem:s1+$0xFFFFF000]  }
0xe9: {  	v5 =	vor.u32 s26, v1;
	v4 =	vld [tilespmem:s1+$0xFFFFF010];
	_ =	sdelay $0x3  }
0xea: {  	[tilespmem:v3+s24+$0x0] =	vst.idx.msk $0xffff, v2  }
0xeb: {  	s2 =	sadd.s32 $0xFFFFFBFD, s21;
	[tilespmem:v5+s24+$0x0] =	vst.idx.msk $0xffff, v4  }
0xec: {  	v3 =	vor.u32 s2, v0;
	v2 =	vld [tilespmem:s1+$0x0]  }
0xed: {  	v5 =	vor.u32 s2, v1;
	v4 =	vld [tilespmem:s1+$0x10];
	_ =	sdelay $0x3  }
0xee: {  	[tilespmem:v3+s24+$0x0] =	vst.idx.msk $0xffff, v2  }
0xef: {  	s22 =	sadd.s32 $0xFFFFFFFD, s21;
	[tilespmem:v5+s24+$0x0] =	vst.idx.msk $0xffff, v4  }
0xf0: {  	v3 =	vor.u32 s22, v0;
	v2 =	vld [tilespmem:s1+$0x1000]  }
0xf1: {  	v5 =	vor.u32 s22, v1;
	v4 =	vld [tilespmem:s1+$0x1010];
	_ =	sdelay $0x3  }
0xf2: {  	[tilespmem:v3+s24+$0x0] =	vst.idx.msk $0xffff, v2  }
0xf3: {  	s25 =	sadd.s32 $0xFFFFF3FE, s21;
	[tilespmem:v5+s24+$0x0] =	vst.idx.msk $0xffff, v4  }
0xf4: {  	v3 =	vor.u32 s25, v0;
	v2 =	vld [tilespmem:s1+$0xFFFFE020]  }
0xf5: {  	v5 =	vor.u32 s25, v1;
	v4 =	vld [tilespmem:s1+$0xFFFFE030];
	_ =	sdelay $0x3  }
0xf6: {  	[tilespmem:v3+s24+$0x0] =	vst.idx.msk $0xffff, v2  }
0xf7: {  	s26 =	sadd.s32 $0xFFFFF7FE, s21;
	[tilespmem:v5+s24+$0x0] =	vst.idx.msk $0xffff, v4  }
0xf8: {  	v3 =	vor.u32 s26, v0;
	v2 =	vld [tilespmem:s1+$0xFFFFF020]  }
0xf9: {  	v5 =	vor.u32 s26, v1;
	v4 =	vld [tilespmem:s1+$0xFFFFF030];
	_ =	sdelay $0x3  }
0xfa: {  	[tilespmem:v3+s24+$0x0] =	vst.idx.msk $0xffff, v2  }
0xfb: {  	s2 =	sadd.s32 $0xFFFFFBFE, s21;
	[tilespmem:v5+s24+$0x0] =	vst.idx.msk $0xffff, v4  }
0xfc: {  	v3 =	vor.u32 s2, v0;
	v2 =	vld [tilespmem:s1+$0x20]  }
0xfd: {  	v5 =	vor.u32 s2, v1;
	v4 =	vld [tilespmem:s1+$0x30];
	_ =	sdelay $0x3  }
0xfe: {  	[tilespmem:v3+s24+$0x0] =	vst.idx.msk $0xffff, v2  }
0xff: {  	s22 =	sadd.s32 $0xFFFFFFFE, s21;
	[tilespmem:v5+s24+$0x0] =	vst.idx.msk $0xffff, v4  }
0x100: {  	v3 =	vor.u32 s22, v0;
	v2 =	vld [tilespmem:s1+$0x1020]  }
0x101: {  	v5 =	vor.u32 s22, v1;
	v4 =	vld [tilespmem:s1+$0x1030];
	_ =	sdelay $0x3  }
0x102: {  	[tilespmem:v3+s24+$0x0] =	vst.idx.msk $0xffff, v2  }
0x103: {  	s25 =	sadd.s32 $0xFFFFF3FF, s21;
	[tilespmem:v5+s24+$0x0] =	vst.idx.msk $0xffff, v4  }
0x104: {  	v3 =	vor.u32 s25, v0;
	v2 =	vld [tilespmem:s1+$0xFFFFE040]  }
0x105: {  	v5 =	vor.u32 s25, v1;
	v4 =	vld [tilespmem:s1+$0xFFFFE050];
	_ =	sdelay $0x3  }
0x106: {  	[tilespmem:v3+s24+$0x0] =	vst.idx.msk $0xffff, v2  }
0x107: {  	s26 =	sadd.s32 $0xFFFFF7FF, s21;
	[tilespmem:v5+s24+$0x0] =	vst.idx.msk $0xffff, v4  }
0x108: {  	v3 =	vor.u32 s26, v0;
	v2 =	vld [tilespmem:s1+$0xFFFFF040]  }
0x109: {  	v5 =	vor.u32 s26, v1;
	v4 =	vld [tilespmem:s1+$0xFFFFF050];
	_ =	sdelay $0x3  }
0x10a: {  	[tilespmem:v3+s24+$0x0] =	vst.idx.msk $0xffff, v2  }
0x10b: {  	s2 =	sadd.s32 $0xFFFFFBFF, s21;
	[tilespmem:v5+s24+$0x0] =	vst.idx.msk $0xffff, v4  }
0x10c: {  	v3 =	vor.u32 s2, v0;
	v2 =	vld [tilespmem:s1+$0x40]  }
0x10d: {  	v5 =	vor.u32 s2, v1;
	v4 =	vld [tilespmem:s1+$0x50];
	_ =	sdelay $0x3  }
0x10e: {  	[tilespmem:v3+s24+$0x0] =	vst.idx.msk $0xffff, v2  }
0x10f: {  	s22 =	sadd.s32 $0xFFFFFFFF, s21;
	[tilespmem:v5+s24+$0x0] =	vst.idx.msk $0xffff, v4  }
0x110: {  	v3 =	vor.u32 s22, v0;
	v2 =	vld [tilespmem:s1+$0x1040]  }
0x111: {  	v5 =	vor.u32 s22, v1;
	v4 =	vld [tilespmem:s1+$0x1050];
	_ =	sdelay $0x3  }
0x112: {  	[tilespmem:v3+s24+$0x0] =	vst.idx.msk $0xffff, v2  }
0x113: {  	s25 =	sadd.s32 $0xFFFFF400, s21;
	[tilespmem:v5+s24+$0x0] =	vst.idx.msk $0xffff, v4  }
0x114: {  	v3 =	vor.u32 s25, v0;
	v2 =	vld [tilespmem:s1+$0xFFFFE060]  }
0x115: {  	v5 =	vor.u32 s25, v1;
	v4 =	vld [tilespmem:s1+$0xFFFFE070];
	_ =	sdelay $0x3  }
0x116: {  	[tilespmem:v3+s24+$0x0] =	vst.idx.msk $0xffff, v2  }
0x117: {  	s26 =	sadd.s32 $0xFFFFF800, s21;
	[tilespmem:v5+s24+$0x0] =	vst.idx.msk $0xffff, v4  }
0x118: {  	v3 =	vor.u32 s26, v0;
	v2 =	vld [tilespmem:s1+$0xFFFFF060]  }
0x119: {  	v5 =	vor.u32 s26, v1;
	v4 =	vld [tilespmem:s1+$0xFFFFF070];
	_ =	sdelay $0x3  }
0x11a: {  	[tilespmem:v3+s24+$0x0] =	vst.idx.msk $0xffff, v2  }
0x11b: {  	s2 =	sadd.s32 $0xFFFFFC00, s21;
	[tilespmem:v5+s24+$0x0] =	vst.idx.msk $0xffff, v4  }
0x11c: {  	v3 =	vor.u32 s2, v0;
	v2 =	vld [tilespmem:s1+$0x60]  }
0x11d: {  	v5 =	vor.u32 s2, v1;
	v4 =	vld [tilespmem:s1+$0x70];
	_ =	sdelay $0x3  }
0x11e: {  	[tilespmem:v3+s24+$0x0] =	vst.idx.msk $0xffff, v2  }
0x11f: {  	[tilespmem:v5+s24+$0x0] =	vst.idx.msk $0xffff, v4  }
0x120: {  	v3 =	vor.u32 s21, v0;
	v2 =	vld [tilespmem:s1+$0x1060]  }
0x121: {  	v5 =	vor.u32 s21, v1;
	v4 =	vld [tilespmem:s1+$0x1070];
	_ =	sdelay $0x2  }
0x122: {  	s21 =	sshll.u32 s31, $0x11  }
0x123: {  	s2 =	rddreg [dreg:$0x1];
	s1 =	sor.u32 s7, s21;
	[tilespmem:v3+s24+$0x0] =	vst.idx.msk $0xffff, v2  }
0x124: {  	s22 =	sadd.s32 s2, s1;
	[tilespmem:v5+s24+$0x0] =	vst.idx.msk $0xffff, v4  }
0x125: {  	[hbm4b:s22+s3] =	stream.linear.scatter [tilespmem:s24], [sflag:$0x3], $0x1000, $0x38;
	[tilespmem:$0x10400] =	vst v63  }
0x126: {  	p1 =	seq.s32 s31, $0x18;
	s26 =	simm.s32 $0x9400;
	s25 =	sadd.s32 s1, s11  }
0x127: {  	[hbm4b:s25+s3] =	stream.linear.scatter [tilespmem:s26], [sflag:$0x3], $0x1000, $0x38;
	[tilespmem:$0x10400] =	vst v63  }
0x128: {  	s8 =	sadd.s32 @!p1 s9, s0;
	s21 =	sadd.s32 s1, s12;
	s22 =	simm.s32 $0xA400  }
0x129: {  	[hbm4b:s21+s3] =	stream.linear.scatter [tilespmem:s22], [sflag:$0x3], $0x1000, $0x38;
	[tilespmem:$0x10400] =	vst v63  }
0x12a: {  	s8 =	sshrl.u32 @!p1 s8, $0x3;
	s25 =	sadd.s32 s1, s13;
	s26 =	simm.s32 $0xB400  }
0x12b: {  	[hbm4b:s25+s3] =	stream.linear.scatter [tilespmem:s26], [sflag:$0x3], $0x1000, $0x38;
	[tilespmem:$0x10400] =	vst v63  }
0x12c: {  	s8 =	sadd.s32 @!p1 s4, s8;
	s21 =	simm.s32 @!p1 $0x0  }
0x12d: {  	[tilespmem:s21], [sflag:$0x5] =	stream.linear.gather @!p1 [hbm4b:s8+s21], $0x200, $0x38;
	[tilespmem:$0x10400] =	vst v63  }
0x12e: {  	s8 =	simm.s32 @!p1 $0x5  }
0x12f: {  	_ =	swait.ge @!p1 [sflag:s8], $0x200  }
0x130: {  	[sflag:s8] =	ssyncset.done @!p1 $0x0  }
0x131: {  	s22 =	simm.s32 @!p1 $0x400;
	[sflag:s8] =	ssyncadd.s32 @!p1 $0xFFFFFE00;
	s8 =	simm.s32 @!p1 $0x80  }
0x132: {  	[tilespmem:s22], [sflag:$0x1] =	stream.indirect.gather @!p1 [hbm4b:s5+s8], $0x20, s21, s8, $0xb8;
	[tilespmem:$0x10400] =	vst v63  }
0x133: {  	s21 =	simm.s32 @!p1 $0x1400  }
0x134: {  	[tilespmem:s21], [sflag:$0x1] =	stream.indirect.gather @!p1 [hbm4b:s5+s8], $0x20, s8, s8, $0xb8;
	[tilespmem:$0x10400] =	vst v63  }
0x135: {  	s22 =	simm.s32 @!p1 $0x2400;
	s21 =	simm.s32 @!p1 $0x100  }
0x136: {  	[tilespmem:s22], [sflag:$0x1] =	stream.indirect.gather @!p1 [hbm4b:s5+s8], $0x20, s21, s8, $0xb8;
	[tilespmem:$0x10400] =	vst v63  }
0x137: {  	s21 =	simm.s32 @!p1 $0x180;
	s22 =	simm.s32 @!p1 $0x3400  }
0x138: {  	[tilespmem:s22], [sflag:$0x1] =	stream.indirect.gather @!p1 [hbm4b:s5+s8], $0x20, s21, s8, $0xb8;
	[tilespmem:$0x10400] =	vst v63  }
0x139: {  	_ =	swait.ge [sflag:s18], $0x1000  }
0x13a: {  	[sflag:s18] =	ssyncset.done $0x0  }
0x13b: {  	[sflag:s18] =	ssyncadd.s32 $0xFFFFF000  }
0x13c: {  	_ =	swait.ge [sflag:s18], $0x1000  }
0x13d: {  	[sflag:s18] =	ssyncset.done $0x0  }
0x13e: {  	[sflag:s18] =	ssyncadd.s32 $0xFFFFF000  }
0x13f: {  	_ =	swait.ge [sflag:s18], $0x1000  }
0x140: {  	[sflag:s18] =	ssyncset.done $0x0  }
0x141: {  	[sflag:s18] =	ssyncadd.s32 $0xFFFFF000  }
0x142: {  	_ =	swait.ge [sflag:s18], $0x1000  }
0x143: {  	[sflag:s18] =	ssyncset.done $0x0  }
0x144: {  	s8 =	simm.s32 @!p0 $0x4;
	[sflag:s18] =	ssyncadd.s32 $0xFFFFF000  }
0x145: {  	_ =	swait.ge @!p0 [sflag:s8], $0x1000  }
0x146: {  	[sflag:s8] =	ssyncset.done @!p0 $0x0  }
0x147: {  	[sflag:s8] =	ssyncadd.s32 @!p0 $0xFFFFF000  }
0x148: {  	_ =	swait.ge @!p0 [sflag:s8], $0x1000  }
0x149: {  	[sflag:s8] =	ssyncset.done @!p0 $0x0  }
0x14a: {  	[sflag:s8] =	ssyncadd.s32 @!p0 $0xFFFFF000  }
0x14b: {  	_ =	swait.ge @!p0 [sflag:s8], $0x1000  }
0x14c: {  	[sflag:s8] =	ssyncset.done @!p0 $0x0  }
0x14d: {  	[sflag:s8] =	ssyncadd.s32 @!p0 $0xFFFFF000  }
0x14e: {  	_ =	swait.ge @!p0 [sflag:s8], $0x1000  }
0x14f: {  	[sflag:s8] =	ssyncset.done @!p0 $0x0  }
0x150: {  	s2 =	simm.s32 $0x0;
	s21 =	simm.s32 $0x0;
	[sflag:s8] =	ssyncadd.s32 @!p0 $0xFFFFF000  }
0x151: {  	v3 =	vor.u32 s2, v0;
	v2 =	vld [tilespmem:s21+$0x4400]  }
0x152: {  	v5 =	vor.u32 s2, v1;
	v4 =	vld [tilespmem:s21+$0x4410];
	_ =	sdelay $0x3  }
0x153: {  	[tilespmem:v3+s6+$0x0] =	vst.idx.msk $0xffff, v2  }
0x154: {  	s22 =	simm.s32 $0x400;
	[tilespmem:v5+s6+$0x0] =	vst.idx.msk $0xffff, v4  }
0x155: {  	v3 =	vor.u32 s22, v0;
	v2 =	vld [tilespmem:s21+$0x5400]  }
0x156: {  	v5 =	vor.u32 s22, v1;
	v4 =	vld [tilespmem:s21+$0x5410];
	_ =	sdelay $0x3  }
0x157: {  	[tilespmem:v3+s6+$0x0] =	vst.idx.msk $0xffff, v2  }
0x158: {  	s25 =	simm.s32 $0x800;
	[tilespmem:v5+s6+$0x0] =	vst.idx.msk $0xffff, v4  }
0x159: {  	v3 =	vor.u32 s25, v0;
	v2 =	vld [tilespmem:s21+$0x6400]  }
0x15a: {  	v5 =	vor.u32 s25, v1;
	v4 =	vld [tilespmem:s21+$0x6410];
	_ =	sdelay $0x3  }
0x15b: {  	[tilespmem:v3+s6+$0x0] =	vst.idx.msk $0xffff, v2  }
0x15c: {  	s26 =	simm.s32 $0xC00;
	[tilespmem:v5+s6+$0x0] =	vst.idx.msk $0xffff, v4  }
0x15d: {  	v3 =	vor.u32 s26, v0;
	v2 =	vld [tilespmem:s21+$0x7400]  }
0x15e: {  	v5 =	vor.u32 s26, v1;
	v4 =	vld [tilespmem:s21+$0x7410];
	_ =	sdelay $0x3  }
0x15f: {  	[tilespmem:v3+s6+$0x0] =	vst.idx.msk $0xffff, v2  }
0x160: {  	s2 =	simm.s32 $0x1;
	[tilespmem:v5+s6+$0x0] =	vst.idx.msk $0xffff, v4  }
0x161: {  	v3 =	vor.u32 s2, v0;
	v2 =	vld [tilespmem:s21+$0x4420]  }
0x162: {  	v5 =	vor.u32 s2, v1;
	v4 =	vld [tilespmem:s21+$0x4430];
	_ =	sdelay $0x3  }
0x163: {  	[tilespmem:v3+s6+$0x0] =	vst.idx.msk $0xffff, v2  }
0x164: {  	s22 =	simm.s32 $0x401;
	[tilespmem:v5+s6+$0x0] =	vst.idx.msk $0xffff, v4  }
0x165: {  	v3 =	vor.u32 s22, v0;
	v2 =	vld [tilespmem:s21+$0x5420]  }
0x166: {  	v5 =	vor.u32 s22, v1;
	v4 =	vld [tilespmem:s21+$0x5430];
	_ =	sdelay $0x3  }
0x167: {  	[tilespmem:v3+s6+$0x0] =	vst.idx.msk $0xffff, v2  }
0x168: {  	s25 =	simm.s32 $0x801;
	[tilespmem:v5+s6+$0x0] =	vst.idx.msk $0xffff, v4  }
0x169: {  	v3 =	vor.u32 s25, v0;
	v2 =	vld [tilespmem:s21+$0x6420]  }
0x16a: {  	v5 =	vor.u32 s25, v1;
	v4 =	vld [tilespmem:s21+$0x6430];
	_ =	sdelay $0x3  }
0x16b: {  	[tilespmem:v3+s6+$0x0] =	vst.idx.msk $0xffff, v2  }
0x16c: {  	s26 =	simm.s32 $0xC01;
	[tilespmem:v5+s6+$0x0] =	vst.idx.msk $0xffff, v4  }
0x16d: {  	v3 =	vor.u32 s26, v0;
	v2 =	vld [tilespmem:s21+$0x7420]  }
0x16e: {  	v5 =	vor.u32 s26, v1;
	v4 =	vld [tilespmem:s21+$0x7430];
	_ =	sdelay $0x3  }
0x16f: {  	[tilespmem:v3+s6+$0x0] =	vst.idx.msk $0xffff, v2  }
0x170: {  	s2 =	simm.s32 $0x2;
	[tilespmem:v5+s6+$0x0] =	vst.idx.msk $0xffff, v4  }
0x171: {  	v3 =	vor.u32 s2, v0;
	v2 =	vld [tilespmem:s21+$0x4440]  }
0x172: {  	v5 =	vor.u32 s2, v1;
	v4 =	vld [tilespmem:s21+$0x4450];
	_ =	sdelay $0x3  }
0x173: {  	[tilespmem:v3+s6+$0x0] =	vst.idx.msk $0xffff, v2  }
0x174: {  	s22 =	simm.s32 $0x402;
	[tilespmem:v5+s6+$0x0] =	vst.idx.msk $0xffff, v4  }
0x175: {  	v3 =	vor.u32 s22, v0;
	v2 =	vld [tilespmem:s21+$0x5440]  }
0x176: {  	v5 =	vor.u32 s22, v1;
	v4 =	vld [tilespmem:s21+$0x5450];
	_ =	sdelay $0x3  }
0x177: {  	[tilespmem:v3+s6+$0x0] =	vst.idx.msk $0xffff, v2  }
0x178: {  	s25 =	simm.s32 $0x802;
	[tilespmem:v5+s6+$0x0] =	vst.idx.msk $0xffff, v4  }
0x179: {  	v3 =	vor.u32 s25, v0;
	v2 =	vld [tilespmem:s21+$0x6440]  }
0x17a: {  	v5 =	vor.u32 s25, v1;
	v4 =	vld [tilespmem:s21+$0x6450];
	_ =	sdelay $0x3  }
0x17b: {  	[tilespmem:v3+s6+$0x0] =	vst.idx.msk $0xffff, v2  }
0x17c: {  	s26 =	simm.s32 $0xC02;
	[tilespmem:v5+s6+$0x0] =	vst.idx.msk $0xffff, v4  }
0x17d: {  	v3 =	vor.u32 s26, v0;
	v2 =	vld [tilespmem:s21+$0x7440]  }
0x17e: {  	v5 =	vor.u32 s26, v1;
	v4 =	vld [tilespmem:s21+$0x7450];
	_ =	sdelay $0x3  }
0x17f: {  	[tilespmem:v3+s6+$0x0] =	vst.idx.msk $0xffff, v2  }
0x180: {  	s2 =	simm.s32 $0x3;
	[tilespmem:v5+s6+$0x0] =	vst.idx.msk $0xffff, v4  }
0x181: {  	v3 =	vor.u32 s2, v0;
	v2 =	vld [tilespmem:s21+$0x4460]  }
0x182: {  	v5 =	vor.u32 s2, v1;
	v4 =	vld [tilespmem:s21+$0x4470];
	_ =	sdelay $0x3  }
0x183: {  	[tilespmem:v3+s6+$0x0] =	vst.idx.msk $0xffff, v2  }
0x184: {  	s22 =	simm.s32 $0x403;
	[tilespmem:v5+s6+$0x0] =	vst.idx.msk $0xffff, v4  }
0x185: {  	v3 =	vor.u32 s22, v0;
	v2 =	vld [tilespmem:s21+$0x5460]  }
0x186: {  	v5 =	vor.u32 s22, v1;
	v4 =	vld [tilespmem:s21+$0x5470];
	_ =	sdelay $0x3  }
0x187: {  	[tilespmem:v3+s6+$0x0] =	vst.idx.msk $0xffff, v2  }
0x188: {  	s25 =	simm.s32 $0x803;
	[tilespmem:v5+s6+$0x0] =	vst.idx.msk $0xffff, v4  }
0x189: {  	v3 =	vor.u32 s25, v0;
	v2 =	vld [tilespmem:s21+$0x6460]  }
0x18a: {  	v5 =	vor.u32 s25, v1;
	v4 =	vld [tilespmem:s21+$0x6470];
	_ =	sdelay $0x3  }
0x18b: {  	[tilespmem:v3+s6+$0x0] =	vst.idx.msk $0xffff, v2  }
0x18c: {  	s26 =	simm.s32 $0xC03;
	[tilespmem:v5+s6+$0x0] =	vst.idx.msk $0xffff, v4  }
0x18d: {  	v5 =	vor.u32 s26, v0;
	v4 =	vld [tilespmem:s21+$0x7460];
	_ =	sdelay $0x1  }
0x18e: {  	v3 =	vor.u32 s26, v1;
	v2 =	vld [tilespmem:s21+$0x7470];
	_ =	sdelay $0x2  }
0x18f: {  	s22 =	simm.s32 $0x200;
	s25 =	simm.s32 $0x400;
	s21 =	simm.s32 $0xC07;
	[tilespmem:v5+s6+$0x0] =	vst.idx.msk $0xffff, v4  }
.LBB2_5:
0x190: {  	s2 =	sadd.s32 $0xFFFFF3FD, s21  }
0x191: {  	s26 =	sshra.s32 s22, $0x2;
	[tilespmem:v3+s6+$0x0] =	vst.idx.msk $0xffff, v2;
	s22 =	smov.u32 s25;
	s8 =	sadd.s32 $0x200, s25  }
0x192: {  	p0 =	sne.s32 s25, $0x3E00;
	v2 =	vld [tilespmem:s26+$0x4400];
	v3 =	vor.u32 s2, v0  }
0x193: {  	v5 =	vor.u32 s2, v1;
	v4 =	vld [tilespmem:s26+$0x4410];
	_ =	sdelay $0x3  }
0x194: {  	[tilespmem:v3+s6+$0x0] =	vst.idx.msk $0xffff, v2  }
0x195: {  	s2 =	sadd.s32 $0xFFFFF7FD, s21;
	[tilespmem:v5+s6+$0x0] =	vst.idx.msk $0xffff, v4  }
0x196: {  	v3 =	vor.u32 s2, v0;
	v2 =	vld [tilespmem:s26+$0x5400]  }
0x197: {  	v5 =	vor.u32 s2, v1;
	v4 =	vld [tilespmem:s26+$0x5410];
	_ =	sdelay $0x3  }
0x198: {  	[tilespmem:v3+s6+$0x0] =	vst.idx.msk $0xffff, v2  }
0x199: {  	s2 =	sadd.s32 $0xFFFFFBFD, s21;
	[tilespmem:v5+s6+$0x0] =	vst.idx.msk $0xffff, v4  }
0x19a: {  	v3 =	vor.u32 s2, v0;
	v2 =	vld [tilespmem:s26+$0x6400]  }
0x19b: {  	v5 =	vor.u32 s2, v1;
	v4 =	vld [tilespmem:s26+$0x6410];
	_ =	sdelay $0x3  }
0x19c: {  	[tilespmem:v3+s6+$0x0] =	vst.idx.msk $0xffff, v2  }
0x19d: {  	s2 =	sadd.s32 $0xFFFFFFFD, s21;
	[tilespmem:v5+s6+$0x0] =	vst.idx.msk $0xffff, v4  }
0x19e: {  	v3 =	vor.u32 s2, v0;
	v2 =	vld [tilespmem:s26+$0x7400]  }
0x19f: {  	v5 =	vor.u32 s2, v1;
	v4 =	vld [tilespmem:s26+$0x7410];
	_ =	sdelay $0x3  }
0x1a0: {  	[tilespmem:v3+s6+$0x0] =	vst.idx.msk $0xffff, v2  }
0x1a1: {  	s2 =	sadd.s32 $0xFFFFF3FE, s21;
	[tilespmem:v5+s6+$0x0] =	vst.idx.msk $0xffff, v4  }
0x1a2: {  	v3 =	vor.u32 s2, v0;
	v2 =	vld [tilespmem:s26+$0x4420]  }
0x1a3: {  	v5 =	vor.u32 s2, v1;
	v4 =	vld [tilespmem:s26+$0x4430];
	_ =	sdelay $0x3  }
0x1a4: {  	[tilespmem:v3+s6+$0x0] =	vst.idx.msk $0xffff, v2  }
0x1a5: {  	s2 =	sadd.s32 $0xFFFFF7FE, s21;
	[tilespmem:v5+s6+$0x0] =	vst.idx.msk $0xffff, v4  }
0x1a6: {  	v3 =	vor.u32 s2, v0;
	v2 =	vld [tilespmem:s26+$0x5420]  }
0x1a7: {  	v5 =	vor.u32 s2, v1;
	v4 =	vld [tilespmem:s26+$0x5430];
	_ =	sdelay $0x3  }
0x1a8: {  	[tilespmem:v3+s6+$0x0] =	vst.idx.msk $0xffff, v2  }
0x1a9: {  	s2 =	sadd.s32 $0xFFFFFBFE, s21;
	[tilespmem:v5+s6+$0x0] =	vst.idx.msk $0xffff, v4  }
0x1aa: {  	v3 =	vor.u32 s2, v0;
	v2 =	vld [tilespmem:s26+$0x6420]  }
0x1ab: {  	v5 =	vor.u32 s2, v1;
	v4 =	vld [tilespmem:s26+$0x6430];
	_ =	sdelay $0x3  }
0x1ac: {  	[tilespmem:v3+s6+$0x0] =	vst.idx.msk $0xffff, v2  }
0x1ad: {  	s2 =	sadd.s32 $0xFFFFFFFE, s21;
	[tilespmem:v5+s6+$0x0] =	vst.idx.msk $0xffff, v4  }
0x1ae: {  	v3 =	vor.u32 s2, v0;
	v2 =	vld [tilespmem:s26+$0x7420]  }
0x1af: {  	v5 =	vor.u32 s2, v1;
	v4 =	vld [tilespmem:s26+$0x7430];
	_ =	sdelay $0x3  }
0x1b0: {  	[tilespmem:v3+s6+$0x0] =	vst.idx.msk $0xffff, v2  }
0x1b1: {  	s2 =	sadd.s32 $0xFFFFF3FF, s21;
	[tilespmem:v5+s6+$0x0] =	vst.idx.msk $0xffff, v4  }
0x1b2: {  	v3 =	vor.u32 s2, v0;
	v2 =	vld [tilespmem:s26+$0x4440]  }
0x1b3: {  	v5 =	vor.u32 s2, v1;
	v4 =	vld [tilespmem:s26+$0x4450];
	_ =	sdelay $0x3  }
0x1b4: {  	[tilespmem:v3+s6+$0x0] =	vst.idx.msk $0xffff, v2  }
0x1b5: {  	s2 =	sadd.s32 $0xFFFFF7FF, s21;
	[tilespmem:v5+s6+$0x0] =	vst.idx.msk $0xffff, v4  }
0x1b6: {  	v3 =	vor.u32 s2, v0;
	v2 =	vld [tilespmem:s26+$0x5440]  }
0x1b7: {  	v5 =	vor.u32 s2, v1;
	v4 =	vld [tilespmem:s26+$0x5450];
	_ =	sdelay $0x3  }
0x1b8: {  	[tilespmem:v3+s6+$0x0] =	vst.idx.msk $0xffff, v2  }
0x1b9: {  	s2 =	sadd.s32 $0xFFFFFBFF, s21;
	[tilespmem:v5+s6+$0x0] =	vst.idx.msk $0xffff, v4  }
0x1ba: {  	v3 =	vor.u32 s2, v0;
	v2 =	vld [tilespmem:s26+$0x6440]  }
0x1bb: {  	v5 =	vor.u32 s2, v1;
	v4 =	vld [tilespmem:s26+$0x6450];
	_ =	sdelay $0x3  }
0x1bc: {  	[tilespmem:v3+s6+$0x0] =	vst.idx.msk $0xffff, v2  }
0x1bd: {  	s2 =	sadd.s32 $0xFFFFFFFF, s21;
	[tilespmem:v5+s6+$0x0] =	vst.idx.msk $0xffff, v4  }
0x1be: {  	v3 =	vor.u32 s2, v0;
	v2 =	vld [tilespmem:s26+$0x7440]  }
0x1bf: {  	v5 =	vor.u32 s2, v1;
	v4 =	vld [tilespmem:s26+$0x7450];
	_ =	sdelay $0x3  }
0x1c0: {  	[tilespmem:v3+s6+$0x0] =	vst.idx.msk $0xffff, v2  }
0x1c1: {  	s2 =	sadd.s32 $0xFFFFF400, s21;
	[tilespmem:v5+s6+$0x0] =	vst.idx.msk $0xffff, v4  }
0x1c2: {  	v3 =	vor.u32 s2, v0;
	v2 =	vld [tilespmem:s26+$0x4460]  }
0x1c3: {  	v5 =	vor.u32 s2, v1;
	v4 =	vld [tilespmem:s26+$0x4470];
	_ =	sdelay $0x3  }
0x1c4: {  	[tilespmem:v3+s6+$0x0] =	vst.idx.msk $0xffff, v2  }
0x1c5: {  	s2 =	sadd.s32 $0xFFFFF800, s21;
	[tilespmem:v5+s6+$0x0] =	vst.idx.msk $0xffff, v4  }
0x1c6: {  	v3 =	vor.u32 s2, v0;
	v2 =	vld [tilespmem:s26+$0x5460]  }
0x1c7: {  	v5 =	vor.u32 s2, v1;
	v4 =	vld [tilespmem:s26+$0x5470];
	_ =	sdelay $0x3  }
0x1c8: {  	[tilespmem:v3+s6+$0x0] =	vst.idx.msk $0xffff, v2  }
0x1c9: {  	s2 =	sadd.s32 $0xFFFFFC00, s21;
	[tilespmem:v5+s6+$0x0] =	vst.idx.msk $0xffff, v4  }
0x1ca: {  	v3 =	vor.u32 s2, v0;
	v2 =	vld [tilespmem:s26+$0x6460]  }
0x1cb: {  	v5 =	vor.u32 s2, v1;
	v4 =	vld [tilespmem:s26+$0x6470];
	_ =	sdelay $0x3  }
0x1cc: {  	[tilespmem:v3+s6+$0x0] =	vst.idx.msk $0xffff, v2  }
0x1cd: {  	[tilespmem:v5+s6+$0x0] =	vst.idx.msk $0xffff, v4  }
0x1ce: {  	v5 =	vor.u32 s21, v0;
	v4 =	vld [tilespmem:s26+$0x7460]  }
.Ltmp3:
0x1cf: {  	v3 =	vor.u32 s21, v1;
	v2 =	vld [tilespmem:s26+$0x7470];
	(pc) =	sbr.rel @p0 .LBB2_5-.Ltmp3, $2  }
0x1d0: {  	_ =	sdelay $0x2  }
0x1d1: {  	s25 =	smov.u32 s8;
	s21 =	sadd.s32 $0x4, s21;
	[tilespmem:v5+s6+$0x0] =	vst.idx.msk $0xffff, v4  }
0x1d2: {  	_ =	sdelay $0x3  }
0x1d3: {  	s2 =	sadd.s32 $0xFFFFF3FD, s21;
	s22 =	sshra.s32 s22, $0x2;
	[tilespmem:v3+s6+$0x0] =	vst.idx.msk $0xffff, v2  }
0x1d4: {  	v2 =	vld [tilespmem:s22+$0x4400];
	v3 =	vor.u32 s2, v0  }
0x1d5: {  	v4 =	vld [tilespmem:s22+$0x4410];
	v5 =	vor.u32 s2, v1;
	_ =	sdelay $0x3  }
0x1d6: {  	[tilespmem:v3+s6+$0x0] =	vst.idx.msk $0xffff, v2  }
0x1d7: {  	s26 =	sadd.s32 $0xFFFFF7FD, s21;
	[tilespmem:v5+s6+$0x0] =	vst.idx.msk $0xffff, v4  }
0x1d8: {  	v3 =	vor.u32 s26, v0;
	v2 =	vld [tilespmem:s22+$0x5400]  }
0x1d9: {  	v49 =	vor.u32 s26, v1;
	v4 =	vld [tilespmem:s22+$0x5410];
	_ =	sdelay $0x3  }
0x1da: {  	[tilespmem:v3+s6+$0x0] =	vst.idx.msk $0xffff, v2  }
0x1db: {  	s8 =	sadd.s32 $0xFFFFFBFD, s21;
	[tilespmem:v49+s6+$0x0] =	vst.idx.msk $0xffff, v4  }
0x1dc: {  	v3 =	vor.u32 s8, v0;
	v2 =	vld [tilespmem:s22+$0x6400]  }
0x1dd: {  	v50 =	vor.u32 s8, v1;
	v4 =	vld [tilespmem:s22+$0x6410];
	_ =	sdelay $0x3  }
0x1de: {  	[tilespmem:v3+s6+$0x0] =	vst.idx.msk $0xffff, v2  }
0x1df: {  	s25 =	sadd.s32 $0xFFFFFFFD, s21;
	[tilespmem:v50+s6+$0x0] =	vst.idx.msk $0xffff, v4  }
0x1e0: {  	v3 =	vor.u32 s25, v0;
	v2 =	vld [tilespmem:s22+$0x7400]  }
0x1e1: {  	v51 =	vor.u32 s25, v1;
	v4 =	vld [tilespmem:s22+$0x7410];
	_ =	sdelay $0x3  }
0x1e2: {  	[tilespmem:v3+s6+$0x0] =	vst.idx.msk $0xffff, v2  }
0x1e3: {  	s26 =	sadd.s32 $0xFFFFF3FE, s21;
	[tilespmem:v51+s6+$0x0] =	vst.idx.msk $0xffff, v4  }
0x1e4: {  	v3 =	vor.u32 s26, v0;
	v2 =	vld [tilespmem:s22+$0x4420]  }
0x1e5: {  	v52 =	vor.u32 s26, v1;
	v4 =	vld [tilespmem:s22+$0x4430];
	_ =	sdelay $0x3  }
0x1e6: {  	[tilespmem:v3+s6+$0x0] =	vst.idx.msk $0xffff, v2  }
0x1e7: {  	s8 =	sadd.s32 $0xFFFFF7FE, s21;
	[tilespmem:v52+s6+$0x0] =	vst.idx.msk $0xffff, v4  }
0x1e8: {  	v3 =	vor.u32 s8, v0;
	v2 =	vld [tilespmem:s22+$0x5420]  }
0x1e9: {  	v53 =	vor.u32 s8, v1;
	v4 =	vld [tilespmem:s22+$0x5430];
	_ =	sdelay $0x3  }
0x1ea: {  	[tilespmem:v3+s6+$0x0] =	vst.idx.msk $0xffff, v2  }
0x1eb: {  	s25 =	sadd.s32 $0xFFFFFBFE, s21;
	[tilespmem:v53+s6+$0x0] =	vst.idx.msk $0xffff, v4  }
0x1ec: {  	v3 =	vor.u32 s25, v0;
	v2 =	vld [tilespmem:s22+$0x6420]  }
0x1ed: {  	v54 =	vor.u32 s25, v1;
	v4 =	vld [tilespmem:s22+$0x6430];
	_ =	sdelay $0x3  }
0x1ee: {  	[tilespmem:v3+s6+$0x0] =	vst.idx.msk $0xffff, v2  }
0x1ef: {  	s26 =	sadd.s32 $0xFFFFFFFE, s21;
	[tilespmem:v54+s6+$0x0] =	vst.idx.msk $0xffff, v4  }
0x1f0: {  	v3 =	vor.u32 s26, v0;
	v2 =	vld [tilespmem:s22+$0x7420]  }
0x1f1: {  	v55 =	vor.u32 s26, v1;
	v4 =	vld [tilespmem:s22+$0x7430];
	_ =	sdelay $0x3  }
0x1f2: {  	[tilespmem:v3+s6+$0x0] =	vst.idx.msk $0xffff, v2  }
0x1f3: {  	s8 =	sadd.s32 $0xFFFFF3FF, s21;
	[tilespmem:v55+s6+$0x0] =	vst.idx.msk $0xffff, v4  }
0x1f4: {  	v3 =	vor.u32 s8, v0;
	v2 =	vld [tilespmem:s22+$0x4440]  }
0x1f5: {  	v56 =	vor.u32 s8, v1;
	v4 =	vld [tilespmem:s22+$0x4450];
	_ =	sdelay $0x3  }
0x1f6: {  	[tilespmem:v3+s6+$0x0] =	vst.idx.msk $0xffff, v2  }
0x1f7: {  	s25 =	sadd.s32 $0xFFFFF7FF, s21;
	[tilespmem:v56+s6+$0x0] =	vst.idx.msk $0xffff, v4  }
0x1f8: {  	v3 =	vor.u32 s25, v0;
	v2 =	vld [tilespmem:s22+$0x5440]  }
0x1f9: {  	v57 =	vor.u32 s25, v1;
	v4 =	vld [tilespmem:s22+$0x5450];
	_ =	sdelay $0x3  }
0x1fa: {  	[tilespmem:v3+s6+$0x0] =	vst.idx.msk $0xffff, v2  }
0x1fb: {  	s26 =	sadd.s32 $0xFFFFFBFF, s21;
	[tilespmem:v57+s6+$0x0] =	vst.idx.msk $0xffff, v4  }
0x1fc: {  	v3 =	vor.u32 s26, v0;
	v2 =	vld [tilespmem:s22+$0x6440]  }
0x1fd: {  	v58 =	vor.u32 s26, v1;
	v4 =	vld [tilespmem:s22+$0x6450];
	_ =	sdelay $0x3  }
0x1fe: {  	[tilespmem:v3+s6+$0x0] =	vst.idx.msk $0xffff, v2  }
0x1ff: {  	s8 =	sadd.s32 $0xFFFFFFFF, s21;
	[tilespmem:v58+s6+$0x0] =	vst.idx.msk $0xffff, v4  }
0x200: {  	v3 =	vor.u32 s8, v0;
	v2 =	vld [tilespmem:s22+$0x7440]  }
0x201: {  	v59 =	vor.u32 s8, v1;
	v4 =	vld [tilespmem:s22+$0x7450];
	_ =	sdelay $0x3  }
0x202: {  	[tilespmem:v3+s6+$0x0] =	vst.idx.msk $0xffff, v2  }
0x203: {  	s25 =	sadd.s32 $0xFFFFF400, s21;
	[tilespmem:v59+s6+$0x0] =	vst.idx.msk $0xffff, v4  }
0x204: {  	v3 =	vor.u32 s25, v0;
	v2 =	vld [tilespmem:s22+$0x4460]  }
0x205: {  	v60 =	vor.u32 s25, v1;
	v4 =	vld [tilespmem:s22+$0x4470];
	_ =	sdelay $0x3  }
0x206: {  	[tilespmem:v3+s6+$0x0] =	vst.idx.msk $0xffff, v2  }
0x207: {  	s26 =	sadd.s32 $0xFFFFF800, s21;
	[tilespmem:v60+s6+$0x0] =	vst.idx.msk $0xffff, v4  }
0x208: {  	v3 =	vor.u32 s26, v0;
	v2 =	vld [tilespmem:s22+$0x5460]  }
0x209: {  	v61 =	vor.u32 s26, v1;
	v4 =	vld [tilespmem:s22+$0x5470];
	_ =	sdelay $0x3  }
0x20a: {  	[tilespmem:v3+s6+$0x0] =	vst.idx.msk $0xffff, v2  }
0x20b: {  	s8 =	sadd.s32 $0xFFFFFC00, s21;
	[tilespmem:v61+s6+$0x0] =	vst.idx.msk $0xffff, v4  }
0x20c: {  	v3 =	vor.u32 s8, v0;
	v2 =	vld [tilespmem:s22+$0x6460]  }
0x20d: {  	v62 =	vor.u32 s8, v1;
	v4 =	vld [tilespmem:s22+$0x6470];
	_ =	sdelay $0x3  }
0x20e: {  	[tilespmem:v3+s6+$0x0] =	vst.idx.msk $0xffff, v2  }
0x20f: {  	[tilespmem:v62+s6+$0x0] =	vst.idx.msk $0xffff, v4  }
0x210: {  	v3 =	vor.u32 s21, v0;
	v2 =	vld [tilespmem:s22+$0x7460]  }
0x211: {  	v63 =	vor.u32 s21, v1;
	v4 =	vld [tilespmem:s22+$0x7470];
	_ =	sdelay $0x3  }
0x212: {  	[tilespmem:v3+s6+$0x0] =	vst.idx.msk $0xffff, v2  }
0x213: {  	s21 =	sadd.s32 s1, s14;
	[tilespmem:v63+s6+$0x0] =	vst.idx.msk $0xffff, v4  }
0x214: {  	[hbm4b:s21+s3] =	stream.linear.scatter [tilespmem:s6], [sflag:$0x4], $0x1000, $0x38;
	[tilespmem:$0x10400] =	vst v63  }
0x215: {  	s8 =	simm.s32 $0xD400;
	s22 =	sadd.s32 s1, s15  }
0x216: {  	[hbm4b:s22+s3] =	stream.linear.scatter [tilespmem:s8], [sflag:$0x4], $0x1000, $0x38;
	[tilespmem:$0x10400] =	vst v63  }
.Ltmp4:
0x217: {  	_ = 	snop;
	(pc) =	sbr.rel @p1 .LBB2_8-.Ltmp4, $4  }
0x218: {  	s25 =	sadd.s32 s1, s16  }
0x219: {  	[hbm4b:s25+s3] =	stream.linear.scatter [tilespmem:s29], [sflag:$0x4], $0x1000, $0x38;
	[tilespmem:$0x10400] =	vst v63  }
0x21a: {  	s26 =	sadd.s32 s1, s17  }
0x21b: {  	[hbm4b:s26+s3] =	stream.linear.scatter [tilespmem:s30], [sflag:$0x4], $0x1000, $0x38;
	[tilespmem:$0x10400] =	vst v63  }
0x21c: {  	s0 =	sadd.s32 s10, s0  }
0x21d: {  	s0 =	sshrl.u32 s0, $0x3  }
0x21e: {  	s0 =	sadd.s32 s4, s0  }
0x21f: {  	[tilespmem:s28], [sflag:$0x5] =	stream.linear.gather [hbm4b:s0+s3], $0x200, $0x38;
	[tilespmem:$0x10400] =	vst v63  }
0x220: {  	_ =	swait.ge [sflag:s19], $0x200  }
0x221: {  	[sflag:s19] =	ssyncset.done $0x0  }
0x222: {  	s2 =	simm.s32 $0x4400;
	[sflag:s19] =	ssyncadd.s32 $0xFFFFFE00  }
0x223: {  	[tilespmem:s2], [sflag:$0x2] =	stream.indirect.gather [hbm4b:s5+s20], $0x20, s28, s20, $0xb8;
	[tilespmem:$0x10400] =	vst v63  }
0x224: {  	s8 =	simm.s32 $0x280;
	s1 =	simm.s32 $0x5400  }
0x225: {  	[tilespmem:s1], [sflag:$0x2] =	stream.indirect.gather [hbm4b:s5+s20], $0x20, s8, s20, $0xb8;
	[tilespmem:$0x10400] =	vst v63  }
.Ltmp5:
0x226: {  	_ = 	snop;
	(pc) =	sbr.rel .LBB2_2-.Ltmp5, $4  }
0x227: {  	s21 =	simm.s32 $0x300;
	s22 =	simm.s32 $0x6400  }
0x228: {  	[tilespmem:s22], [sflag:$0x2] =	stream.indirect.gather [hbm4b:s5+s20], $0x20, s21, s20, $0xb8;
	[tilespmem:$0x10400] =	vst v63  }
0x229: {  	s25 =	simm.s32 $0x380;
	s26 =	simm.s32 $0x7400;
	s31 =	sadd.s32 $0x1, s31  }
0x22a: {  	[tilespmem:s26], [sflag:$0x2] =	stream.indirect.gather [hbm4b:s5+s20], $0x20, s25, s20, $0xb8;
	[tilespmem:$0x10400] =	vst v63  }
.LBB2_9:
0x22b: {  	_ =	sfence.sel $0x180000  }
0x22c: {  	[bflag:$0x0] =	sbarrier.arrive $0xFFFF  }
0x22d: {  	_ =	strace $0x90000047  }
0x22e: {  	s0 =	stileid.u32;
	[bflag:$0x2] =	sbarrier.arrive $0xFFFF  }
0x22f: {  	p0 =	sne.s32 s0, $0x0;
	s0 =	rddreg [dreg:$0x2]  }
0x230: {  	s0 =	sadd.s32 @!p0 $0x100000, s0  }
0x231: {  	[sflag:s0] =	ssyncadd.tile.s32 @!p0 $0x1;
	_ =	shalt  }
.Lfunc_end2:
_tile_overlayer_lowered:
.L_overlay_start_2:
0x232: {  	(tag) =	ssettag $0x2  }
0x233: {  	s0 =	rddreg [dreg:$0x0];
	s2 =	stileid.u32  }
0x234: {  	s1 =	rddreg [dreg:$0x1];
	p0 =	sne.s32 s2, $0x0  }
0x235: {  	s3 =	rddreg [dreg:$0x2];
	[bflag:$0x3] =	sbarrier.arrive $0xFFFF;
	s2 =	simm.s32 @!p0 $0x1C05  }
0x236: {  	[timem:s3], [sflag:s2] =	dma.local @!p0 [hbm:s0], s1  }
0x237: {  	s0 =	simm.s32 @!p0 $0x5  }
0x238: {  	_ =	swait.ge @!p0 [sflag:s0], s1  }
0x239: {  	s1 =	ssub.s32 @!p0 $0x0, s1;
	[sflag:s0] =	ssyncset.done @!p0 $0x0  }
0x23a: {  	[sflag:s0] =	ssyncadd.s32 @!p0 s1  }
0x23b: {  	[bflag:$0x3] =	sbarrier.arrive $0xFFFF  }
0x23c: {  	_ =	shalt  }

</sc_bundles>
